<compile_context>
chip_gen: v7x
topology: tpu7x:2x2x1
jax: 0.10.2.dev20260603
libtpu: 0.0.44.dev20260713+nightly
codegen_flags: <defaults>
</compile_context>

<pallas_src>
import functools

import jax
import jax.numpy as jnp
from jax import lax
from jax.experimental import pallas as pl
from jax.experimental.pallas import tpu as pltpu
from jax.experimental.pallas import tpu_sc as plsc

H = 768
F = 768
E = 64
T = 256
L = 16
NWORK = T // L


def _logits_body(x_ref, gw_ref, lt_ref):
    lt_ref[...] = lax.dot_general(
        gw_ref[...], x_ref[...],
        dimension_numbers=(((0,), (1,)), ((), ())),
        preferred_element_type=jnp.float32,
    )


def _routing_sc_body(lt_hbm, comb_hbm, lt_v, cvt):
    cid = lax.axis_index("c")
    sid = lax.axis_index("s")
    wid = sid * 2 + cid

    @pl.when(wid < NWORK)
    def _():
        pltpu.sync_copy(lt_hbm, lt_v)
        base = wid * L
        neg = jnp.full((L,), -3.0e38, jnp.float32)
        m1, m2 = neg, neg
        i1 = jnp.zeros((L,), jnp.int32)
        i2 = jnp.zeros((L,), jnp.int32)
        for e in range(E):
            v = lt_v[e, pl.ds(base, L)]
            gt1 = v > m1
            gt2 = v > m2
            i2 = jnp.where(gt1, i1, jnp.where(gt2, e, i2))
            m2 = jnp.where(gt1, m1, jnp.where(gt2, v, m2))
            i1 = jnp.where(gt1, e, i1)
            m1 = jnp.where(gt1, v, m1)
        w1 = 1.0 / (1.0 + jnp.exp(m2 - m1))
        ids = lax.iota(jnp.int32, L)
        gdn = lax.GatherDimensionNumbers(
            offset_dims=(), collapsed_slice_dims=(0,), start_index_map=(0,))

        def _bcast(v, t):
            idx = jnp.full((L, 1), t, jnp.int32)
            return lax.gather(v, idx, gdn, slice_sizes=(1,),
                              mode=lax.GatherScatterMode.PROMISE_IN_BOUNDS)

        for t in range(L):
            i1b = _bcast(i1, t)
            i2b = _bcast(i2, t)
            w1b = _bcast(w1, t)
            for c in range(E // L):
                ce = ids + (c * L)
                cvt[t, pl.ds(c * L, L)] = jnp.where(
                    ce == i1b, w1b, jnp.where(ce == i2b, 1.0 - w1b, 0.0))
        pltpu.sync_copy(cvt, comb_hbm.at[pl.ds(wid * L, L), :])


_routing_sc = functools.partial(
    pl.kernel,
    out_type=jax.ShapeDtypeStruct((T, E), jnp.float32),
    mesh=plsc.VectorSubcoreMesh(core_axis_name="c", subcore_axis_name="s"),
    scratch_types=[
        pltpu.VMEM((E, T), jnp.float32),
        pltpu.VMEM((L, E), jnp.float32),
    ],
)(_routing_sc_body)


NE = 2


def _moe_body(xb_ref, comb_ref, wg_ref, wu_ref, wd_ref, out_ref):
    blk = pl.program_id(0)
    xb = xb_ref[...]
    eids = blk * NE + lax.broadcasted_iota(jnp.int32, (1, NE), 1)
    onehot = (lax.broadcasted_iota(jnp.int32, (E, NE), 0) == eids
              ).astype(jnp.float32)
    ce = lax.dot(comb_ref[...], onehot,
                 preferred_element_type=jnp.float32)
    acc = jnp.zeros_like(out_ref)
    for j in range(NE):
        wg = wg_ref[j].astype(jnp.bfloat16)
        wu = wu_ref[j].astype(jnp.bfloat16)
        g = lax.dot(xb, wg, preferred_element_type=jnp.float32)
        u = lax.dot(xb, wu, preferred_element_type=jnp.float32)
        h = (g * lax.logistic(g)) * u
        wd = wd_ref[j].astype(jnp.bfloat16)
        y = lax.dot(h.astype(jnp.bfloat16), wd,
                    preferred_element_type=jnp.float32)
        acc = acc + ce[:, j:j + 1] * y

    @pl.when(blk == 0)
    def _():
        out_ref[...] = acc

    @pl.when(blk != 0)
    def _():
        out_ref[...] += acc


def kernel(hidden_states, gate_w, Wg, Wu, Wd):
    x = hidden_states.reshape(-1, H)

    logitsT = pl.pallas_call(
        _logits_body,
        out_shape=jax.ShapeDtypeStruct((E, T), jnp.float32),
    )(x, gate_w)

    comb = _routing_sc(logitsT)

    xb = x.astype(jnp.bfloat16)
    out = pl.pallas_call(
        _moe_body,
        grid=(E // NE,),
        in_specs=[
            pl.BlockSpec((T, H), lambda b: (0, 0)),
            pl.BlockSpec((T, E), lambda b: (0, 0)),
            pl.BlockSpec((NE, H, F), lambda b: (b, 0, 0)),
            pl.BlockSpec((NE, H, F), lambda b: (b, 0, 0)),
            pl.BlockSpec((NE, F, H), lambda b: (b, 0, 0)),
        ],
        out_specs=pl.BlockSpec((T, H), lambda b: (0, 0)),
        out_shape=jax.ShapeDtypeStruct((T, H), jnp.float32),
        compiler_params=pltpu.CompilerParams(
            dimension_semantics=("arbitrary",),
        ),
    )(xb, comb, Wg, Wu, Wd)
    return out

# --- scband reference (transcript-rebuilt; emitter-appended) ---
"""Pipeline reference for scband-fake-mo-e-41274635714717 (READ-ONLY COPY).

The authoritative reference and input builder live on the scoring server;
editing this copy changes nothing except your own understanding.
"""

import jax, jax.numpy as jnp
import numpy as np

HIDDEN = 768
FFN = 768
N_EXPERTS = 64
TOP_K = 2


def setup_inputs(seed: int = 0) -> dict:
    key = jax.random.key(seed)
    k0, k1, k2, k3, k4 = jax.random.split(key, 5)
    hidden_states = jax.random.normal(k0, (64, 4, HIDDEN), dtype=jnp.float32)
    # gate: nn.Linear(hidden, n_experts, bias=False); stored as [hidden, n_experts] (pre-transposed)
    gate_w = jax.random.normal(k1, (HIDDEN, N_EXPERTS), dtype=jnp.float32) * 0.02
    # expert weights stacked over experts, stored pre-transposed for x @ W
    Wg = jax.random.normal(k2, (N_EXPERTS, HIDDEN, FFN), dtype=jnp.float32) * 0.02
    Wu = jax.random.normal(k3, (N_EXPERTS, HIDDEN, FFN), dtype=jnp.float32) * 0.02
    Wd = jax.random.normal(k4, (N_EXPERTS, FFN, HIDDEN), dtype=jnp.float32) * 0.02
    return {"hidden_states": hidden_states, "gate_w": gate_w, "Wg": Wg, "Wu": Wu, "Wd": Wd}


def reference(hidden_states, gate_w, Wg, Wu, Wd):
    # flatten (B, T, H) -> (B*T, H), matching torch forward
    x = hidden_states.reshape(-1, hidden_states.shape[-1])
    logits = x @ gate_w                                  # [T, E]
    weights = jax.nn.softmax(logits, axis=-1)
    topk_w, topk_i = jax.lax.top_k(weights, TOP_K)       # [T, k]
    topk_w = topk_w / jnp.sum(topk_w, axis=-1, keepdims=True)
    E = Wg.shape[0]
    # per-token combine weight for each expert: sum_k topk_w[:,k] * 1[topk_i[:,k]==e]
    onehot = jax.nn.one_hot(topk_i, E, dtype=x.dtype)    # [T, k, E]
    comb = jnp.sum(topk_w[..., None] * onehot, axis=1)   # [T, E]
    out = jnp.zeros_like(x)
    for e in range(E):
        g = jax.nn.silu(x @ Wg[e])
        u = x @ Wu[e]
        exp_out = (g * u) @ Wd[e]                        # [T, H]
        out = out + comb[:, e:e + 1] * exp_out
    return out

if __name__ == "__main__":
    import jax
    _d = setup_inputs()
    print(jax.jit(kernel)(*tuple(_d.values())))

</pallas_src>

<mosaic_0001>
#map = affine_map<(d0, d1) -> (0, 0)>
module attributes {stable_mosaic.version = 14 : i64} {
  func.func @_routing_sc_body(%arg0: i32, %arg1: i32, %arg2: memref<64x256xf32, #tpu.memory_space<hbm>>, %arg3: memref<256x64xf32, #tpu.memory_space<hbm>>, %arg4: memref<64x256xf32, #tpu.memory_space<vmem>>, %arg5: memref<16x64xf32, #tpu.memory_space<vmem>>) attributes {dimension_semantics = [#tpu.dimension_semantics<core_parallel>, #tpu.dimension_semantics<subcore_parallel>], iteration_bounds = array<i64: 2, 16>, scalar_prefetch = 0 : i64, scratch_operands = 2 : i64, tpu.core_type = #tpu.core_type<sc_vector_subcore>, window_params = [{transform_indices = #map}, {transform_indices = #map}]} {
    %mul3A = arith.constant 2 : i32
    %mul3A_0 = arith.muli %arg1, %mul3A : i32
    %add3A = arith.addi %mul3A_0, %arg0 : i32
    %lt3A = arith.constant 16 : i32
    %lt3A_1 = arith.cmpi slt, %add3A, %lt3A : i32
    %convert_element_type3A = arith.extui %lt3A_1 : i1 to i32
    %cond3A = arith.constant 0 : i32
    %cond3A_2 = arith.cmpi ne, %convert_element_type3A, %cond3A : i32
    scf.if %cond3A_2 {
      "tpu.region"() ({
        %run_scoped3A = tpu.sem_alloc : memref<!tpu.dma_semaphore, #tpu.memory_space<semaphore_mem>>
        tpu.enqueue_dma source(%arg2 : memref<64x256xf32, #tpu.memory_space<hbm>>) target(%arg4 : memref<64x256xf32, #tpu.memory_space<vmem>>) target_semaphore(%run_scoped3A : memref<!tpu.dma_semaphore, #tpu.memory_space<semaphore_mem>>)
        tpu.wait_dma2 semaphore(%run_scoped3A : memref<!tpu.dma_semaphore, #tpu.memory_space<semaphore_mem>>) src(%arg2 : memref<64x256xf32, #tpu.memory_space<hbm>>) dst(%arg4 : memref<64x256xf32, #tpu.memory_space<vmem>>)
        tpu.yield
      }) : () -> ()
      %mul3A_3 = arith.constant 16 : i32
      %mul3A_4 = arith.muli %add3A, %mul3A_3 : i32
      %broadcast_in_dim3A = arith.constant -3.000000e+38 : f32
      %broadcast_in_dim3A_5 = vector.broadcast %broadcast_in_dim3A : f32 to vector<16xf32>
      %broadcast_in_dim3A_6 = arith.constant 0 : i32
      %broadcast_in_dim3A_7 = vector.broadcast %broadcast_in_dim3A_6 : i32 to vector<16xi32>
      %broadcast_in_dim3A_8 = arith.constant 0 : i32
      %broadcast_in_dim3A_9 = vector.broadcast %broadcast_in_dim3A_8 : i32 to vector<16xi32>
      %get3A = arith.constant 0 : i32
      %get3A_10 = arith.index_cast %get3A : i32 to index
      %get3A_11 = arith.index_cast %mul3A_4 : i32 to index
      %get3A_12 = tpu.vector_load %arg4[%get3A_10, %get3A_11] {strides = array<i32>} : memref<64x256xf32, #tpu.memory_space<vmem>>, vector<1x16xf32>,
      %get3A_13 = vector.shape_cast %get3A_12 : vector<1x16xf32> to vector<16xf32>
      %gt3A = arith.cmpf ogt, %get3A_13, %broadcast_in_dim3A_5 : vector<16xf32>
      %gt3A_14 = arith.cmpf ogt, %get3A_13, %broadcast_in_dim3A_5 : vector<16xf32>
      %jit3A = arith.constant 0 : i32
      %broadcast_in_dim3A_15 = vector.broadcast %jit3A : i32 to vector<16xi32>
      %select_n3A = arith.select %gt3A_14, %broadcast_in_dim3A_15, %broadcast_in_dim3A_9 : vector<16xi1>, vector<16xi32>
      %select_n3A_16 = arith.select %gt3A, %broadcast_in_dim3A_7, %select_n3A : vector<16xi1>, vector<16xi32>
      %select_n3A_17 = arith.select %gt3A_14, %get3A_13, %broadcast_in_dim3A_5 : vector<16xi1>, vector<16xf32>
      %select_n3A_18 = arith.select %gt3A, %broadcast_in_dim3A_5, %select_n3A_17 : vector<16xi1>, vector<16xf32>
      %jit3A_19 = arith.constant 0 : i32
      %broadcast_in_dim3A_20 = vector.broadcast %jit3A_19 : i32 to vector<16xi32>
      %select_n3A_21 = arith.select %gt3A, %broadcast_in_dim3A_20, %broadcast_in_dim3A_7 : vector<16xi1>, vector<16xi32>
      %select_n3A_22 = arith.select %gt3A, %get3A_13, %broadcast_in_dim3A_5 : vector<16xi1>, vector<16xf32>
      %get3A_23 = arith.constant 1 : i32
      %get3A_24 = arith.index_cast %get3A_23 : i32 to index
      %get3A_25 = arith.index_cast %mul3A_4 : i32 to index
      %get3A_26 = tpu.vector_load %arg4[%get3A_24, %get3A_25] {strides = array<i32>} : memref<64x256xf32, #tpu.memory_space<vmem>>, vector<1x16xf32>,
      %get3A_27 = vector.shape_cast %get3A_26 : vector<1x16xf32> to vector<16xf32>
      %gt3A_28 = arith.cmpf ogt, %get3A_27, %select_n3A_22 : vector<16xf32>
      %gt3A_29 = arith.cmpf ogt, %get3A_27, %select_n3A_18 : vector<16xf32>
      %jit3A_30 = arith.constant 1 : i32
      %broadcast_in_dim3A_31 = vector.broadcast %jit3A_30 : i32 to vector<16xi32>
      %select_n3A_32 = arith.select %gt3A_29, %broadcast_in_dim3A_31, %select_n3A_16 : vector<16xi1>, vector<16xi32>
      %select_n3A_33 = arith.select %gt3A_28, %select_n3A_21, %select_n3A_32 : vector<16xi1>, vector<16xi32>
      %select_n3A_34 = arith.select %gt3A_29, %get3A_27, %select_n3A_18 : vector<16xi1>, vector<16xf32>
      %select_n3A_35 = arith.select %gt3A_28, %select_n3A_22, %select_n3A_34 : vector<16xi1>, vector<16xf32>
      %jit3A_36 = arith.constant 1 : i32
      %broadcast_in_dim3A_37 = vector.broadcast %jit3A_36 : i32 to vector<16xi32>
      %select_n3A_38 = arith.select %gt3A_28, %broadcast_in_dim3A_37, %select_n3A_21 : vector<16xi1>, vector<16xi32>
      %select_n3A_39 = arith.select %gt3A_28, %get3A_27, %select_n3A_22 : vector<16xi1>, vector<16xf32>
      %get3A_40 = arith.constant 2 : i32
      %get3A_41 = arith.index_cast %get3A_40 : i32 to index
      %get3A_42 = arith.index_cast %mul3A_4 : i32 to index
      %get3A_43 = tpu.vector_load %arg4[%get3A_41, %get3A_42] {strides = array<i32>} : memref<64x256xf32, #tpu.memory_space<vmem>>, vector<1x16xf32>,
      %get3A_44 = vector.shape_cast %get3A_43 : vector<1x16xf32> to vector<16xf32>
      %gt3A_45 = arith.cmpf ogt, %get3A_44, %select_n3A_39 : vector<16xf32>
      %gt3A_46 = arith.cmpf ogt, %get3A_44, %select_n3A_35 : vector<16xf32>
      %jit3A_47 = arith.constant 2 : i32
      %broadcast_in_dim3A_48 = vector.broadcast %jit3A_47 : i32 to vector<16xi32>
      %select_n3A_49 = arith.select %gt3A_46, %broadcast_in_dim3A_48, %select_n3A_33 : vector<16xi1>, vector<16xi32>
      %select_n3A_50 = arith.select %gt3A_45, %select_n3A_38, %select_n3A_49 : vector<16xi1>, vector<16xi32>
      %select_n3A_51 = arith.select %gt3A_46, %get3A_44, %select_n3A_35 : vector<16xi1>, vector<16xf32>
      %select_n3A_52 = arith.select %gt3A_45, %select_n3A_39, %select_n3A_51 : vector<16xi1>, vector<16xf32>
      %jit3A_53 = arith.constant 2 : i32
      %broadcast_in_dim3A_54 = vector.broadcast %jit3A_53 : i32 to vector<16xi32>
      %select_n3A_55 = arith.select %gt3A_45, %broadcast_in_dim3A_54, %select_n3A_38 : vector<16xi1>, vector<16xi32>
      %select_n3A_56 = arith.select %gt3A_45, %get3A_44, %select_n3A_39 : vector<16xi1>, vector<16xf32>
      %get3A_57 = arith.constant 3 : i32
      %get3A_58 = arith.index_cast %get3A_57 : i32 to index
      %get3A_59 = arith.index_cast %mul3A_4 : i32 to index
      %get3A_60 = tpu.vector_load %arg4[%get3A_58, %get3A_59] {strides = array<i32>} : memref<64x256xf32, #tpu.memory_space<vmem>>, vector<1x16xf32>,
      %get3A_61 = vector.shape_cast %get3A_60 : vector<1x16xf32> to vector<16xf32>
      %gt3A_62 = arith.cmpf ogt, %get3A_61, %select_n3A_56 : vector<16xf32>
      %gt3A_63 = arith.cmpf ogt, %get3A_61, %select_n3A_52 : vector<16xf32>
      %jit3A_64 = arith.constant 3 : i32
      %broadcast_in_dim3A_65 = vector.broadcast %jit3A_64 : i32 to vector<16xi32>
      %select_n3A_66 = arith.select %gt3A_63, %broadcast_in_dim3A_65, %select_n3A_50 : vector<16xi1>, vector<16xi32>
      %select_n3A_67 = arith.select %gt3A_62, %select_n3A_55, %select_n3A_66 : vector<16xi1>, vector<16xi32>
      %select_n3A_68 = arith.select %gt3A_63, %get3A_61, %select_n3A_52 : vector<16xi1>, vector<16xf32>
      %select_n3A_69 = arith.select %gt3A_62, %select_n3A_56, %select_n3A_68 : vector<16xi1>, vector<16xf32>
      %jit3A_70 = arith.constant 3 : i32
      %broadcast_in_dim3A_71 = vector.broadcast %jit3A_70 : i32 to vector<16xi32>
      %select_n3A_72 = arith.select %gt3A_62, %broadcast_in_dim3A_71, %select_n3A_55 : vector<16xi1>, vector<16xi32>
      %select_n3A_73 = arith.select %gt3A_62, %get3A_61, %select_n3A_56 : vector<16xi1>, vector<16xf32>
      %get3A_74 = arith.constant 4 : i32
      %get3A_75 = arith.index_cast %get3A_74 : i32 to index
      %get3A_76 = arith.index_cast %mul3A_4 : i32 to index
      %get3A_77 = tpu.vector_load %arg4[%get3A_75, %get3A_76] {strides = array<i32>} : memref<64x256xf32, #tpu.memory_space<vmem>>, vector<1x16xf32>,
      %get3A_78 = vector.shape_cast %get3A_77 : vector<1x16xf32> to vector<16xf32>
      %gt3A_79 = arith.cmpf ogt, %get3A_78, %select_n3A_73 : vector<16xf32>
      %gt3A_80 = arith.cmpf ogt, %get3A_78, %select_n3A_69 : vector<16xf32>
      %jit3A_81 = arith.constant 4 : i32
      %broadcast_in_dim3A_82 = vector.broadcast %jit3A_81 : i32 to vector<16xi32>
      %select_n3A_83 = arith.select %gt3A_80, %broadcast_in_dim3A_82, %select_n3A_67 : vector<16xi1>, vector<16xi32>
      %select_n3A_84 = arith.select %gt3A_79, %select_n3A_72, %select_n3A_83 : vector<16xi1>, vector<16xi32>
      %select_n3A_85 = arith.select %gt3A_80, %get3A_78, %select_n3A_69 : vector<16xi1>, vector<16xf32>
      %select_n3A_86 = arith.select %gt3A_79, %select_n3A_73, %select_n3A_85 : vector<16xi1>, vector<16xf32>
      %jit3A_87 = arith.constant 4 : i32
      %broadcast_in_dim3A_88 = vector.broadcast %jit3A_87 : i32 to vector<16xi32>
      %select_n3A_89 = arith.select %gt3A_79, %broadcast_in_dim3A_88, %select_n3A_72 : vector<16xi1>, vector<16xi32>
      %select_n3A_90 = arith.select %gt3A_79, %get3A_78, %select_n3A_73 : vector<16xi1>, vector<16xf32>
      %get3A_91 = arith.constant 5 : i32
      %get3A_92 = arith.index_cast %get3A_91 : i32 to index
      %get3A_93 = arith.index_cast %mul3A_4 : i32 to index
      %get3A_94 = tpu.vector_load %arg4[%get3A_92, %get3A_93] {strides = array<i32>} : memref<64x256xf32, #tpu.memory_space<vmem>>, vector<1x16xf32>,
      %get3A_95 = vector.shape_cast %get3A_94 : vector<1x16xf32> to vector<16xf32>
      %gt3A_96 = arith.cmpf ogt, %get3A_95, %select_n3A_90 : vector<16xf32>
      %gt3A_97 = arith.cmpf ogt, %get3A_95, %select_n3A_86 : vector<16xf32>
      %jit3A_98 = arith.constant 5 : i32
      %broadcast_in_dim3A_99 = vector.broadcast %jit3A_98 : i32 to vector<16xi32>
      %select_n3A_100 = arith.select %gt3A_97, %broadcast_in_dim3A_99, %select_n3A_84 : vector<16xi1>, vector<16xi32>
      %select_n3A_101 = arith.select %gt3A_96, %select_n3A_89, %select_n3A_100 : vector<16xi1>, vector<16xi32>
      %select_n3A_102 = arith.select %gt3A_97, %get3A_95, %select_n3A_86 : vector<16xi1>, vector<16xf32>
      %select_n3A_103 = arith.select %gt3A_96, %select_n3A_90, %select_n3A_102 : vector<16xi1>, vector<16xf32>
      %jit3A_104 = arith.constant 5 : i32
      %broadcast_in_dim3A_105 = vector.broadcast %jit3A_104 : i32 to vector<16xi32>
      %select_n3A_106 = arith.select %gt3A_96, %broadcast_in_dim3A_105, %select_n3A_89 : vector<16xi1>, vector<16xi32>
      %select_n3A_107 = arith.select %gt3A_96, %get3A_95, %select_n3A_90 : vector<16xi1>, vector<16xf32>
      %get3A_108 = arith.constant 6 : i32
      %get3A_109 = arith.index_cast %get3A_108 : i32 to index
      %get3A_110 = arith.index_cast %mul3A_4 : i32 to index
      %get3A_111 = tpu.vector_load %arg4[%get3A_109, %get3A_110] {strides = array<i32>} : memref<64x256xf32, #tpu.memory_space<vmem>>, vector<1x16xf32>,
      %get3A_112 = vector.shape_cast %get3A_111 : vector<1x16xf32> to vector<16xf32>
      %gt3A_113 = arith.cmpf ogt, %get3A_112, %select_n3A_107 : vector<16xf32>
      %gt3A_114 = arith.cmpf ogt, %get3A_112, %select_n3A_103 : vector<16xf32>
      %jit3A_115 = arith.constant 6 : i32
      %broadcast_in_dim3A_116 = vector.broadcast %jit3A_115 : i32 to vector<16xi32>
      %select_n3A_117 = arith.select %gt3A_114, %broadcast_in_dim3A_116, %select_n3A_101 : vector<16xi1>, vector<16xi32>
      %select_n3A_118 = arith.select %gt3A_113, %select_n3A_106, %select_n3A_117 : vector<16xi1>, vector<16xi32>
      %select_n3A_119 = arith.select %gt3A_114, %get3A_112, %select_n3A_103 : vector<16xi1>, vector<16xf32>
      %select_n3A_120 = arith.select %gt3A_113, %select_n3A_107, %select_n3A_119 : vector<16xi1>, vector<16xf32>
      %jit3A_121 = arith.constant 6 : i32
      %broadcast_in_dim3A_122 = vector.broadcast %jit3A_121 : i32 to vector<16xi32>
      %select_n3A_123 = arith.select %gt3A_113, %broadcast_in_dim3A_122, %select_n3A_106 : vector<16xi1>, vector<16xi32>
      %select_n3A_124 = arith.select %gt3A_113, %get3A_112, %select_n3A_107 : vector<16xi1>, vector<16xf32>
      %get3A_125 = arith.constant 7 : i32
      %get3A_126 = arith.index_cast %get3A_125 : i32 to index
      %get3A_127 = arith.index_cast %mul3A_4 : i32 to index
      %get3A_128 = tpu.vector_load %arg4[%get3A_126, %get3A_127] {strides = array<i32>} : memref<64x256xf32, #tpu.memory_space<vmem>>, vector<1x16xf32>,
      %get3A_129 = vector.shape_cast %get3A_128 : vector<1x16xf32> to vector<16xf32>
      %gt3A_130 = arith.cmpf ogt, %get3A_129, %select_n3A_124 : vector<16xf32>
      %gt3A_131 = arith.cmpf ogt, %get3A_129, %select_n3A_120 : vector<16xf32>
      %jit3A_132 = arith.constant 7 : i32
      %broadcast_in_dim3A_133 = vector.broadcast %jit3A_132 : i32 to vector<16xi32>
      %select_n3A_134 = arith.select %gt3A_131, %broadcast_in_dim3A_133, %select_n3A_118 : vector<16xi1>, vector<16xi32>
      %select_n3A_135 = arith.select %gt3A_130, %select_n3A_123, %select_n3A_134 : vector<16xi1>, vector<16xi32>
      %select_n3A_136 = arith.select %gt3A_131, %get3A_129, %select_n3A_120 : vector<16xi1>, vector<16xf32>
      %select_n3A_137 = arith.select %gt3A_130, %select_n3A_124, %select_n3A_136 : vector<16xi1>, vector<16xf32>
      %jit3A_138 = arith.constant 7 : i32
      %broadcast_in_dim3A_139 = vector.broadcast %jit3A_138 : i32 to vector<16xi32>
      %select_n3A_140 = arith.select %gt3A_130, %broadcast_in_dim3A_139, %select_n3A_123 : vector<16xi1>, vector<16xi32>
      %select_n3A_141 = arith.select %gt3A_130, %get3A_129, %select_n3A_124 : vector<16xi1>, vector<16xf32>
      %get3A_142 = arith.constant 8 : i32
      %get3A_143 = arith.index_cast %get3A_142 : i32 to index
      %get3A_144 = arith.index_cast %mul3A_4 : i32 to index
      %get3A_145 = tpu.vector_load %arg4[%get3A_143, %get3A_144] {strides = array<i32>} : memref<64x256xf32, #tpu.memory_space<vmem>>, vector<1x16xf32>,
      %get3A_146 = vector.shape_cast %get3A_145 : vector<1x16xf32> to vector<16xf32>
      %gt3A_147 = arith.cmpf ogt, %get3A_146, %select_n3A_141 : vector<16xf32>
      %gt3A_148 = arith.cmpf ogt, %get3A_146, %select_n3A_137 : vector<16xf32>
      %jit3A_149 = arith.constant 8 : i32
      %broadcast_in_dim3A_150 = vector.broadcast %jit3A_149 : i32 to vector<16xi32>
      %select_n3A_151 = arith.select %gt3A_148, %broadcast_in_dim3A_150, %select_n3A_135 : vector<16xi1>, vector<16xi32>
      %select_n3A_152 = arith.select %gt3A_147, %select_n3A_140, %select_n3A_151 : vector<16xi1>, vector<16xi32>
      %select_n3A_153 = arith.select %gt3A_148, %get3A_146, %select_n3A_137 : vector<16xi1>, vector<16xf32>
      %select_n3A_154 = arith.select %gt3A_147, %select_n3A_141, %select_n3A_153 : vector<16xi1>, vector<16xf32>
      %jit3A_155 = arith.constant 8 : i32
      %broadcast_in_dim3A_156 = vector.broadcast %jit3A_155 : i32 to vector<16xi32>
      %select_n3A_157 = arith.select %gt3A_147, %broadcast_in_dim3A_156, %select_n3A_140 : vector<16xi1>, vector<16xi32>
      %select_n3A_158 = arith.select %gt3A_147, %get3A_146, %select_n3A_141 : vector<16xi1>, vector<16xf32>
      %get3A_159 = arith.constant 9 : i32
      %get3A_160 = arith.index_cast %get3A_159 : i32 to index
      %get3A_161 = arith.index_cast %mul3A_4 : i32 to index
      %get3A_162 = tpu.vector_load %arg4[%get3A_160, %get3A_161] {strides = array<i32>} : memref<64x256xf32, #tpu.memory_space<vmem>>, vector<1x16xf32>,
      %get3A_163 = vector.shape_cast %get3A_162 : vector<1x16xf32> to vector<16xf32>
      %gt3A_164 = arith.cmpf ogt, %get3A_163, %select_n3A_158 : vector<16xf32>
      %gt3A_165 = arith.cmpf ogt, %get3A_163, %select_n3A_154 : vector<16xf32>
      %jit3A_166 = arith.constant 9 : i32
      %broadcast_in_dim3A_167 = vector.broadcast %jit3A_166 : i32 to vector<16xi32>
      %select_n3A_168 = arith.select %gt3A_165, %broadcast_in_dim3A_167, %select_n3A_152 : vector<16xi1>, vector<16xi32>
      %select_n3A_169 = arith.select %gt3A_164, %select_n3A_157, %select_n3A_168 : vector<16xi1>, vector<16xi32>
      %select_n3A_170 = arith.select %gt3A_165, %get3A_163, %select_n3A_154 : vector<16xi1>, vector<16xf32>
      %select_n3A_171 = arith.select %gt3A_164, %select_n3A_158, %select_n3A_170 : vector<16xi1>, vector<16xf32>
      %jit3A_172 = arith.constant 9 : i32
      %broadcast_in_dim3A_173 = vector.broadcast %jit3A_172 : i32 to vector<16xi32>
      %select_n3A_174 = arith.select %gt3A_164, %broadcast_in_dim3A_173, %select_n3A_157 : vector<16xi1>, vector<16xi32>
      %select_n3A_175 = arith.select %gt3A_164, %get3A_163, %select_n3A_158 : vector<16xi1>, vector<16xf32>
      %get3A_176 = arith.constant 10 : i32
      %get3A_177 = arith.index_cast %get3A_176 : i32 to index
      %get3A_178 = arith.index_cast %mul3A_4 : i32 to index
      %get3A_179 = tpu.vector_load %arg4[%get3A_177, %get3A_178] {strides = array<i32>} : memref<64x256xf32, #tpu.memory_space<vmem>>, vector<1x16xf32>,
      %get3A_180 = vector.shape_cast %get3A_179 : vector<1x16xf32> to vector<16xf32>
      %gt3A_181 = arith.cmpf ogt, %get3A_180, %select_n3A_175 : vector<16xf32>
      %gt3A_182 = arith.cmpf ogt, %get3A_180, %select_n3A_171 : vector<16xf32>
      %jit3A_183 = arith.constant 10 : i32
      %broadcast_in_dim3A_184 = vector.broadcast %jit3A_183 : i32 to vector<16xi32>
      %select_n3A_185 = arith.select %gt3A_182, %broadcast_in_dim3A_184, %select_n3A_169 : vector<16xi1>, vector<16xi32>
      %select_n3A_186 = arith.select %gt3A_181, %select_n3A_174, %select_n3A_185 : vector<16xi1>, vector<16xi32>
      %select_n3A_187 = arith.select %gt3A_182, %get3A_180, %select_n3A_171 : vector<16xi1>, vector<16xf32>
      %select_n3A_188 = arith.select %gt3A_181, %select_n3A_175, %select_n3A_187 : vector<16xi1>, vector<16xf32>
      %jit3A_189 = arith.constant 10 : i32
      %broadcast_in_dim3A_190 = vector.broadcast %jit3A_189 : i32 to vector<16xi32>
      %select_n3A_191 = arith.select %gt3A_181, %broadcast_in_dim3A_190, %select_n3A_174 : vector<16xi1>, vector<16xi32>
      %select_n3A_192 = arith.select %gt3A_181, %get3A_180, %select_n3A_175 : vector<16xi1>, vector<16xf32>
      %get3A_193 = arith.constant 11 : i32
      %get3A_194 = arith.index_cast %get3A_193 : i32 to index
      %get3A_195 = arith.index_cast %mul3A_4 : i32 to index
      %get3A_196 = tpu.vector_load %arg4[%get3A_194, %get3A_195] {strides = array<i32>} : memref<64x256xf32, #tpu.memory_space<vmem>>, vector<1x16xf32>,
      %get3A_197 = vector.shape_cast %get3A_196 : vector<1x16xf32> to vector<16xf32>
      %gt3A_198 = arith.cmpf ogt, %get3A_197, %select_n3A_192 : vector<16xf32>
      %gt3A_199 = arith.cmpf ogt, %get3A_197, %select_n3A_188 : vector<16xf32>
      %jit3A_200 = arith.constant 11 : i32
      %broadcast_in_dim3A_201 = vector.broadcast %jit3A_200 : i32 to vector<16xi32>
      %select_n3A_202 = arith.select %gt3A_199, %broadcast_in_dim3A_201, %select_n3A_186 : vector<16xi1>, vector<16xi32>
      %select_n3A_203 = arith.select %gt3A_198, %select_n3A_191, %select_n3A_202 : vector<16xi1>, vector<16xi32>
      %select_n3A_204 = arith.select %gt3A_199, %get3A_197, %select_n3A_188 : vector<16xi1>, vector<16xf32>
      %select_n3A_205 = arith.select %gt3A_198, %select_n3A_192, %select_n3A_204 : vector<16xi1>, vector<16xf32>
      %jit3A_206 = arith.constant 11 : i32
      %broadcast_in_dim3A_207 = vector.broadcast %jit3A_206 : i32 to vector<16xi32>
      %select_n3A_208 = arith.select %gt3A_198, %broadcast_in_dim3A_207, %select_n3A_191 : vector<16xi1>, vector<16xi32>
      %select_n3A_209 = arith.select %gt3A_198, %get3A_197, %select_n3A_192 : vector<16xi1>, vector<16xf32>
      %get3A_210 = arith.constant 12 : i32
      %get3A_211 = arith.index_cast %get3A_210 : i32 to index
      %get3A_212 = arith.index_cast %mul3A_4 : i32 to index
      %get3A_213 = tpu.vector_load %arg4[%get3A_211, %get3A_212] {strides = array<i32>} : memref<64x256xf32, #tpu.memory_space<vmem>>, vector<1x16xf32>,
      %get3A_214 = vector.shape_cast %get3A_213 : vector<1x16xf32> to vector<16xf32>
      %gt3A_215 = arith.cmpf ogt, %get3A_214, %select_n3A_209 : vector<16xf32>
      %gt3A_216 = arith.cmpf ogt, %get3A_214, %select_n3A_205 : vector<16xf32>
      %jit3A_217 = arith.constant 12 : i32
      %broadcast_in_dim3A_218 = vector.broadcast %jit3A_217 : i32 to vector<16xi32>
      %select_n3A_219 = arith.select %gt3A_216, %broadcast_in_dim3A_218, %select_n3A_203 : vector<16xi1>, vector<16xi32>
      %select_n3A_220 = arith.select %gt3A_215, %select_n3A_208, %select_n3A_219 : vector<16xi1>, vector<16xi32>
      %select_n3A_221 = arith.select %gt3A_216, %get3A_214, %select_n3A_205 : vector<16xi1>, vector<16xf32>
      %select_n3A_222 = arith.select %gt3A_215, %select_n3A_209, %select_n3A_221 : vector<16xi1>, vector<16xf32>
      %jit3A_223 = arith.constant 12 : i32
      %broadcast_in_dim3A_224 = vector.broadcast %jit3A_223 : i32 to vector<16xi32>
      %select_n3A_225 = arith.select %gt3A_215, %broadcast_in_dim3A_224, %select_n3A_208 : vector<16xi1>, vector<16xi32>
      %select_n3A_226 = arith.select %gt3A_215, %get3A_214, %select_n3A_209 : vector<16xi1>, vector<16xf32>
      %get3A_227 = arith.constant 13 : i32
      %get3A_228 = arith.index_cast %get3A_227 : i32 to index
      %get3A_229 = arith.index_cast %mul3A_4 : i32 to index
      %get3A_230 = tpu.vector_load %arg4[%get3A_228, %get3A_229] {strides = array<i32>} : memref<64x256xf32, #tpu.memory_space<vmem>>, vector<1x16xf32>,
      %get3A_231 = vector.shape_cast %get3A_230 : vector<1x16xf32> to vector<16xf32>
      %gt3A_232 = arith.cmpf ogt, %get3A_231, %select_n3A_226 : vector<16xf32>
      %gt3A_233 = arith.cmpf ogt, %get3A_231, %select_n3A_222 : vector<16xf32>
      %jit3A_234 = arith.constant 13 : i32
      %broadcast_in_dim3A_235 = vector.broadcast %jit3A_234 : i32 to vector<16xi32>
      %select_n3A_236 = arith.select %gt3A_233, %broadcast_in_dim3A_235, %select_n3A_220 : vector<16xi1>, vector<16xi32>
      %select_n3A_237 = arith.select %gt3A_232, %select_n3A_225, %select_n3A_236 : vector<16xi1>, vector<16xi32>
      %select_n3A_238 = arith.select %gt3A_233, %get3A_231, %select_n3A_222 : vector<16xi1>, vector<16xf32>
      %select_n3A_239 = arith.select %gt3A_232, %select_n3A_226, %select_n3A_238 : vector<16xi1>, vector<16xf32>
      %jit3A_240 = arith.constant 13 : i32
      %broadcast_in_dim3A_241 = vector.broadcast %jit3A_240 : i32 to vector<16xi32>
      %select_n3A_242 = arith.select %gt3A_232, %broadcast_in_dim3A_241, %select_n3A_225 : vector<16xi1>, vector<16xi32>
      %select_n3A_243 = arith.select %gt3A_232, %get3A_231, %select_n3A_226 : vector<16xi1>, vector<16xf32>
      %get3A_244 = arith.constant 14 : i32
      %get3A_245 = arith.index_cast %get3A_244 : i32 to index
      %get3A_246 = arith.index_cast %mul3A_4 : i32 to index
      %get3A_247 = tpu.vector_load %arg4[%get3A_245, %get3A_246] {strides = array<i32>} : memref<64x256xf32, #tpu.memory_space<vmem>>, vector<1x16xf32>,
      %get3A_248 = vector.shape_cast %get3A_247 : vector<1x16xf32> to vector<16xf32>
      %gt3A_249 = arith.cmpf ogt, %get3A_248, %select_n3A_243 : vector<16xf32>
      %gt3A_250 = arith.cmpf ogt, %get3A_248, %select_n3A_239 : vector<16xf32>
      %jit3A_251 = arith.constant 14 : i32
      %broadcast_in_dim3A_252 = vector.broadcast %jit3A_251 : i32 to vector<16xi32>
      %select_n3A_253 = arith.select %gt3A_250, %broadcast_in_dim3A_252, %select_n3A_237 : vector<16xi1>, vector<16xi32>
      %select_n3A_254 = arith.select %gt3A_249, %select_n3A_242, %select_n3A_253 : vector<16xi1>, vector<16xi32>
      %select_n3A_255 = arith.select %gt3A_250, %get3A_248, %select_n3A_239 : vector<16xi1>, vector<16xf32>
      %select_n3A_256 = arith.select %gt3A_249, %select_n3A_243, %select_n3A_255 : vector<16xi1>, vector<16xf32>
      %jit3A_257 = arith.constant 14 : i32
      %broadcast_in_dim3A_258 = vector.broadcast %jit3A_257 : i32 to vector<16xi32>
      %select_n3A_259 = arith.select %gt3A_249, %broadcast_in_dim3A_258, %select_n3A_242 : vector<16xi1>, vector<16xi32>
      %select_n3A_260 = arith.select %gt3A_249, %get3A_248, %select_n3A_243 : vector<16xi1>, vector<16xf32>
      %get3A_261 = arith.constant 15 : i32
      %get3A_262 = arith.index_cast %get3A_261 : i32 to index
      %get3A_263 = arith.index_cast %mul3A_4 : i32 to index
      %get3A_264 = tpu.vector_load %arg4[%get3A_262, %get3A_263] {strides = array<i32>} : memref<64x256xf32, #tpu.memory_space<vmem>>, vector<1x16xf32>,
      %get3A_265 = vector.shape_cast %get3A_264 : vector<1x16xf32> to vector<16xf32>
      %gt3A_266 = arith.cmpf ogt, %get3A_265, %select_n3A_260 : vector<16xf32>
      %gt3A_267 = arith.cmpf ogt, %get3A_265, %select_n3A_256 : vector<16xf32>
      %jit3A_268 = arith.constant 15 : i32
      %broadcast_in_dim3A_269 = vector.broadcast %jit3A_268 : i32 to vector<16xi32>
      %select_n3A_270 = arith.select %gt3A_267, %broadcast_in_dim3A_269, %select_n3A_254 : vector<16xi1>, vector<16xi32>
      %select_n3A_271 = arith.select %gt3A_266, %select_n3A_259, %select_n3A_270 : vector<16xi1>, vector<16xi32>
      %select_n3A_272 = arith.select %gt3A_267, %get3A_265, %select_n3A_256 : vector<16xi1>, vector<16xf32>
      %select_n3A_273 = arith.select %gt3A_266, %select_n3A_260, %select_n3A_272 : vector<16xi1>, vector<16xf32>
      %jit3A_274 = arith.constant 15 : i32
      %broadcast_in_dim3A_275 = vector.broadcast %jit3A_274 : i32 to vector<16xi32>
      %select_n3A_276 = arith.select %gt3A_266, %broadcast_in_dim3A_275, %select_n3A_259 : vector<16xi1>, vector<16xi32>
      %select_n3A_277 = arith.select %gt3A_266, %get3A_265, %select_n3A_260 : vector<16xi1>, vector<16xf32>
      %get3A_278 = arith.constant 16 : i32
      %get3A_279 = arith.index_cast %get3A_278 : i32 to index
      %get3A_280 = arith.index_cast %mul3A_4 : i32 to index
      %get3A_281 = tpu.vector_load %arg4[%get3A_279, %get3A_280] {strides = array<i32>} : memref<64x256xf32, #tpu.memory_space<vmem>>, vector<1x16xf32>,
      %get3A_282 = vector.shape_cast %get3A_281 : vector<1x16xf32> to vector<16xf32>
      %gt3A_283 = arith.cmpf ogt, %get3A_282, %select_n3A_277 : vector<16xf32>
      %gt3A_284 = arith.cmpf ogt, %get3A_282, %select_n3A_273 : vector<16xf32>
      %jit3A_285 = arith.constant 16 : i32
      %broadcast_in_dim3A_286 = vector.broadcast %jit3A_285 : i32 to vector<16xi32>
      %select_n3A_287 = arith.select %gt3A_284, %broadcast_in_dim3A_286, %select_n3A_271 : vector<16xi1>, vector<16xi32>
      %select_n3A_288 = arith.select %gt3A_283, %select_n3A_276, %select_n3A_287 : vector<16xi1>, vector<16xi32>
      %select_n3A_289 = arith.select %gt3A_284, %get3A_282, %select_n3A_273 : vector<16xi1>, vector<16xf32>
      %select_n3A_290 = arith.select %gt3A_283, %select_n3A_277, %select_n3A_289 : vector<16xi1>, vector<16xf32>
      %jit3A_291 = arith.constant 16 : i32
      %broadcast_in_dim3A_292 = vector.broadcast %jit3A_291 : i32 to vector<16xi32>
      %select_n3A_293 = arith.select %gt3A_283, %broadcast_in_dim3A_292, %select_n3A_276 : vector<16xi1>, vector<16xi32>
      %select_n3A_294 = arith.select %gt3A_283, %get3A_282, %select_n3A_277 : vector<16xi1>, vector<16xf32>
      %get3A_295 = arith.constant 17 : i32
      %get3A_296 = arith.index_cast %get3A_295 : i32 to index
      %get3A_297 = arith.index_cast %mul3A_4 : i32 to index
      %get3A_298 = tpu.vector_load %arg4[%get3A_296, %get3A_297] {strides = array<i32>} : memref<64x256xf32, #tpu.memory_space<vmem>>, vector<1x16xf32>,
      %get3A_299 = vector.shape_cast %get3A_298 : vector<1x16xf32> to vector<16xf32>
      %gt3A_300 = arith.cmpf ogt, %get3A_299, %select_n3A_294 : vector<16xf32>
      %gt3A_301 = arith.cmpf ogt, %get3A_299, %select_n3A_290 : vector<16xf32>
      %jit3A_302 = arith.constant 17 : i32
      %broadcast_in_dim3A_303 = vector.broadcast %jit3A_302 : i32 to vector<16xi32>
      %select_n3A_304 = arith.select %gt3A_301, %broadcast_in_dim3A_303, %select_n3A_288 : vector<16xi1>, vector<16xi32>
      %select_n3A_305 = arith.select %gt3A_300, %select_n3A_293, %select_n3A_304 : vector<16xi1>, vector<16xi32>
      %select_n3A_306 = arith.select %gt3A_301, %get3A_299, %select_n3A_290 : vector<16xi1>, vector<16xf32>
      %select_n3A_307 = arith.select %gt3A_300, %select_n3A_294, %select_n3A_306 : vector<16xi1>, vector<16xf32>
      %jit3A_308 = arith.constant 17 : i32
      %broadcast_in_dim3A_309 = vector.broadcast %jit3A_308 : i32 to vector<16xi32>
      %select_n3A_310 = arith.select %gt3A_300, %broadcast_in_dim3A_309, %select_n3A_293 : vector<16xi1>, vector<16xi32>
      %select_n3A_311 = arith.select %gt3A_300, %get3A_299, %select_n3A_294 : vector<16xi1>, vector<16xf32>
      %get3A_312 = arith.constant 18 : i32
      %get3A_313 = arith.index_cast %get3A_312 : i32 to index
      %get3A_314 = arith.index_cast %mul3A_4 : i32 to index
      %get3A_315 = tpu.vector_load %arg4[%get3A_313, %get3A_314] {strides = array<i32>} : memref<64x256xf32, #tpu.memory_space<vmem>>, vector<1x16xf32>,
      %get3A_316 = vector.shape_cast %get3A_315 : vector<1x16xf32> to vector<16xf32>
      %gt3A_317 = arith.cmpf ogt, %get3A_316, %select_n3A_311 : vector<16xf32>
      %gt3A_318 = arith.cmpf ogt, %get3A_316, %select_n3A_307 : vector<16xf32>
      %jit3A_319 = arith.constant 18 : i32
      %broadcast_in_dim3A_320 = vector.broadcast %jit3A_319 : i32 to vector<16xi32>
      %select_n3A_321 = arith.select %gt3A_318, %broadcast_in_dim3A_320, %select_n3A_305 : vector<16xi1>, vector<16xi32>
      %select_n3A_322 = arith.select %gt3A_317, %select_n3A_310, %select_n3A_321 : vector<16xi1>, vector<16xi32>
      %select_n3A_323 = arith.select %gt3A_318, %get3A_316, %select_n3A_307 : vector<16xi1>, vector<16xf32>
      %select_n3A_324 = arith.select %gt3A_317, %select_n3A_311, %select_n3A_323 : vector<16xi1>, vector<16xf32>
      %jit3A_325 = arith.constant 18 : i32
      %broadcast_in_dim3A_326 = vector.broadcast %jit3A_325 : i32 to vector<16xi32>
      %select_n3A_327 = arith.select %gt3A_317, %broadcast_in_dim3A_326, %select_n3A_310 : vector<16xi1>, vector<16xi32>
      %select_n3A_328 = arith.select %gt3A_317, %get3A_316, %select_n3A_311 : vector<16xi1>, vector<16xf32>
      %get3A_329 = arith.constant 19 : i32
      %get3A_330 = arith.index_cast %get3A_329 : i32 to index
      %get3A_331 = arith.index_cast %mul3A_4 : i32 to index
      %get3A_332 = tpu.vector_load %arg4[%get3A_330, %get3A_331] {strides = array<i32>} : memref<64x256xf32, #tpu.memory_space<vmem>>, vector<1x16xf32>,
      %get3A_333 = vector.shape_cast %get3A_332 : vector<1x16xf32> to vector<16xf32>
      %gt3A_334 = arith.cmpf ogt, %get3A_333, %select_n3A_328 : vector<16xf32>
      %gt3A_335 = arith.cmpf ogt, %get3A_333, %select_n3A_324 : vector<16xf32>
      %jit3A_336 = arith.constant 19 : i32
      %broadcast_in_dim3A_337 = vector.broadcast %jit3A_336 : i32 to vector<16xi32>
      %select_n3A_338 = arith.select %gt3A_335, %broadcast_in_dim3A_337, %select_n3A_322 : vector<16xi1>, vector<16xi32>
      %select_n3A_339 = arith.select %gt3A_334, %select_n3A_327, %select_n3A_338 : vector<16xi1>, vector<16xi32>
      %select_n3A_340 = arith.select %gt3A_335, %get3A_333, %select_n3A_324 : vector<16xi1>, vector<16xf32>
      %select_n3A_341 = arith.select %gt3A_334, %select_n3A_328, %select_n3A_340 : vector<16xi1>, vector<16xf32>
      %jit3A_342 = arith.constant 19 : i32
      %broadcast_in_dim3A_343 = vector.broadcast %jit3A_342 : i32 to vector<16xi32>
      %select_n3A_344 = arith.select %gt3A_334, %broadcast_in_dim3A_343, %select_n3A_327 : vector<16xi1>, vector<16xi32>
      %select_n3A_345 = arith.select %gt3A_334, %get3A_333, %select_n3A_328 : vector<16xi1>, vector<16xf32>
      %get3A_346 = arith.constant 20 : i32
      %get3A_347 = arith.index_cast %get3A_346 : i32 to index
      %get3A_348 = arith.index_cast %mul3A_4 : i32 to index
      %get3A_349 = tpu.vector_load %arg4[%get3A_347, %get3A_348] {strides = array<i32>} : memref<64x256xf32, #tpu.memory_space<vmem>>, vector<1x16xf32>,
      %get3A_350 = vector.shape_cast %get3A_349 : vector<1x16xf32> to vector<16xf32>
      %gt3A_351 = arith.cmpf ogt, %get3A_350, %select_n3A_345 : vector<16xf32>
      %gt3A_352 = arith.cmpf ogt, %get3A_350, %select_n3A_341 : vector<16xf32>
      %jit3A_353 = arith.constant 20 : i32
      %broadcast_in_dim3A_354 = vector.broadcast %jit3A_353 : i32 to vector<16xi32>
      %select_n3A_355 = arith.select %gt3A_352, %broadcast_in_dim3A_354, %select_n3A_339 : vector<16xi1>, vector<16xi32>
      %select_n3A_356 = arith.select %gt3A_351, %select_n3A_344, %select_n3A_355 : vector<16xi1>, vector<16xi32>
      %select_n3A_357 = arith.select %gt3A_352, %get3A_350, %select_n3A_341 : vector<16xi1>, vector<16xf32>
      %select_n3A_358 = arith.select %gt3A_351, %select_n3A_345, %select_n3A_357 : vector<16xi1>, vector<16xf32>
      %jit3A_359 = arith.constant 20 : i32
      %broadcast_in_dim3A_360 = vector.broadcast %jit3A_359 : i32 to vector<16xi32>
      %select_n3A_361 = arith.select %gt3A_351, %broadcast_in_dim3A_360, %select_n3A_344 : vector<16xi1>, vector<16xi32>
      %select_n3A_362 = arith.select %gt3A_351, %get3A_350, %select_n3A_345 : vector<16xi1>, vector<16xf32>
      %get3A_363 = arith.constant 21 : i32
      %get3A_364 = arith.index_cast %get3A_363 : i32 to index
      %get3A_365 = arith.index_cast %mul3A_4 : i32 to index
      %get3A_366 = tpu.vector_load %arg4[%get3A_364, %get3A_365] {strides = array<i32>} : memref<64x256xf32, #tpu.memory_space<vmem>>, vector<1x16xf32>,
      %get3A_367 = vector.shape_cast %get3A_366 : vector<1x16xf32> to vector<16xf32>
      %gt3A_368 = arith.cmpf ogt, %get3A_367, %select_n3A_362 : vector<16xf32>
      %gt3A_369 = arith.cmpf ogt, %get3A_367, %select_n3A_358 : vector<16xf32>
      %jit3A_370 = arith.constant 21 : i32
      %broadcast_in_dim3A_371 = vector.broadcast %jit3A_370 : i32 to vector<16xi32>
      %select_n3A_372 = arith.select %gt3A_369, %broadcast_in_dim3A_371, %select_n3A_356 : vector<16xi1>, vector<16xi32>
      %select_n3A_373 = arith.select %gt3A_368, %select_n3A_361, %select_n3A_372 : vector<16xi1>, vector<16xi32>
      %select_n3A_374 = arith.select %gt3A_369, %get3A_367, %select_n3A_358 : vector<16xi1>, vector<16xf32>
      %select_n3A_375 = arith.select %gt3A_368, %select_n3A_362, %select_n3A_374 : vector<16xi1>, vector<16xf32>
      %jit3A_376 = arith.constant 21 : i32
      %broadcast_in_dim3A_377 = vector.broadcast %jit3A_376 : i32 to vector<16xi32>
      %select_n3A_378 = arith.select %gt3A_368, %broadcast_in_dim3A_377, %select_n3A_361 : vector<16xi1>, vector<16xi32>
      %select_n3A_379 = arith.select %gt3A_368, %get3A_367, %select_n3A_362 : vector<16xi1>, vector<16xf32>
      %get3A_380 = arith.constant 22 : i32
      %get3A_381 = arith.index_cast %get3A_380 : i32 to index
      %get3A_382 = arith.index_cast %mul3A_4 : i32 to index
      %get3A_383 = tpu.vector_load %arg4[%get3A_381, %get3A_382] {strides = array<i32>} : memref<64x256xf32, #tpu.memory_space<vmem>>, vector<1x16xf32>,
      %get3A_384 = vector.shape_cast %get3A_383 : vector<1x16xf32> to vector<16xf32>
      %gt3A_385 = arith.cmpf ogt, %get3A_384, %select_n3A_379 : vector<16xf32>
      %gt3A_386 = arith.cmpf ogt, %get3A_384, %select_n3A_375 : vector<16xf32>
      %jit3A_387 = arith.constant 22 : i32
      %broadcast_in_dim3A_388 = vector.broadcast %jit3A_387 : i32 to vector<16xi32>
      %select_n3A_389 = arith.select %gt3A_386, %broadcast_in_dim3A_388, %select_n3A_373 : vector<16xi1>, vector<16xi32>
      %select_n3A_390 = arith.select %gt3A_385, %select_n3A_378, %select_n3A_389 : vector<16xi1>, vector<16xi32>
      %select_n3A_391 = arith.select %gt3A_386, %get3A_384, %select_n3A_375 : vector<16xi1>, vector<16xf32>
      %select_n3A_392 = arith.select %gt3A_385, %select_n3A_379, %select_n3A_391 : vector<16xi1>, vector<16xf32>
      %jit3A_393 = arith.constant 22 : i32
      %broadcast_in_dim3A_394 = vector.broadcast %jit3A_393 : i32 to vector<16xi32>
      %select_n3A_395 = arith.select %gt3A_385, %broadcast_in_dim3A_394, %select_n3A_378 : vector<16xi1>, vector<16xi32>
      %select_n3A_396 = arith.select %gt3A_385, %get3A_384, %select_n3A_379 : vector<16xi1>, vector<16xf32>
      %get3A_397 = arith.constant 23 : i32
      %get3A_398 = arith.index_cast %get3A_397 : i32 to index
      %get3A_399 = arith.index_cast %mul3A_4 : i32 to index
      %get3A_400 = tpu.vector_load %arg4[%get3A_398, %get3A_399] {strides = array<i32>} : memref<64x256xf32, #tpu.memory_space<vmem>>, vector<1x16xf32>,
      %get3A_401 = vector.shape_cast %get3A_400 : vector<1x16xf32> to vector<16xf32>
      %gt3A_402 = arith.cmpf ogt, %get3A_401, %select_n3A_396 : vector<16xf32>
      %gt3A_403 = arith.cmpf ogt, %get3A_401, %select_n3A_392 : vector<16xf32>
      %jit3A_404 = arith.constant 23 : i32
      %broadcast_in_dim3A_405 = vector.broadcast %jit3A_404 : i32 to vector<16xi32>
      %select_n3A_406 = arith.select %gt3A_403, %broadcast_in_dim3A_405, %select_n3A_390 : vector<16xi1>, vector<16xi32>
      %select_n3A_407 = arith.select %gt3A_402, %select_n3A_395, %select_n3A_406 : vector<16xi1>, vector<16xi32>
      %select_n3A_408 = arith.select %gt3A_403, %get3A_401, %select_n3A_392 : vector<16xi1>, vector<16xf32>
      %select_n3A_409 = arith.select %gt3A_402, %select_n3A_396, %select_n3A_408 : vector<16xi1>, vector<16xf32>
      %jit3A_410 = arith.constant 23 : i32
      %broadcast_in_dim3A_411 = vector.broadcast %jit3A_410 : i32 to vector<16xi32>
      %select_n3A_412 = arith.select %gt3A_402, %broadcast_in_dim3A_411, %select_n3A_395 : vector<16xi1>, vector<16xi32>
      %select_n3A_413 = arith.select %gt3A_402, %get3A_401, %select_n3A_396 : vector<16xi1>, vector<16xf32>
      %get3A_414 = arith.constant 24 : i32
      %get3A_415 = arith.index_cast %get3A_414 : i32 to index
      %get3A_416 = arith.index_cast %mul3A_4 : i32 to index
      %get3A_417 = tpu.vector_load %arg4[%get3A_415, %get3A_416] {strides = array<i32>} : memref<64x256xf32, #tpu.memory_space<vmem>>, vector<1x16xf32>,
      %get3A_418 = vector.shape_cast %get3A_417 : vector<1x16xf32> to vector<16xf32>
      %gt3A_419 = arith.cmpf ogt, %get3A_418, %select_n3A_413 : vector<16xf32>
      %gt3A_420 = arith.cmpf ogt, %get3A_418, %select_n3A_409 : vector<16xf32>
      %jit3A_421 = arith.constant 24 : i32
      %broadcast_in_dim3A_422 = vector.broadcast %jit3A_421 : i32 to vector<16xi32>
      %select_n3A_423 = arith.select %gt3A_420, %broadcast_in_dim3A_422, %select_n3A_407 : vector<16xi1>, vector<16xi32>
      %select_n3A_424 = arith.select %gt3A_419, %select_n3A_412, %select_n3A_423 : vector<16xi1>, vector<16xi32>
      %select_n3A_425 = arith.select %gt3A_420, %get3A_418, %select_n3A_409 : vector<16xi1>, vector<16xf32>
      %select_n3A_426 = arith.select %gt3A_419, %select_n3A_413, %select_n3A_425 : vector<16xi1>, vector<16xf32>
      %jit3A_427 = arith.constant 24 : i32
      %broadcast_in_dim3A_428 = vector.broadcast %jit3A_427 : i32 to vector<16xi32>
      %select_n3A_429 = arith.select %gt3A_419, %broadcast_in_dim3A_428, %select_n3A_412 : vector<16xi1>, vector<16xi32>
      %select_n3A_430 = arith.select %gt3A_419, %get3A_418, %select_n3A_413 : vector<16xi1>, vector<16xf32>
      %get3A_431 = arith.constant 25 : i32
      %get3A_432 = arith.index_cast %get3A_431 : i32 to index
      %get3A_433 = arith.index_cast %mul3A_4 : i32 to index
      %get3A_434 = tpu.vector_load %arg4[%get3A_432, %get3A_433] {strides = array<i32>} : memref<64x256xf32, #tpu.memory_space<vmem>>, vector<1x16xf32>,
      %get3A_435 = vector.shape_cast %get3A_434 : vector<1x16xf32> to vector<16xf32>
      %gt3A_436 = arith.cmpf ogt, %get3A_435, %select_n3A_430 : vector<16xf32>
      %gt3A_437 = arith.cmpf ogt, %get3A_435, %select_n3A_426 : vector<16xf32>
      %jit3A_438 = arith.constant 25 : i32
      %broadcast_in_dim3A_439 = vector.broadcast %jit3A_438 : i32 to vector<16xi32>
      %select_n3A_440 = arith.select %gt3A_437, %broadcast_in_dim3A_439, %select_n3A_424 : vector<16xi1>, vector<16xi32>
      %select_n3A_441 = arith.select %gt3A_436, %select_n3A_429, %select_n3A_440 : vector<16xi1>, vector<16xi32>
      %select_n3A_442 = arith.select %gt3A_437, %get3A_435, %select_n3A_426 : vector<16xi1>, vector<16xf32>
      %select_n3A_443 = arith.select %gt3A_436, %select_n3A_430, %select_n3A_442 : vector<16xi1>, vector<16xf32>
      %jit3A_444 = arith.constant 25 : i32
      %broadcast_in_dim3A_445 = vector.broadcast %jit3A_444 : i32 to vector<16xi32>
      %select_n3A_446 = arith.select %gt3A_436, %broadcast_in_dim3A_445, %select_n3A_429 : vector<16xi1>, vector<16xi32>
      %select_n3A_447 = arith.select %gt3A_436, %get3A_435, %select_n3A_430 : vector<16xi1>, vector<16xf32>
      %get3A_448 = arith.constant 26 : i32
      %get3A_449 = arith.index_cast %get3A_448 : i32 to index
      %get3A_450 = arith.index_cast %mul3A_4 : i32 to index
      %get3A_451 = tpu.vector_load %arg4[%get3A_449, %get3A_450] {strides = array<i32>} : memref<64x256xf32, #tpu.memory_space<vmem>>, vector<1x16xf32>,
      %get3A_452 = vector.shape_cast %get3A_451 : vector<1x16xf32> to vector<16xf32>
      %gt3A_453 = arith.cmpf ogt, %get3A_452, %select_n3A_447 : vector<16xf32>
      %gt3A_454 = arith.cmpf ogt, %get3A_452, %select_n3A_443 : vector<16xf32>
      %jit3A_455 = arith.constant 26 : i32
      %broadcast_in_dim3A_456 = vector.broadcast %jit3A_455 : i32 to vector<16xi32>
      %select_n3A_457 = arith.select %gt3A_454, %broadcast_in_dim3A_456, %select_n3A_441 : vector<16xi1>, vector<16xi32>
      %select_n3A_458 = arith.select %gt3A_453, %select_n3A_446, %select_n3A_457 : vector<16xi1>, vector<16xi32>
      %select_n3A_459 = arith.select %gt3A_454, %get3A_452, %select_n3A_443 : vector<16xi1>, vector<16xf32>
      %select_n3A_460 = arith.select %gt3A_453, %select_n3A_447, %select_n3A_459 : vector<16xi1>, vector<16xf32>
      %jit3A_461 = arith.constant 26 : i32
      %broadcast_in_dim3A_462 = vector.broadcast %jit3A_461 : i32 to vector<16xi32>
      %select_n3A_463 = arith.select %gt3A_453, %broadcast_in_dim3A_462, %select_n3A_446 : vector<16xi1>, vector<16xi32>
      %select_n3A_464 = arith.select %gt3A_453, %get3A_452, %select_n3A_447 : vector<16xi1>, vector<16xf32>
      %get3A_465 = arith.constant 27 : i32
      %get3A_466 = arith.index_cast %get3A_465 : i32 to index
      %get3A_467 = arith.index_cast %mul3A_4 : i32 to index
      %get3A_468 = tpu.vector_load %arg4[%get3A_466, %get3A_467] {strides = array<i32>} : memref<64x256xf32, #tpu.memory_space<vmem>>, vector<1x16xf32>,
      %get3A_469 = vector.shape_cast %get3A_468 : vector<1x16xf32> to vector<16xf32>
      %gt3A_470 = arith.cmpf ogt, %get3A_469, %select_n3A_464 : vector<16xf32>
      %gt3A_471 = arith.cmpf ogt, %get3A_469, %select_n3A_460 : vector<16xf32>
      %jit3A_472 = arith.constant 27 : i32
      %broadcast_in_dim3A_473 = vector.broadcast %jit3A_472 : i32 to vector<16xi32>
      %select_n3A_474 = arith.select %gt3A_471, %broadcast_in_dim3A_473, %select_n3A_458 : vector<16xi1>, vector<16xi32>
      %select_n3A_475 = arith.select %gt3A_470, %select_n3A_463, %select_n3A_474 : vector<16xi1>, vector<16xi32>
      %select_n3A_476 = arith.select %gt3A_471, %get3A_469, %select_n3A_460 : vector<16xi1>, vector<16xf32>
      %select_n3A_477 = arith.select %gt3A_470, %select_n3A_464, %select_n3A_476 : vector<16xi1>, vector<16xf32>
      %jit3A_478 = arith.constant 27 : i32
      %broadcast_in_dim3A_479 = vector.broadcast %jit3A_478 : i32 to vector<16xi32>
      %select_n3A_480 = arith.select %gt3A_470, %broadcast_in_dim3A_479, %select_n3A_463 : vector<16xi1>, vector<16xi32>
      %select_n3A_481 = arith.select %gt3A_470, %get3A_469, %select_n3A_464 : vector<16xi1>, vector<16xf32>
      %get3A_482 = arith.constant 28 : i32
      %get3A_483 = arith.index_cast %get3A_482 : i32 to index
      %get3A_484 = arith.index_cast %mul3A_4 : i32 to index
      %get3A_485 = tpu.vector_load %arg4[%get3A_483, %get3A_484] {strides = array<i32>} : memref<64x256xf32, #tpu.memory_space<vmem>>, vector<1x16xf32>,
      %get3A_486 = vector.shape_cast %get3A_485 : vector<1x16xf32> to vector<16xf32>
      %gt3A_487 = arith.cmpf ogt, %get3A_486, %select_n3A_481 : vector<16xf32>
      %gt3A_488 = arith.cmpf ogt, %get3A_486, %select_n3A_477 : vector<16xf32>
      %jit3A_489 = arith.constant 28 : i32
      %broadcast_in_dim3A_490 = vector.broadcast %jit3A_489 : i32 to vector<16xi32>
      %select_n3A_491 = arith.select %gt3A_488, %broadcast_in_dim3A_490, %select_n3A_475 : vector<16xi1>, vector<16xi32>
      %select_n3A_492 = arith.select %gt3A_487, %select_n3A_480, %select_n3A_491 : vector<16xi1>, vector<16xi32>
      %select_n3A_493 = arith.select %gt3A_488, %get3A_486, %select_n3A_477 : vector<16xi1>, vector<16xf32>
      %select_n3A_494 = arith.select %gt3A_487, %select_n3A_481, %select_n3A_493 : vector<16xi1>, vector<16xf32>
      %jit3A_495 = arith.constant 28 : i32
      %broadcast_in_dim3A_496 = vector.broadcast %jit3A_495 : i32 to vector<16xi32>
      %select_n3A_497 = arith.select %gt3A_487, %broadcast_in_dim3A_496, %select_n3A_480 : vector<16xi1>, vector<16xi32>
      %select_n3A_498 = arith.select %gt3A_487, %get3A_486, %select_n3A_481 : vector<16xi1>, vector<16xf32>
      %get3A_499 = arith.constant 29 : i32
      %get3A_500 = arith.index_cast %get3A_499 : i32 to index
      %get3A_501 = arith.index_cast %mul3A_4 : i32 to index
      %get3A_502 = tpu.vector_load %arg4[%get3A_500, %get3A_501] {strides = array<i32>} : memref<64x256xf32, #tpu.memory_space<vmem>>, vector<1x16xf32>,
      %get3A_503 = vector.shape_cast %get3A_502 : vector<1x16xf32> to vector<16xf32>
      %gt3A_504 = arith.cmpf ogt, %get3A_503, %select_n3A_498 : vector<16xf32>
      %gt3A_505 = arith.cmpf ogt, %get3A_503, %select_n3A_494 : vector<16xf32>
      %jit3A_506 = arith.constant 29 : i32
      %broadcast_in_dim3A_507 = vector.broadcast %jit3A_506 : i32 to vector<16xi32>
      %select_n3A_508 = arith.select %gt3A_505, %broadcast_in_dim3A_507, %select_n3A_492 : vector<16xi1>, vector<16xi32>
      %select_n3A_509 = arith.select %gt3A_504, %select_n3A_497, %select_n3A_508 : vector<16xi1>, vector<16xi32>
      %select_n3A_510 = arith.select %gt3A_505, %get3A_503, %select_n3A_494 : vector<16xi1>, vector<16xf32>
      %select_n3A_511 = arith.select %gt3A_504, %select_n3A_498, %select_n3A_510 : vector<16xi1>, vector<16xf32>
      %jit3A_512 = arith.constant 29 : i32
      %broadcast_in_dim3A_513 = vector.broadcast %jit3A_512 : i32 to vector<16xi32>
      %select_n3A_514 = arith.select %gt3A_504, %broadcast_in_dim3A_513, %select_n3A_497 : vector<16xi1>, vector<16xi32>
      %select_n3A_515 = arith.select %gt3A_504, %get3A_503, %select_n3A_498 : vector<16xi1>, vector<16xf32>
      %get3A_516 = arith.constant 30 : i32
      %get3A_517 = arith.index_cast %get3A_516 : i32 to index
      %get3A_518 = arith.index_cast %mul3A_4 : i32 to index
      %get3A_519 = tpu.vector_load %arg4[%get3A_517, %get3A_518] {strides = array<i32>} : memref<64x256xf32, #tpu.memory_space<vmem>>, vector<1x16xf32>,
      %get3A_520 = vector.shape_cast %get3A_519 : vector<1x16xf32> to vector<16xf32>
      %gt3A_521 = arith.cmpf ogt, %get3A_520, %select_n3A_515 : vector<16xf32>
      %gt3A_522 = arith.cmpf ogt, %get3A_520, %select_n3A_511 : vector<16xf32>
      %jit3A_523 = arith.constant 30 : i32
      %broadcast_in_dim3A_524 = vector.broadcast %jit3A_523 : i32 to vector<16xi32>
      %select_n3A_525 = arith.select %gt3A_522, %broadcast_in_dim3A_524, %select_n3A_509 : vector<16xi1>, vector<16xi32>
      %select_n3A_526 = arith.select %gt3A_521, %select_n3A_514, %select_n3A_525 : vector<16xi1>, vector<16xi32>
      %select_n3A_527 = arith.select %gt3A_522, %get3A_520, %select_n3A_511 : vector<16xi1>, vector<16xf32>
      %select_n3A_528 = arith.select %gt3A_521, %select_n3A_515, %select_n3A_527 : vector<16xi1>, vector<16xf32>
      %jit3A_529 = arith.constant 30 : i32
      %broadcast_in_dim3A_530 = vector.broadcast %jit3A_529 : i32 to vector<16xi32>
      %select_n3A_531 = arith.select %gt3A_521, %broadcast_in_dim3A_530, %select_n3A_514 : vector<16xi1>, vector<16xi32>
      %select_n3A_532 = arith.select %gt3A_521, %get3A_520, %select_n3A_515 : vector<16xi1>, vector<16xf32>
      %get3A_533 = arith.constant 31 : i32
      %get3A_534 = arith.index_cast %get3A_533 : i32 to index
      %get3A_535 = arith.index_cast %mul3A_4 : i32 to index
      %get3A_536 = tpu.vector_load %arg4[%get3A_534, %get3A_535] {strides = array<i32>} : memref<64x256xf32, #tpu.memory_space<vmem>>, vector<1x16xf32>,
      %get3A_537 = vector.shape_cast %get3A_536 : vector<1x16xf32> to vector<16xf32>
      %gt3A_538 = arith.cmpf ogt, %get3A_537, %select_n3A_532 : vector<16xf32>
      %gt3A_539 = arith.cmpf ogt, %get3A_537, %select_n3A_528 : vector<16xf32>
      %jit3A_540 = arith.constant 31 : i32
      %broadcast_in_dim3A_541 = vector.broadcast %jit3A_540 : i32 to vector<16xi32>
      %select_n3A_542 = arith.select %gt3A_539, %broadcast_in_dim3A_541, %select_n3A_526 : vector<16xi1>, vector<16xi32>
      %select_n3A_543 = arith.select %gt3A_538, %select_n3A_531, %select_n3A_542 : vector<16xi1>, vector<16xi32>
      %select_n3A_544 = arith.select %gt3A_539, %get3A_537, %select_n3A_528 : vector<16xi1>, vector<16xf32>
      %select_n3A_545 = arith.select %gt3A_538, %select_n3A_532, %select_n3A_544 : vector<16xi1>, vector<16xf32>
      %jit3A_546 = arith.constant 31 : i32
      %broadcast_in_dim3A_547 = vector.broadcast %jit3A_546 : i32 to vector<16xi32>
      %select_n3A_548 = arith.select %gt3A_538, %broadcast_in_dim3A_547, %select_n3A_531 : vector<16xi1>, vector<16xi32>
      %select_n3A_549 = arith.select %gt3A_538, %get3A_537, %select_n3A_532 : vector<16xi1>, vector<16xf32>
      %get3A_550 = arith.constant 32 : i32
      %get3A_551 = arith.index_cast %get3A_550 : i32 to index
      %get3A_552 = arith.index_cast %mul3A_4 : i32 to index
      %get3A_553 = tpu.vector_load %arg4[%get3A_551, %get3A_552] {strides = array<i32>} : memref<64x256xf32, #tpu.memory_space<vmem>>, vector<1x16xf32>,
      %get3A_554 = vector.shape_cast %get3A_553 : vector<1x16xf32> to vector<16xf32>
      %gt3A_555 = arith.cmpf ogt, %get3A_554, %select_n3A_549 : vector<16xf32>
      %gt3A_556 = arith.cmpf ogt, %get3A_554, %select_n3A_545 : vector<16xf32>
      %jit3A_557 = arith.constant 32 : i32
      %broadcast_in_dim3A_558 = vector.broadcast %jit3A_557 : i32 to vector<16xi32>
      %select_n3A_559 = arith.select %gt3A_556, %broadcast_in_dim3A_558, %select_n3A_543 : vector<16xi1>, vector<16xi32>
      %select_n3A_560 = arith.select %gt3A_555, %select_n3A_548, %select_n3A_559 : vector<16xi1>, vector<16xi32>
      %select_n3A_561 = arith.select %gt3A_556, %get3A_554, %select_n3A_545 : vector<16xi1>, vector<16xf32>
      %select_n3A_562 = arith.select %gt3A_555, %select_n3A_549, %select_n3A_561 : vector<16xi1>, vector<16xf32>
      %jit3A_563 = arith.constant 32 : i32
      %broadcast_in_dim3A_564 = vector.broadcast %jit3A_563 : i32 to vector<16xi32>
      %select_n3A_565 = arith.select %gt3A_555, %broadcast_in_dim3A_564, %select_n3A_548 : vector<16xi1>, vector<16xi32>
      %select_n3A_566 = arith.select %gt3A_555, %get3A_554, %select_n3A_549 : vector<16xi1>, vector<16xf32>
      %get3A_567 = arith.constant 33 : i32
      %get3A_568 = arith.index_cast %get3A_567 : i32 to index
      %get3A_569 = arith.index_cast %mul3A_4 : i32 to index
      %get3A_570 = tpu.vector_load %arg4[%get3A_568, %get3A_569] {strides = array<i32>} : memref<64x256xf32, #tpu.memory_space<vmem>>, vector<1x16xf32>,
      %get3A_571 = vector.shape_cast %get3A_570 : vector<1x16xf32> to vector<16xf32>
      %gt3A_572 = arith.cmpf ogt, %get3A_571, %select_n3A_566 : vector<16xf32>
      %gt3A_573 = arith.cmpf ogt, %get3A_571, %select_n3A_562 : vector<16xf32>
      %jit3A_574 = arith.constant 33 : i32
      %broadcast_in_dim3A_575 = vector.broadcast %jit3A_574 : i32 to vector<16xi32>
      %select_n3A_576 = arith.select %gt3A_573, %broadcast_in_dim3A_575, %select_n3A_560 : vector<16xi1>, vector<16xi32>
      %select_n3A_577 = arith.select %gt3A_572, %select_n3A_565, %select_n3A_576 : vector<16xi1>, vector<16xi32>
      %select_n3A_578 = arith.select %gt3A_573, %get3A_571, %select_n3A_562 : vector<16xi1>, vector<16xf32>
      %select_n3A_579 = arith.select %gt3A_572, %select_n3A_566, %select_n3A_578 : vector<16xi1>, vector<16xf32>
      %jit3A_580 = arith.constant 33 : i32
      %broadcast_in_dim3A_581 = vector.broadcast %jit3A_580 : i32 to vector<16xi32>
      %select_n3A_582 = arith.select %gt3A_572, %broadcast_in_dim3A_581, %select_n3A_565 : vector<16xi1>, vector<16xi32>
      %select_n3A_583 = arith.select %gt3A_572, %get3A_571, %select_n3A_566 : vector<16xi1>, vector<16xf32>
      %get3A_584 = arith.constant 34 : i32
      %get3A_585 = arith.index_cast %get3A_584 : i32 to index
      %get3A_586 = arith.index_cast %mul3A_4 : i32 to index
      %get3A_587 = tpu.vector_load %arg4[%get3A_585, %get3A_586] {strides = array<i32>} : memref<64x256xf32, #tpu.memory_space<vmem>>, vector<1x16xf32>,
      %get3A_588 = vector.shape_cast %get3A_587 : vector<1x16xf32> to vector<16xf32>
      %gt3A_589 = arith.cmpf ogt, %get3A_588, %select_n3A_583 : vector<16xf32>
      %gt3A_590 = arith.cmpf ogt, %get3A_588, %select_n3A_579 : vector<16xf32>
      %jit3A_591 = arith.constant 34 : i32
      %broadcast_in_dim3A_592 = vector.broadcast %jit3A_591 : i32 to vector<16xi32>
      %select_n3A_593 = arith.select %gt3A_590, %broadcast_in_dim3A_592, %select_n3A_577 : vector<16xi1>, vector<16xi32>
      %select_n3A_594 = arith.select %gt3A_589, %select_n3A_582, %select_n3A_593 : vector<16xi1>, vector<16xi32>
      %select_n3A_595 = arith.select %gt3A_590, %get3A_588, %select_n3A_579 : vector<16xi1>, vector<16xf32>
      %select_n3A_596 = arith.select %gt3A_589, %select_n3A_583, %select_n3A_595 : vector<16xi1>, vector<16xf32>
      %jit3A_597 = arith.constant 34 : i32
      %broadcast_in_dim3A_598 = vector.broadcast %jit3A_597 : i32 to vector<16xi32>
      %select_n3A_599 = arith.select %gt3A_589, %broadcast_in_dim3A_598, %select_n3A_582 : vector<16xi1>, vector<16xi32>
      %select_n3A_600 = arith.select %gt3A_589, %get3A_588, %select_n3A_583 : vector<16xi1>, vector<16xf32>
      %get3A_601 = arith.constant 35 : i32
      %get3A_602 = arith.index_cast %get3A_601 : i32 to index
      %get3A_603 = arith.index_cast %mul3A_4 : i32 to index
      %get3A_604 = tpu.vector_load %arg4[%get3A_602, %get3A_603] {strides = array<i32>} : memref<64x256xf32, #tpu.memory_space<vmem>>, vector<1x16xf32>,
      %get3A_605 = vector.shape_cast %get3A_604 : vector<1x16xf32> to vector<16xf32>
      %gt3A_606 = arith.cmpf ogt, %get3A_605, %select_n3A_600 : vector<16xf32>
      %gt3A_607 = arith.cmpf ogt, %get3A_605, %select_n3A_596 : vector<16xf32>
      %jit3A_608 = arith.constant 35 : i32
      %broadcast_in_dim3A_609 = vector.broadcast %jit3A_608 : i32 to vector<16xi32>
      %select_n3A_610 = arith.select %gt3A_607, %broadcast_in_dim3A_609, %select_n3A_594 : vector<16xi1>, vector<16xi32>
      %select_n3A_611 = arith.select %gt3A_606, %select_n3A_599, %select_n3A_610 : vector<16xi1>, vector<16xi32>
      %select_n3A_612 = arith.select %gt3A_607, %get3A_605, %select_n3A_596 : vector<16xi1>, vector<16xf32>
      %select_n3A_613 = arith.select %gt3A_606, %select_n3A_600, %select_n3A_612 : vector<16xi1>, vector<16xf32>
      %jit3A_614 = arith.constant 35 : i32
      %broadcast_in_dim3A_615 = vector.broadcast %jit3A_614 : i32 to vector<16xi32>
      %select_n3A_616 = arith.select %gt3A_606, %broadcast_in_dim3A_615, %select_n3A_599 : vector<16xi1>, vector<16xi32>
      %select_n3A_617 = arith.select %gt3A_606, %get3A_605, %select_n3A_600 : vector<16xi1>, vector<16xf32>
      %get3A_618 = arith.constant 36 : i32
      %get3A_619 = arith.index_cast %get3A_618 : i32 to index
      %get3A_620 = arith.index_cast %mul3A_4 : i32 to index
      %get3A_621 = tpu.vector_load %arg4[%get3A_619, %get3A_620] {strides = array<i32>} : memref<64x256xf32, #tpu.memory_space<vmem>>, vector<1x16xf32>,
      %get3A_622 = vector.shape_cast %get3A_621 : vector<1x16xf32> to vector<16xf32>
      %gt3A_623 = arith.cmpf ogt, %get3A_622, %select_n3A_617 : vector<16xf32>
      %gt3A_624 = arith.cmpf ogt, %get3A_622, %select_n3A_613 : vector<16xf32>
      %jit3A_625 = arith.constant 36 : i32
      %broadcast_in_dim3A_626 = vector.broadcast %jit3A_625 : i32 to vector<16xi32>
      %select_n3A_627 = arith.select %gt3A_624, %broadcast_in_dim3A_626, %select_n3A_611 : vector<16xi1>, vector<16xi32>
      %select_n3A_628 = arith.select %gt3A_623, %select_n3A_616, %select_n3A_627 : vector<16xi1>, vector<16xi32>
      %select_n3A_629 = arith.select %gt3A_624, %get3A_622, %select_n3A_613 : vector<16xi1>, vector<16xf32>
      %select_n3A_630 = arith.select %gt3A_623, %select_n3A_617, %select_n3A_629 : vector<16xi1>, vector<16xf32>
      %jit3A_631 = arith.constant 36 : i32
      %broadcast_in_dim3A_632 = vector.broadcast %jit3A_631 : i32 to vector<16xi32>
      %select_n3A_633 = arith.select %gt3A_623, %broadcast_in_dim3A_632, %select_n3A_616 : vector<16xi1>, vector<16xi32>
      %select_n3A_634 = arith.select %gt3A_623, %get3A_622, %select_n3A_617 : vector<16xi1>, vector<16xf32>
      %get3A_635 = arith.constant 37 : i32
      %get3A_636 = arith.index_cast %get3A_635 : i32 to index
      %get3A_637 = arith.index_cast %mul3A_4 : i32 to index
      %get3A_638 = tpu.vector_load %arg4[%get3A_636, %get3A_637] {strides = array<i32>} : memref<64x256xf32, #tpu.memory_space<vmem>>, vector<1x16xf32>,
      %get3A_639 = vector.shape_cast %get3A_638 : vector<1x16xf32> to vector<16xf32>
      %gt3A_640 = arith.cmpf ogt, %get3A_639, %select_n3A_634 : vector<16xf32>
      %gt3A_641 = arith.cmpf ogt, %get3A_639, %select_n3A_630 : vector<16xf32>
      %jit3A_642 = arith.constant 37 : i32
      %broadcast_in_dim3A_643 = vector.broadcast %jit3A_642 : i32 to vector<16xi32>
      %select_n3A_644 = arith.select %gt3A_641, %broadcast_in_dim3A_643, %select_n3A_628 : vector<16xi1>, vector<16xi32>
      %select_n3A_645 = arith.select %gt3A_640, %select_n3A_633, %select_n3A_644 : vector<16xi1>, vector<16xi32>
      %select_n3A_646 = arith.select %gt3A_641, %get3A_639, %select_n3A_630 : vector<16xi1>, vector<16xf32>
      %select_n3A_647 = arith.select %gt3A_640, %select_n3A_634, %select_n3A_646 : vector<16xi1>, vector<16xf32>
      %jit3A_648 = arith.constant 37 : i32
      %broadcast_in_dim3A_649 = vector.broadcast %jit3A_648 : i32 to vector<16xi32>
      %select_n3A_650 = arith.select %gt3A_640, %broadcast_in_dim3A_649, %select_n3A_633 : vector<16xi1>, vector<16xi32>
      %select_n3A_651 = arith.select %gt3A_640, %get3A_639, %select_n3A_634 : vector<16xi1>, vector<16xf32>
      %get3A_652 = arith.constant 38 : i32
      %get3A_653 = arith.index_cast %get3A_652 : i32 to index
      %get3A_654 = arith.index_cast %mul3A_4 : i32 to index
      %get3A_655 = tpu.vector_load %arg4[%get3A_653, %get3A_654] {strides = array<i32>} : memref<64x256xf32, #tpu.memory_space<vmem>>, vector<1x16xf32>,
      %get3A_656 = vector.shape_cast %get3A_655 : vector<1x16xf32> to vector<16xf32>
      %gt3A_657 = arith.cmpf ogt, %get3A_656, %select_n3A_651 : vector<16xf32>
      %gt3A_658 = arith.cmpf ogt, %get3A_656, %select_n3A_647 : vector<16xf32>
      %jit3A_659 = arith.constant 38 : i32
      %broadcast_in_dim3A_660 = vector.broadcast %jit3A_659 : i32 to vector<16xi32>
      %select_n3A_661 = arith.select %gt3A_658, %broadcast_in_dim3A_660, %select_n3A_645 : vector<16xi1>, vector<16xi32>
      %select_n3A_662 = arith.select %gt3A_657, %select_n3A_650, %select_n3A_661 : vector<16xi1>, vector<16xi32>
      %select_n3A_663 = arith.select %gt3A_658, %get3A_656, %select_n3A_647 : vector<16xi1>, vector<16xf32>
      %select_n3A_664 = arith.select %gt3A_657, %select_n3A_651, %select_n3A_663 : vector<16xi1>, vector<16xf32>
      %jit3A_665 = arith.constant 38 : i32
      %broadcast_in_dim3A_666 = vector.broadcast %jit3A_665 : i32 to vector<16xi32>
      %select_n3A_667 = arith.select %gt3A_657, %broadcast_in_dim3A_666, %select_n3A_650 : vector<16xi1>, vector<16xi32>
      %select_n3A_668 = arith.select %gt3A_657, %get3A_656, %select_n3A_651 : vector<16xi1>, vector<16xf32>
      %get3A_669 = arith.constant 39 : i32
      %get3A_670 = arith.index_cast %get3A_669 : i32 to index
      %get3A_671 = arith.index_cast %mul3A_4 : i32 to index
      %get3A_672 = tpu.vector_load %arg4[%get3A_670, %get3A_671] {strides = array<i32>} : memref<64x256xf32, #tpu.memory_space<vmem>>, vector<1x16xf32>,
      %get3A_673 = vector.shape_cast %get3A_672 : vector<1x16xf32> to vector<16xf32>
      %gt3A_674 = arith.cmpf ogt, %get3A_673, %select_n3A_668 : vector<16xf32>
      %gt3A_675 = arith.cmpf ogt, %get3A_673, %select_n3A_664 : vector<16xf32>
      %jit3A_676 = arith.constant 39 : i32
      %broadcast_in_dim3A_677 = vector.broadcast %jit3A_676 : i32 to vector<16xi32>
      %select_n3A_678 = arith.select %gt3A_675, %broadcast_in_dim3A_677, %select_n3A_662 : vector<16xi1>, vector<16xi32>
      %select_n3A_679 = arith.select %gt3A_674, %select_n3A_667, %select_n3A_678 : vector<16xi1>, vector<16xi32>
      %select_n3A_680 = arith.select %gt3A_675, %get3A_673, %select_n3A_664 : vector<16xi1>, vector<16xf32>
      %select_n3A_681 = arith.select %gt3A_674, %select_n3A_668, %select_n3A_680 : vector<16xi1>, vector<16xf32>
      %jit3A_682 = arith.constant 39 : i32
      %broadcast_in_dim3A_683 = vector.broadcast %jit3A_682 : i32 to vector<16xi32>
      %select_n3A_684 = arith.select %gt3A_674, %broadcast_in_dim3A_683, %select_n3A_667 : vector<16xi1>, vector<16xi32>
      %select_n3A_685 = arith.select %gt3A_674, %get3A_673, %select_n3A_668 : vector<16xi1>, vector<16xf32>
      %get3A_686 = arith.constant 40 : i32
      %get3A_687 = arith.index_cast %get3A_686 : i32 to index
      %get3A_688 = arith.index_cast %mul3A_4 : i32 to index
      %get3A_689 = tpu.vector_load %arg4[%get3A_687, %get3A_688] {strides = array<i32>} : memref<64x256xf32, #tpu.memory_space<vmem>>, vector<1x16xf32>,
      %get3A_690 = vector.shape_cast %get3A_689 : vector<1x16xf32> to vector<16xf32>
      %gt3A_691 = arith.cmpf ogt, %get3A_690, %select_n3A_685 : vector<16xf32>
      %gt3A_692 = arith.cmpf ogt, %get3A_690, %select_n3A_681 : vector<16xf32>
      %jit3A_693 = arith.constant 40 : i32
      %broadcast_in_dim3A_694 = vector.broadcast %jit3A_693 : i32 to vector<16xi32>
      %select_n3A_695 = arith.select %gt3A_692, %broadcast_in_dim3A_694, %select_n3A_679 : vector<16xi1>, vector<16xi32>
      %select_n3A_696 = arith.select %gt3A_691, %select_n3A_684, %select_n3A_695 : vector<16xi1>, vector<16xi32>
      %select_n3A_697 = arith.select %gt3A_692, %get3A_690, %select_n3A_681 : vector<16xi1>, vector<16xf32>
      %select_n3A_698 = arith.select %gt3A_691, %select_n3A_685, %select_n3A_697 : vector<16xi1>, vector<16xf32>
      %jit3A_699 = arith.constant 40 : i32
      %broadcast_in_dim3A_700 = vector.broadcast %jit3A_699 : i32 to vector<16xi32>
      %select_n3A_701 = arith.select %gt3A_691, %broadcast_in_dim3A_700, %select_n3A_684 : vector<16xi1>, vector<16xi32>
      %select_n3A_702 = arith.select %gt3A_691, %get3A_690, %select_n3A_685 : vector<16xi1>, vector<16xf32>
      %get3A_703 = arith.constant 41 : i32
      %get3A_704 = arith.index_cast %get3A_703 : i32 to index
      %get3A_705 = arith.index_cast %mul3A_4 : i32 to index
      %get3A_706 = tpu.vector_load %arg4[%get3A_704, %get3A_705] {strides = array<i32>} : memref<64x256xf32, #tpu.memory_space<vmem>>, vector<1x16xf32>,
      %get3A_707 = vector.shape_cast %get3A_706 : vector<1x16xf32> to vector<16xf32>
      %gt3A_708 = arith.cmpf ogt, %get3A_707, %select_n3A_702 : vector<16xf32>
      %gt3A_709 = arith.cmpf ogt, %get3A_707, %select_n3A_698 : vector<16xf32>
      %jit3A_710 = arith.constant 41 : i32
      %broadcast_in_dim3A_711 = vector.broadcast %jit3A_710 : i32 to vector<16xi32>
      %select_n3A_712 = arith.select %gt3A_709, %broadcast_in_dim3A_711, %select_n3A_696 : vector<16xi1>, vector<16xi32>
      %select_n3A_713 = arith.select %gt3A_708, %select_n3A_701, %select_n3A_712 : vector<16xi1>, vector<16xi32>
      %select_n3A_714 = arith.select %gt3A_709, %get3A_707, %select_n3A_698 : vector<16xi1>, vector<16xf32>
      %select_n3A_715 = arith.select %gt3A_708, %select_n3A_702, %select_n3A_714 : vector<16xi1>, vector<16xf32>
      %jit3A_716 = arith.constant 41 : i32
      %broadcast_in_dim3A_717 = vector.broadcast %jit3A_716 : i32 to vector<16xi32>
      %select_n3A_718 = arith.select %gt3A_708, %broadcast_in_dim3A_717, %select_n3A_701 : vector<16xi1>, vector<16xi32>
      %select_n3A_719 = arith.select %gt3A_708, %get3A_707, %select_n3A_702 : vector<16xi1>, vector<16xf32>
      %get3A_720 = arith.constant 42 : i32
      %get3A_721 = arith.index_cast %get3A_720 : i32 to index
      %get3A_722 = arith.index_cast %mul3A_4 : i32 to index
      %get3A_723 = tpu.vector_load %arg4[%get3A_721, %get3A_722] {strides = array<i32>} : memref<64x256xf32, #tpu.memory_space<vmem>>, vector<1x16xf32>,
      %get3A_724 = vector.shape_cast %get3A_723 : vector<1x16xf32> to vector<16xf32>
      %gt3A_725 = arith.cmpf ogt, %get3A_724, %select_n3A_719 : vector<16xf32>
      %gt3A_726 = arith.cmpf ogt, %get3A_724, %select_n3A_715 : vector<16xf32>
      %jit3A_727 = arith.constant 42 : i32
      %broadcast_in_dim3A_728 = vector.broadcast %jit3A_727 : i32 to vector<16xi32>
      %select_n3A_729 = arith.select %gt3A_726, %broadcast_in_dim3A_728, %select_n3A_713 : vector<16xi1>, vector<16xi32>
      %select_n3A_730 = arith.select %gt3A_725, %select_n3A_718, %select_n3A_729 : vector<16xi1>, vector<16xi32>
      %select_n3A_731 = arith.select %gt3A_726, %get3A_724, %select_n3A_715 : vector<16xi1>, vector<16xf32>
      %select_n3A_732 = arith.select %gt3A_725, %select_n3A_719, %select_n3A_731 : vector<16xi1>, vector<16xf32>
      %jit3A_733 = arith.constant 42 : i32
      %broadcast_in_dim3A_734 = vector.broadcast %jit3A_733 : i32 to vector<16xi32>
      %select_n3A_735 = arith.select %gt3A_725, %broadcast_in_dim3A_734, %select_n3A_718 : vector<16xi1>, vector<16xi32>
      %select_n3A_736 = arith.select %gt3A_725, %get3A_724, %select_n3A_719 : vector<16xi1>, vector<16xf32>
      %get3A_737 = arith.constant 43 : i32
      %get3A_738 = arith.index_cast %get3A_737 : i32 to index
      %get3A_739 = arith.index_cast %mul3A_4 : i32 to index
      %get3A_740 = tpu.vector_load %arg4[%get3A_738, %get3A_739] {strides = array<i32>} : memref<64x256xf32, #tpu.memory_space<vmem>>, vector<1x16xf32>,
      %get3A_741 = vector.shape_cast %get3A_740 : vector<1x16xf32> to vector<16xf32>
      %gt3A_742 = arith.cmpf ogt, %get3A_741, %select_n3A_736 : vector<16xf32>
      %gt3A_743 = arith.cmpf ogt, %get3A_741, %select_n3A_732 : vector<16xf32>
      %jit3A_744 = arith.constant 43 : i32
      %broadcast_in_dim3A_745 = vector.broadcast %jit3A_744 : i32 to vector<16xi32>
      %select_n3A_746 = arith.select %gt3A_743, %broadcast_in_dim3A_745, %select_n3A_730 : vector<16xi1>, vector<16xi32>
      %select_n3A_747 = arith.select %gt3A_742, %select_n3A_735, %select_n3A_746 : vector<16xi1>, vector<16xi32>
      %select_n3A_748 = arith.select %gt3A_743, %get3A_741, %select_n3A_732 : vector<16xi1>, vector<16xf32>
      %select_n3A_749 = arith.select %gt3A_742, %select_n3A_736, %select_n3A_748 : vector<16xi1>, vector<16xf32>
      %jit3A_750 = arith.constant 43 : i32
      %broadcast_in_dim3A_751 = vector.broadcast %jit3A_750 : i32 to vector<16xi32>
      %select_n3A_752 = arith.select %gt3A_742, %broadcast_in_dim3A_751, %select_n3A_735 : vector<16xi1>, vector<16xi32>
      %select_n3A_753 = arith.select %gt3A_742, %get3A_741, %select_n3A_736 : vector<16xi1>, vector<16xf32>
      %get3A_754 = arith.constant 44 : i32
      %get3A_755 = arith.index_cast %get3A_754 : i32 to index
      %get3A_756 = arith.index_cast %mul3A_4 : i32 to index
      %get3A_757 = tpu.vector_load %arg4[%get3A_755, %get3A_756] {strides = array<i32>} : memref<64x256xf32, #tpu.memory_space<vmem>>, vector<1x16xf32>,
      %get3A_758 = vector.shape_cast %get3A_757 : vector<1x16xf32> to vector<16xf32>
      %gt3A_759 = arith.cmpf ogt, %get3A_758, %select_n3A_753 : vector<16xf32>
      %gt3A_760 = arith.cmpf ogt, %get3A_758, %select_n3A_749 : vector<16xf32>
      %jit3A_761 = arith.constant 44 : i32
      %broadcast_in_dim3A_762 = vector.broadcast %jit3A_761 : i32 to vector<16xi32>
      %select_n3A_763 = arith.select %gt3A_760, %broadcast_in_dim3A_762, %select_n3A_747 : vector<16xi1>, vector<16xi32>
      %select_n3A_764 = arith.select %gt3A_759, %select_n3A_752, %select_n3A_763 : vector<16xi1>, vector<16xi32>
      %select_n3A_765 = arith.select %gt3A_760, %get3A_758, %select_n3A_749 : vector<16xi1>, vector<16xf32>
      %select_n3A_766 = arith.select %gt3A_759, %select_n3A_753, %select_n3A_765 : vector<16xi1>, vector<16xf32>
      %jit3A_767 = arith.constant 44 : i32
      %broadcast_in_dim3A_768 = vector.broadcast %jit3A_767 : i32 to vector<16xi32>
      %select_n3A_769 = arith.select %gt3A_759, %broadcast_in_dim3A_768, %select_n3A_752 : vector<16xi1>, vector<16xi32>
      %select_n3A_770 = arith.select %gt3A_759, %get3A_758, %select_n3A_753 : vector<16xi1>, vector<16xf32>
      %get3A_771 = arith.constant 45 : i32
      %get3A_772 = arith.index_cast %get3A_771 : i32 to index
      %get3A_773 = arith.index_cast %mul3A_4 : i32 to index
      %get3A_774 = tpu.vector_load %arg4[%get3A_772, %get3A_773] {strides = array<i32>} : memref<64x256xf32, #tpu.memory_space<vmem>>, vector<1x16xf32>,
      %get3A_775 = vector.shape_cast %get3A_774 : vector<1x16xf32> to vector<16xf32>
      %gt3A_776 = arith.cmpf ogt, %get3A_775, %select_n3A_770 : vector<16xf32>
      %gt3A_777 = arith.cmpf ogt, %get3A_775, %select_n3A_766 : vector<16xf32>
      %jit3A_778 = arith.constant 45 : i32
      %broadcast_in_dim3A_779 = vector.broadcast %jit3A_778 : i32 to vector<16xi32>
      %select_n3A_780 = arith.select %gt3A_777, %broadcast_in_dim3A_779, %select_n3A_764 : vector<16xi1>, vector<16xi32>
      %select_n3A_781 = arith.select %gt3A_776, %select_n3A_769, %select_n3A_780 : vector<16xi1>, vector<16xi32>
      %select_n3A_782 = arith.select %gt3A_777, %get3A_775, %select_n3A_766 : vector<16xi1>, vector<16xf32>
      %select_n3A_783 = arith.select %gt3A_776, %select_n3A_770, %select_n3A_782 : vector<16xi1>, vector<16xf32>
      %jit3A_784 = arith.constant 45 : i32
      %broadcast_in_dim3A_785 = vector.broadcast %jit3A_784 : i32 to vector<16xi32>
      %select_n3A_786 = arith.select %gt3A_776, %broadcast_in_dim3A_785, %select_n3A_769 : vector<16xi1>, vector<16xi32>
      %select_n3A_787 = arith.select %gt3A_776, %get3A_775, %select_n3A_770 : vector<16xi1>, vector<16xf32>
      %get3A_788 = arith.constant 46 : i32
      %get3A_789 = arith.index_cast %get3A_788 : i32 to index
      %get3A_790 = arith.index_cast %mul3A_4 : i32 to index
      %get3A_791 = tpu.vector_load %arg4[%get3A_789, %get3A_790] {strides = array<i32>} : memref<64x256xf32, #tpu.memory_space<vmem>>, vector<1x16xf32>,
      %get3A_792 = vector.shape_cast %get3A_791 : vector<1x16xf32> to vector<16xf32>
      %gt3A_793 = arith.cmpf ogt, %get3A_792, %select_n3A_787 : vector<16xf32>
      %gt3A_794 = arith.cmpf ogt, %get3A_792, %select_n3A_783 : vector<16xf32>
      %jit3A_795 = arith.constant 46 : i32
      %broadcast_in_dim3A_796 = vector.broadcast %jit3A_795 : i32 to vector<16xi32>
      %select_n3A_797 = arith.select %gt3A_794, %broadcast_in_dim3A_796, %select_n3A_781 : vector<16xi1>, vector<16xi32>
      %select_n3A_798 = arith.select %gt3A_793, %select_n3A_786, %select_n3A_797 : vector<16xi1>, vector<16xi32>
      %select_n3A_799 = arith.select %gt3A_794, %get3A_792, %select_n3A_783 : vector<16xi1>, vector<16xf32>
      %select_n3A_800 = arith.select %gt3A_793, %select_n3A_787, %select_n3A_799 : vector<16xi1>, vector<16xf32>
      %jit3A_801 = arith.constant 46 : i32
      %broadcast_in_dim3A_802 = vector.broadcast %jit3A_801 : i32 to vector<16xi32>
      %select_n3A_803 = arith.select %gt3A_793, %broadcast_in_dim3A_802, %select_n3A_786 : vector<16xi1>, vector<16xi32>
      %select_n3A_804 = arith.select %gt3A_793, %get3A_792, %select_n3A_787 : vector<16xi1>, vector<16xf32>
      %get3A_805 = arith.constant 47 : i32
      %get3A_806 = arith.index_cast %get3A_805 : i32 to index
      %get3A_807 = arith.index_cast %mul3A_4 : i32 to index
      %get3A_808 = tpu.vector_load %arg4[%get3A_806, %get3A_807] {strides = array<i32>} : memref<64x256xf32, #tpu.memory_space<vmem>>, vector<1x16xf32>,
      %get3A_809 = vector.shape_cast %get3A_808 : vector<1x16xf32> to vector<16xf32>
      %gt3A_810 = arith.cmpf ogt, %get3A_809, %select_n3A_804 : vector<16xf32>
      %gt3A_811 = arith.cmpf ogt, %get3A_809, %select_n3A_800 : vector<16xf32>
      %jit3A_812 = arith.constant 47 : i32
      %broadcast_in_dim3A_813 = vector.broadcast %jit3A_812 : i32 to vector<16xi32>
      %select_n3A_814 = arith.select %gt3A_811, %broadcast_in_dim3A_813, %select_n3A_798 : vector<16xi1>, vector<16xi32>
      %select_n3A_815 = arith.select %gt3A_810, %select_n3A_803, %select_n3A_814 : vector<16xi1>, vector<16xi32>
      %select_n3A_816 = arith.select %gt3A_811, %get3A_809, %select_n3A_800 : vector<16xi1>, vector<16xf32>
      %select_n3A_817 = arith.select %gt3A_810, %select_n3A_804, %select_n3A_816 : vector<16xi1>, vector<16xf32>
      %jit3A_818 = arith.constant 47 : i32
      %broadcast_in_dim3A_819 = vector.broadcast %jit3A_818 : i32 to vector<16xi32>
      %select_n3A_820 = arith.select %gt3A_810, %broadcast_in_dim3A_819, %select_n3A_803 : vector<16xi1>, vector<16xi32>
      %select_n3A_821 = arith.select %gt3A_810, %get3A_809, %select_n3A_804 : vector<16xi1>, vector<16xf32>
      %get3A_822 = arith.constant 48 : i32
      %get3A_823 = arith.index_cast %get3A_822 : i32 to index
      %get3A_824 = arith.index_cast %mul3A_4 : i32 to index
      %get3A_825 = tpu.vector_load %arg4[%get3A_823, %get3A_824] {strides = array<i32>} : memref<64x256xf32, #tpu.memory_space<vmem>>, vector<1x16xf32>,
      %get3A_826 = vector.shape_cast %get3A_825 : vector<1x16xf32> to vector<16xf32>
      %gt3A_827 = arith.cmpf ogt, %get3A_826, %select_n3A_821 : vector<16xf32>
      %gt3A_828 = arith.cmpf ogt, %get3A_826, %select_n3A_817 : vector<16xf32>
      %jit3A_829 = arith.constant 48 : i32
      %broadcast_in_dim3A_830 = vector.broadcast %jit3A_829 : i32 to vector<16xi32>
      %select_n3A_831 = arith.select %gt3A_828, %broadcast_in_dim3A_830, %select_n3A_815 : vector<16xi1>, vector<16xi32>
      %select_n3A_832 = arith.select %gt3A_827, %select_n3A_820, %select_n3A_831 : vector<16xi1>, vector<16xi32>
      %select_n3A_833 = arith.select %gt3A_828, %get3A_826, %select_n3A_817 : vector<16xi1>, vector<16xf32>
      %select_n3A_834 = arith.select %gt3A_827, %select_n3A_821, %select_n3A_833 : vector<16xi1>, vector<16xf32>
      %jit3A_835 = arith.constant 48 : i32
      %broadcast_in_dim3A_836 = vector.broadcast %jit3A_835 : i32 to vector<16xi32>
      %select_n3A_837 = arith.select %gt3A_827, %broadcast_in_dim3A_836, %select_n3A_820 : vector<16xi1>, vector<16xi32>
      %select_n3A_838 = arith.select %gt3A_827, %get3A_826, %select_n3A_821 : vector<16xi1>, vector<16xf32>
      %get3A_839 = arith.constant 49 : i32
      %get3A_840 = arith.index_cast %get3A_839 : i32 to index
      %get3A_841 = arith.index_cast %mul3A_4 : i32 to index
      %get3A_842 = tpu.vector_load %arg4[%get3A_840, %get3A_841] {strides = array<i32>} : memref<64x256xf32, #tpu.memory_space<vmem>>, vector<1x16xf32>,
      %get3A_843 = vector.shape_cast %get3A_842 : vector<1x16xf32> to vector<16xf32>
      %gt3A_844 = arith.cmpf ogt, %get3A_843, %select_n3A_838 : vector<16xf32>
      %gt3A_845 = arith.cmpf ogt, %get3A_843, %select_n3A_834 : vector<16xf32>
      %jit3A_846 = arith.constant 49 : i32
      %broadcast_in_dim3A_847 = vector.broadcast %jit3A_846 : i32 to vector<16xi32>
      %select_n3A_848 = arith.select %gt3A_845, %broadcast_in_dim3A_847, %select_n3A_832 : vector<16xi1>, vector<16xi32>
      %select_n3A_849 = arith.select %gt3A_844, %select_n3A_837, %select_n3A_848 : vector<16xi1>, vector<16xi32>
      %select_n3A_850 = arith.select %gt3A_845, %get3A_843, %select_n3A_834 : vector<16xi1>, vector<16xf32>
      %select_n3A_851 = arith.select %gt3A_844, %select_n3A_838, %select_n3A_850 : vector<16xi1>, vector<16xf32>
      %jit3A_852 = arith.constant 49 : i32
      %broadcast_in_dim3A_853 = vector.broadcast %jit3A_852 : i32 to vector<16xi32>
      %select_n3A_854 = arith.select %gt3A_844, %broadcast_in_dim3A_853, %select_n3A_837 : vector<16xi1>, vector<16xi32>
      %select_n3A_855 = arith.select %gt3A_844, %get3A_843, %select_n3A_838 : vector<16xi1>, vector<16xf32>
      %get3A_856 = arith.constant 50 : i32
      %get3A_857 = arith.index_cast %get3A_856 : i32 to index
      %get3A_858 = arith.index_cast %mul3A_4 : i32 to index
      %get3A_859 = tpu.vector_load %arg4[%get3A_857, %get3A_858] {strides = array<i32>} : memref<64x256xf32, #tpu.memory_space<vmem>>, vector<1x16xf32>,
      %get3A_860 = vector.shape_cast %get3A_859 : vector<1x16xf32> to vector<16xf32>
      %gt3A_861 = arith.cmpf ogt, %get3A_860, %select_n3A_855 : vector<16xf32>
      %gt3A_862 = arith.cmpf ogt, %get3A_860, %select_n3A_851 : vector<16xf32>
      %jit3A_863 = arith.constant 50 : i32
      %broadcast_in_dim3A_864 = vector.broadcast %jit3A_863 : i32 to vector<16xi32>
      %select_n3A_865 = arith.select %gt3A_862, %broadcast_in_dim3A_864, %select_n3A_849 : vector<16xi1>, vector<16xi32>
      %select_n3A_866 = arith.select %gt3A_861, %select_n3A_854, %select_n3A_865 : vector<16xi1>, vector<16xi32>
      %select_n3A_867 = arith.select %gt3A_862, %get3A_860, %select_n3A_851 : vector<16xi1>, vector<16xf32>
      %select_n3A_868 = arith.select %gt3A_861, %select_n3A_855, %select_n3A_867 : vector<16xi1>, vector<16xf32>
      %jit3A_869 = arith.constant 50 : i32
      %broadcast_in_dim3A_870 = vector.broadcast %jit3A_869 : i32 to vector<16xi32>
      %select_n3A_871 = arith.select %gt3A_861, %broadcast_in_dim3A_870, %select_n3A_854 : vector<16xi1>, vector<16xi32>
      %select_n3A_872 = arith.select %gt3A_861, %get3A_860, %select_n3A_855 : vector<16xi1>, vector<16xf32>
      %get3A_873 = arith.constant 51 : i32
      %get3A_874 = arith.index_cast %get3A_873 : i32 to index
      %get3A_875 = arith.index_cast %mul3A_4 : i32 to index
      %get3A_876 = tpu.vector_load %arg4[%get3A_874, %get3A_875] {strides = array<i32>} : memref<64x256xf32, #tpu.memory_space<vmem>>, vector<1x16xf32>,
      %get3A_877 = vector.shape_cast %get3A_876 : vector<1x16xf32> to vector<16xf32>
      %gt3A_878 = arith.cmpf ogt, %get3A_877, %select_n3A_872 : vector<16xf32>
      %gt3A_879 = arith.cmpf ogt, %get3A_877, %select_n3A_868 : vector<16xf32>
      %jit3A_880 = arith.constant 51 : i32
      %broadcast_in_dim3A_881 = vector.broadcast %jit3A_880 : i32 to vector<16xi32>
      %select_n3A_882 = arith.select %gt3A_879, %broadcast_in_dim3A_881, %select_n3A_866 : vector<16xi1>, vector<16xi32>
      %select_n3A_883 = arith.select %gt3A_878, %select_n3A_871, %select_n3A_882 : vector<16xi1>, vector<16xi32>
      %select_n3A_884 = arith.select %gt3A_879, %get3A_877, %select_n3A_868 : vector<16xi1>, vector<16xf32>
      %select_n3A_885 = arith.select %gt3A_878, %select_n3A_872, %select_n3A_884 : vector<16xi1>, vector<16xf32>
      %jit3A_886 = arith.constant 51 : i32
      %broadcast_in_dim3A_887 = vector.broadcast %jit3A_886 : i32 to vector<16xi32>
      %select_n3A_888 = arith.select %gt3A_878, %broadcast_in_dim3A_887, %select_n3A_871 : vector<16xi1>, vector<16xi32>
      %select_n3A_889 = arith.select %gt3A_878, %get3A_877, %select_n3A_872 : vector<16xi1>, vector<16xf32>
      %get3A_890 = arith.constant 52 : i32
      %get3A_891 = arith.index_cast %get3A_890 : i32 to index
      %get3A_892 = arith.index_cast %mul3A_4 : i32 to index
      %get3A_893 = tpu.vector_load %arg4[%get3A_891, %get3A_892] {strides = array<i32>} : memref<64x256xf32, #tpu.memory_space<vmem>>, vector<1x16xf32>,
      %get3A_894 = vector.shape_cast %get3A_893 : vector<1x16xf32> to vector<16xf32>
      %gt3A_895 = arith.cmpf ogt, %get3A_894, %select_n3A_889 : vector<16xf32>
      %gt3A_896 = arith.cmpf ogt, %get3A_894, %select_n3A_885 : vector<16xf32>
      %jit3A_897 = arith.constant 52 : i32
      %broadcast_in_dim3A_898 = vector.broadcast %jit3A_897 : i32 to vector<16xi32>
      %select_n3A_899 = arith.select %gt3A_896, %broadcast_in_dim3A_898, %select_n3A_883 : vector<16xi1>, vector<16xi32>
      %select_n3A_900 = arith.select %gt3A_895, %select_n3A_888, %select_n3A_899 : vector<16xi1>, vector<16xi32>
      %select_n3A_901 = arith.select %gt3A_896, %get3A_894, %select_n3A_885 : vector<16xi1>, vector<16xf32>
      %select_n3A_902 = arith.select %gt3A_895, %select_n3A_889, %select_n3A_901 : vector<16xi1>, vector<16xf32>
      %jit3A_903 = arith.constant 52 : i32
      %broadcast_in_dim3A_904 = vector.broadcast %jit3A_903 : i32 to vector<16xi32>
      %select_n3A_905 = arith.select %gt3A_895, %broadcast_in_dim3A_904, %select_n3A_888 : vector<16xi1>, vector<16xi32>
      %select_n3A_906 = arith.select %gt3A_895, %get3A_894, %select_n3A_889 : vector<16xi1>, vector<16xf32>
      %get3A_907 = arith.constant 53 : i32
      %get3A_908 = arith.index_cast %get3A_907 : i32 to index
      %get3A_909 = arith.index_cast %mul3A_4 : i32 to index
      %get3A_910 = tpu.vector_load %arg4[%get3A_908, %get3A_909] {strides = array<i32>} : memref<64x256xf32, #tpu.memory_space<vmem>>, vector<1x16xf32>,
      %get3A_911 = vector.shape_cast %get3A_910 : vector<1x16xf32> to vector<16xf32>
      %gt3A_912 = arith.cmpf ogt, %get3A_911, %select_n3A_906 : vector<16xf32>
      %gt3A_913 = arith.cmpf ogt, %get3A_911, %select_n3A_902 : vector<16xf32>
      %jit3A_914 = arith.constant 53 : i32
      %broadcast_in_dim3A_915 = vector.broadcast %jit3A_914 : i32 to vector<16xi32>
      %select_n3A_916 = arith.select %gt3A_913, %broadcast_in_dim3A_915, %select_n3A_900 : vector<16xi1>, vector<16xi32>
      %select_n3A_917 = arith.select %gt3A_912, %select_n3A_905, %select_n3A_916 : vector<16xi1>, vector<16xi32>
      %select_n3A_918 = arith.select %gt3A_913, %get3A_911, %select_n3A_902 : vector<16xi1>, vector<16xf32>
      %select_n3A_919 = arith.select %gt3A_912, %select_n3A_906, %select_n3A_918 : vector<16xi1>, vector<16xf32>
      %jit3A_920 = arith.constant 53 : i32
      %broadcast_in_dim3A_921 = vector.broadcast %jit3A_920 : i32 to vector<16xi32>
      %select_n3A_922 = arith.select %gt3A_912, %broadcast_in_dim3A_921, %select_n3A_905 : vector<16xi1>, vector<16xi32>
      %select_n3A_923 = arith.select %gt3A_912, %get3A_911, %select_n3A_906 : vector<16xi1>, vector<16xf32>
      %get3A_924 = arith.constant 54 : i32
      %get3A_925 = arith.index_cast %get3A_924 : i32 to index
      %get3A_926 = arith.index_cast %mul3A_4 : i32 to index
      %get3A_927 = tpu.vector_load %arg4[%get3A_925, %get3A_926] {strides = array<i32>} : memref<64x256xf32, #tpu.memory_space<vmem>>, vector<1x16xf32>,
      %get3A_928 = vector.shape_cast %get3A_927 : vector<1x16xf32> to vector<16xf32>
      %gt3A_929 = arith.cmpf ogt, %get3A_928, %select_n3A_923 : vector<16xf32>
      %gt3A_930 = arith.cmpf ogt, %get3A_928, %select_n3A_919 : vector<16xf32>
      %jit3A_931 = arith.constant 54 : i32
      %broadcast_in_dim3A_932 = vector.broadcast %jit3A_931 : i32 to vector<16xi32>
      %select_n3A_933 = arith.select %gt3A_930, %broadcast_in_dim3A_932, %select_n3A_917 : vector<16xi1>, vector<16xi32>
      %select_n3A_934 = arith.select %gt3A_929, %select_n3A_922, %select_n3A_933 : vector<16xi1>, vector<16xi32>
      %select_n3A_935 = arith.select %gt3A_930, %get3A_928, %select_n3A_919 : vector<16xi1>, vector<16xf32>
      %select_n3A_936 = arith.select %gt3A_929, %select_n3A_923, %select_n3A_935 : vector<16xi1>, vector<16xf32>
      %jit3A_937 = arith.constant 54 : i32
      %broadcast_in_dim3A_938 = vector.broadcast %jit3A_937 : i32 to vector<16xi32>
      %select_n3A_939 = arith.select %gt3A_929, %broadcast_in_dim3A_938, %select_n3A_922 : vector<16xi1>, vector<16xi32>
      %select_n3A_940 = arith.select %gt3A_929, %get3A_928, %select_n3A_923 : vector<16xi1>, vector<16xf32>
      %get3A_941 = arith.constant 55 : i32
      %get3A_942 = arith.index_cast %get3A_941 : i32 to index
      %get3A_943 = arith.index_cast %mul3A_4 : i32 to index
      %get3A_944 = tpu.vector_load %arg4[%get3A_942, %get3A_943] {strides = array<i32>} : memref<64x256xf32, #tpu.memory_space<vmem>>, vector<1x16xf32>,
      %get3A_945 = vector.shape_cast %get3A_944 : vector<1x16xf32> to vector<16xf32>
      %gt3A_946 = arith.cmpf ogt, %get3A_945, %select_n3A_940 : vector<16xf32>
      %gt3A_947 = arith.cmpf ogt, %get3A_945, %select_n3A_936 : vector<16xf32>
      %jit3A_948 = arith.constant 55 : i32
      %broadcast_in_dim3A_949 = vector.broadcast %jit3A_948 : i32 to vector<16xi32>
      %select_n3A_950 = arith.select %gt3A_947, %broadcast_in_dim3A_949, %select_n3A_934 : vector<16xi1>, vector<16xi32>
      %select_n3A_951 = arith.select %gt3A_946, %select_n3A_939, %select_n3A_950 : vector<16xi1>, vector<16xi32>
      %select_n3A_952 = arith.select %gt3A_947, %get3A_945, %select_n3A_936 : vector<16xi1>, vector<16xf32>
      %select_n3A_953 = arith.select %gt3A_946, %select_n3A_940, %select_n3A_952 : vector<16xi1>, vector<16xf32>
      %jit3A_954 = arith.constant 55 : i32
      %broadcast_in_dim3A_955 = vector.broadcast %jit3A_954 : i32 to vector<16xi32>
      %select_n3A_956 = arith.select %gt3A_946, %broadcast_in_dim3A_955, %select_n3A_939 : vector<16xi1>, vector<16xi32>
      %select_n3A_957 = arith.select %gt3A_946, %get3A_945, %select_n3A_940 : vector<16xi1>, vector<16xf32>
      %get3A_958 = arith.constant 56 : i32
      %get3A_959 = arith.index_cast %get3A_958 : i32 to index
      %get3A_960 = arith.index_cast %mul3A_4 : i32 to index
      %get3A_961 = tpu.vector_load %arg4[%get3A_959, %get3A_960] {strides = array<i32>} : memref<64x256xf32, #tpu.memory_space<vmem>>, vector<1x16xf32>,
      %get3A_962 = vector.shape_cast %get3A_961 : vector<1x16xf32> to vector<16xf32>
      %gt3A_963 = arith.cmpf ogt, %get3A_962, %select_n3A_957 : vector<16xf32>
      %gt3A_964 = arith.cmpf ogt, %get3A_962, %select_n3A_953 : vector<16xf32>
      %jit3A_965 = arith.constant 56 : i32
      %broadcast_in_dim3A_966 = vector.broadcast %jit3A_965 : i32 to vector<16xi32>
      %select_n3A_967 = arith.select %gt3A_964, %broadcast_in_dim3A_966, %select_n3A_951 : vector<16xi1>, vector<16xi32>
      %select_n3A_968 = arith.select %gt3A_963, %select_n3A_956, %select_n3A_967 : vector<16xi1>, vector<16xi32>
      %select_n3A_969 = arith.select %gt3A_964, %get3A_962, %select_n3A_953 : vector<16xi1>, vector<16xf32>
      %select_n3A_970 = arith.select %gt3A_963, %select_n3A_957, %select_n3A_969 : vector<16xi1>, vector<16xf32>
      %jit3A_971 = arith.constant 56 : i32
      %broadcast_in_dim3A_972 = vector.broadcast %jit3A_971 : i32 to vector<16xi32>
      %select_n3A_973 = arith.select %gt3A_963, %broadcast_in_dim3A_972, %select_n3A_956 : vector<16xi1>, vector<16xi32>
      %select_n3A_974 = arith.select %gt3A_963, %get3A_962, %select_n3A_957 : vector<16xi1>, vector<16xf32>
      %get3A_975 = arith.constant 57 : i32
      %get3A_976 = arith.index_cast %get3A_975 : i32 to index
      %get3A_977 = arith.index_cast %mul3A_4 : i32 to index
      %get3A_978 = tpu.vector_load %arg4[%get3A_976, %get3A_977] {strides = array<i32>} : memref<64x256xf32, #tpu.memory_space<vmem>>, vector<1x16xf32>,
      %get3A_979 = vector.shape_cast %get3A_978 : vector<1x16xf32> to vector<16xf32>
      %gt3A_980 = arith.cmpf ogt, %get3A_979, %select_n3A_974 : vector<16xf32>
      %gt3A_981 = arith.cmpf ogt, %get3A_979, %select_n3A_970 : vector<16xf32>
      %jit3A_982 = arith.constant 57 : i32
      %broadcast_in_dim3A_983 = vector.broadcast %jit3A_982 : i32 to vector<16xi32>
      %select_n3A_984 = arith.select %gt3A_981, %broadcast_in_dim3A_983, %select_n3A_968 : vector<16xi1>, vector<16xi32>
      %select_n3A_985 = arith.select %gt3A_980, %select_n3A_973, %select_n3A_984 : vector<16xi1>, vector<16xi32>
      %select_n3A_986 = arith.select %gt3A_981, %get3A_979, %select_n3A_970 : vector<16xi1>, vector<16xf32>
      %select_n3A_987 = arith.select %gt3A_980, %select_n3A_974, %select_n3A_986 : vector<16xi1>, vector<16xf32>
      %jit3A_988 = arith.constant 57 : i32
      %broadcast_in_dim3A_989 = vector.broadcast %jit3A_988 : i32 to vector<16xi32>
      %select_n3A_990 = arith.select %gt3A_980, %broadcast_in_dim3A_989, %select_n3A_973 : vector<16xi1>, vector<16xi32>
      %select_n3A_991 = arith.select %gt3A_980, %get3A_979, %select_n3A_974 : vector<16xi1>, vector<16xf32>
      %get3A_992 = arith.constant 58 : i32
      %get3A_993 = arith.index_cast %get3A_992 : i32 to index
      %get3A_994 = arith.index_cast %mul3A_4 : i32 to index
      %get3A_995 = tpu.vector_load %arg4[%get3A_993, %get3A_994] {strides = array<i32>} : memref<64x256xf32, #tpu.memory_space<vmem>>, vector<1x16xf32>,
      %get3A_996 = vector.shape_cast %get3A_995 : vector<1x16xf32> to vector<16xf32>
      %gt3A_997 = arith.cmpf ogt, %get3A_996, %select_n3A_991 : vector<16xf32>
      %gt3A_998 = arith.cmpf ogt, %get3A_996, %select_n3A_987 : vector<16xf32>
      %jit3A_999 = arith.constant 58 : i32
      %broadcast_in_dim3A_1000 = vector.broadcast %jit3A_999 : i32 to vector<16xi32>
      %select_n3A_1001 = arith.select %gt3A_998, %broadcast_in_dim3A_1000, %select_n3A_985 : vector<16xi1>, vector<16xi32>
      %select_n3A_1002 = arith.select %gt3A_997, %select_n3A_990, %select_n3A_1001 : vector<16xi1>, vector<16xi32>
      %select_n3A_1003 = arith.select %gt3A_998, %get3A_996, %select_n3A_987 : vector<16xi1>, vector<16xf32>
      %select_n3A_1004 = arith.select %gt3A_997, %select_n3A_991, %select_n3A_1003 : vector<16xi1>, vector<16xf32>
      %jit3A_1005 = arith.constant 58 : i32
      %broadcast_in_dim3A_1006 = vector.broadcast %jit3A_1005 : i32 to vector<16xi32>
      %select_n3A_1007 = arith.select %gt3A_997, %broadcast_in_dim3A_1006, %select_n3A_990 : vector<16xi1>, vector<16xi32>
      %select_n3A_1008 = arith.select %gt3A_997, %get3A_996, %select_n3A_991 : vector<16xi1>, vector<16xf32>
      %get3A_1009 = arith.constant 59 : i32
      %get3A_1010 = arith.index_cast %get3A_1009 : i32 to index
      %get3A_1011 = arith.index_cast %mul3A_4 : i32 to index
      %get3A_1012 = tpu.vector_load %arg4[%get3A_1010, %get3A_1011] {strides = array<i32>} : memref<64x256xf32, #tpu.memory_space<vmem>>, vector<1x16xf32>,
      %get3A_1013 = vector.shape_cast %get3A_1012 : vector<1x16xf32> to vector<16xf32>
      %gt3A_1014 = arith.cmpf ogt, %get3A_1013, %select_n3A_1008 : vector<16xf32>
      %gt3A_1015 = arith.cmpf ogt, %get3A_1013, %select_n3A_1004 : vector<16xf32>
      %jit3A_1016 = arith.constant 59 : i32
      %broadcast_in_dim3A_1017 = vector.broadcast %jit3A_1016 : i32 to vector<16xi32>
      %select_n3A_1018 = arith.select %gt3A_1015, %broadcast_in_dim3A_1017, %select_n3A_1002 : vector<16xi1>, vector<16xi32>
      %select_n3A_1019 = arith.select %gt3A_1014, %select_n3A_1007, %select_n3A_1018 : vector<16xi1>, vector<16xi32>
      %select_n3A_1020 = arith.select %gt3A_1015, %get3A_1013, %select_n3A_1004 : vector<16xi1>, vector<16xf32>
      %select_n3A_1021 = arith.select %gt3A_1014, %select_n3A_1008, %select_n3A_1020 : vector<16xi1>, vector<16xf32>
      %jit3A_1022 = arith.constant 59 : i32
      %broadcast_in_dim3A_1023 = vector.broadcast %jit3A_1022 : i32 to vector<16xi32>
      %select_n3A_1024 = arith.select %gt3A_1014, %broadcast_in_dim3A_1023, %select_n3A_1007 : vector<16xi1>, vector<16xi32>
      %select_n3A_1025 = arith.select %gt3A_1014, %get3A_1013, %select_n3A_1008 : vector<16xi1>, vector<16xf32>
      %get3A_1026 = arith.constant 60 : i32
      %get3A_1027 = arith.index_cast %get3A_1026 : i32 to index
      %get3A_1028 = arith.index_cast %mul3A_4 : i32 to index
      %get3A_1029 = tpu.vector_load %arg4[%get3A_1027, %get3A_1028] {strides = array<i32>} : memref<64x256xf32, #tpu.memory_space<vmem>>, vector<1x16xf32>,
      %get3A_1030 = vector.shape_cast %get3A_1029 : vector<1x16xf32> to vector<16xf32>
      %gt3A_1031 = arith.cmpf ogt, %get3A_1030, %select_n3A_1025 : vector<16xf32>
      %gt3A_1032 = arith.cmpf ogt, %get3A_1030, %select_n3A_1021 : vector<16xf32>
      %jit3A_1033 = arith.constant 60 : i32
      %broadcast_in_dim3A_1034 = vector.broadcast %jit3A_1033 : i32 to vector<16xi32>
      %select_n3A_1035 = arith.select %gt3A_1032, %broadcast_in_dim3A_1034, %select_n3A_1019 : vector<16xi1>, vector<16xi32>
      %select_n3A_1036 = arith.select %gt3A_1031, %select_n3A_1024, %select_n3A_1035 : vector<16xi1>, vector<16xi32>
      %select_n3A_1037 = arith.select %gt3A_1032, %get3A_1030, %select_n3A_1021 : vector<16xi1>, vector<16xf32>
      %select_n3A_1038 = arith.select %gt3A_1031, %select_n3A_1025, %select_n3A_1037 : vector<16xi1>, vector<16xf32>
      %jit3A_1039 = arith.constant 60 : i32
      %broadcast_in_dim3A_1040 = vector.broadcast %jit3A_1039 : i32 to vector<16xi32>
      %select_n3A_1041 = arith.select %gt3A_1031, %broadcast_in_dim3A_1040, %select_n3A_1024 : vector<16xi1>, vector<16xi32>
      %select_n3A_1042 = arith.select %gt3A_1031, %get3A_1030, %select_n3A_1025 : vector<16xi1>, vector<16xf32>
      %get3A_1043 = arith.constant 61 : i32
      %get3A_1044 = arith.index_cast %get3A_1043 : i32 to index
      %get3A_1045 = arith.index_cast %mul3A_4 : i32 to index
      %get3A_1046 = tpu.vector_load %arg4[%get3A_1044, %get3A_1045] {strides = array<i32>} : memref<64x256xf32, #tpu.memory_space<vmem>>, vector<1x16xf32>,
      %get3A_1047 = vector.shape_cast %get3A_1046 : vector<1x16xf32> to vector<16xf32>
      %gt3A_1048 = arith.cmpf ogt, %get3A_1047, %select_n3A_1042 : vector<16xf32>
      %gt3A_1049 = arith.cmpf ogt, %get3A_1047, %select_n3A_1038 : vector<16xf32>
      %jit3A_1050 = arith.constant 61 : i32
      %broadcast_in_dim3A_1051 = vector.broadcast %jit3A_1050 : i32 to vector<16xi32>
      %select_n3A_1052 = arith.select %gt3A_1049, %broadcast_in_dim3A_1051, %select_n3A_1036 : vector<16xi1>, vector<16xi32>
      %select_n3A_1053 = arith.select %gt3A_1048, %select_n3A_1041, %select_n3A_1052 : vector<16xi1>, vector<16xi32>
      %select_n3A_1054 = arith.select %gt3A_1049, %get3A_1047, %select_n3A_1038 : vector<16xi1>, vector<16xf32>
      %select_n3A_1055 = arith.select %gt3A_1048, %select_n3A_1042, %select_n3A_1054 : vector<16xi1>, vector<16xf32>
      %jit3A_1056 = arith.constant 61 : i32
      %broadcast_in_dim3A_1057 = vector.broadcast %jit3A_1056 : i32 to vector<16xi32>
      %select_n3A_1058 = arith.select %gt3A_1048, %broadcast_in_dim3A_1057, %select_n3A_1041 : vector<16xi1>, vector<16xi32>
      %select_n3A_1059 = arith.select %gt3A_1048, %get3A_1047, %select_n3A_1042 : vector<16xi1>, vector<16xf32>
      %get3A_1060 = arith.constant 62 : i32
      %get3A_1061 = arith.index_cast %get3A_1060 : i32 to index
      %get3A_1062 = arith.index_cast %mul3A_4 : i32 to index
      %get3A_1063 = tpu.vector_load %arg4[%get3A_1061, %get3A_1062] {strides = array<i32>} : memref<64x256xf32, #tpu.memory_space<vmem>>, vector<1x16xf32>,
      %get3A_1064 = vector.shape_cast %get3A_1063 : vector<1x16xf32> to vector<16xf32>
      %gt3A_1065 = arith.cmpf ogt, %get3A_1064, %select_n3A_1059 : vector<16xf32>
      %gt3A_1066 = arith.cmpf ogt, %get3A_1064, %select_n3A_1055 : vector<16xf32>
      %jit3A_1067 = arith.constant 62 : i32
      %broadcast_in_dim3A_1068 = vector.broadcast %jit3A_1067 : i32 to vector<16xi32>
      %select_n3A_1069 = arith.select %gt3A_1066, %broadcast_in_dim3A_1068, %select_n3A_1053 : vector<16xi1>, vector<16xi32>
      %select_n3A_1070 = arith.select %gt3A_1065, %select_n3A_1058, %select_n3A_1069 : vector<16xi1>, vector<16xi32>
      %select_n3A_1071 = arith.select %gt3A_1066, %get3A_1064, %select_n3A_1055 : vector<16xi1>, vector<16xf32>
      %select_n3A_1072 = arith.select %gt3A_1065, %select_n3A_1059, %select_n3A_1071 : vector<16xi1>, vector<16xf32>
      %jit3A_1073 = arith.constant 62 : i32
      %broadcast_in_dim3A_1074 = vector.broadcast %jit3A_1073 : i32 to vector<16xi32>
      %select_n3A_1075 = arith.select %gt3A_1065, %broadcast_in_dim3A_1074, %select_n3A_1058 : vector<16xi1>, vector<16xi32>
      %select_n3A_1076 = arith.select %gt3A_1065, %get3A_1064, %select_n3A_1059 : vector<16xi1>, vector<16xf32>
      %get3A_1077 = arith.constant 63 : i32
      %get3A_1078 = arith.index_cast %get3A_1077 : i32 to index
      %get3A_1079 = arith.index_cast %mul3A_4 : i32 to index
      %get3A_1080 = tpu.vector_load %arg4[%get3A_1078, %get3A_1079] {strides = array<i32>} : memref<64x256xf32, #tpu.memory_space<vmem>>, vector<1x16xf32>,
      %get3A_1081 = vector.shape_cast %get3A_1080 : vector<1x16xf32> to vector<16xf32>
      %gt3A_1082 = arith.cmpf ogt, %get3A_1081, %select_n3A_1076 : vector<16xf32>
      %gt3A_1083 = arith.cmpf ogt, %get3A_1081, %select_n3A_1072 : vector<16xf32>
      %jit3A_1084 = arith.constant 63 : i32
      %broadcast_in_dim3A_1085 = vector.broadcast %jit3A_1084 : i32 to vector<16xi32>
      %select_n3A_1086 = arith.select %gt3A_1083, %broadcast_in_dim3A_1085, %select_n3A_1070 : vector<16xi1>, vector<16xi32>
      %select_n3A_1087 = arith.select %gt3A_1082, %select_n3A_1075, %select_n3A_1086 : vector<16xi1>, vector<16xi32>
      %select_n3A_1088 = arith.select %gt3A_1083, %get3A_1081, %select_n3A_1072 : vector<16xi1>, vector<16xf32>
      %select_n3A_1089 = arith.select %gt3A_1082, %select_n3A_1076, %select_n3A_1088 : vector<16xi1>, vector<16xf32>
      %jit3A_1090 = arith.constant 63 : i32
      %broadcast_in_dim3A_1091 = vector.broadcast %jit3A_1090 : i32 to vector<16xi32>
      %select_n3A_1092 = arith.select %gt3A_1082, %broadcast_in_dim3A_1091, %select_n3A_1075 : vector<16xi1>, vector<16xi32>
      %select_n3A_1093 = arith.select %gt3A_1082, %get3A_1081, %select_n3A_1076 : vector<16xi1>, vector<16xf32>
      %sub3A = arith.subf %select_n3A_1089, %select_n3A_1093 : vector<16xf32>
      %exp3A = math.exp %sub3A : vector<16xf32>
      %add3A_1094 = arith.constant 1.000000e+00 : f32
      %add3A_1095 = vector.broadcast %add3A_1094 : f32 to vector<16xf32>
      %add3A_1096 = arith.addf %add3A_1095, %exp3A : vector<16xf32>
      %div3A = arith.constant 1.000000e+00 : f32
      %div3A_1097 = vector.broadcast %div3A : f32 to vector<16xf32>
      %div3A_1098 = arith.divf %div3A_1097, %add3A_1096 : vector<16xf32>
      %iota3A = tpu.iota {dimensions = array<i32: 0>} : vector<16xi32>
      %broadcast_in_dim3A_1099 = arith.constant 0 : i32
      %broadcast_in_dim3A_1100 = vector.broadcast %broadcast_in_dim3A_1099 : i32 to vector<16x1xi32>
      %gather3A = vector.shape_cast %broadcast_in_dim3A_1100 : vector<16x1xi32> to vector<16xi32>
      %gather3A_1101 = tpu.dynamic_gather %select_n3A_1092[%gather3A] in [0] : vector<16xi32>, vector<16xi32> -> vector<16xi32>
      %broadcast_in_dim3A_1102 = arith.constant 0 : i32
      %broadcast_in_dim3A_1103 = vector.broadcast %broadcast_in_dim3A_1102 : i32 to vector<16x1xi32>
      %gather3A_1104 = vector.shape_cast %broadcast_in_dim3A_1103 : vector<16x1xi32> to vector<16xi32>
      %gather3A_1105 = tpu.dynamic_gather %select_n3A_1087[%gather3A_1104] in [0] : vector<16xi32>, vector<16xi32> -> vector<16xi32>
      %broadcast_in_dim3A_1106 = arith.constant 0 : i32
      %broadcast_in_dim3A_1107 = vector.broadcast %broadcast_in_dim3A_1106 : i32 to vector<16x1xi32>
      %gather3A_1108 = vector.shape_cast %broadcast_in_dim3A_1107 : vector<16x1xi32> to vector<16xi32>
      %gather3A_1109 = tpu.dynamic_gather %div3A_1098[%gather3A_1108] in [0] : vector<16xf32>, vector<16xi32> -> vector<16xf32>
      %add3A_1110 = arith.constant 0 : i32
      %add3A_1111 = vector.broadcast %add3A_1110 : i32 to vector<16xi32>
      %add3A_1112 = arith.addi %iota3A, %add3A_1111 : vector<16xi32>
      %eq3A = arith.cmpi eq, %add3A_1112, %gather3A_1101 : vector<16xi32>
      %eq3A_1113 = arith.cmpi eq, %add3A_1112, %gather3A_1105 : vector<16xi32>
      %sub3A_1114 = arith.constant 1.000000e+00 : f32
      %sub3A_1115 = vector.broadcast %sub3A_1114 : f32 to vector<16xf32>
      %sub3A_1116 = arith.subf %sub3A_1115, %gather3A_1109 : vector<16xf32>
      %jit3A_1117 = arith.constant 0.000000e+00 : f32
      %broadcast_in_dim3A_1118 = vector.broadcast %jit3A_1117 : f32 to vector<16xf32>
      %select_n3A_1119 = arith.select %eq3A_1113, %sub3A_1116, %broadcast_in_dim3A_1118 : vector<16xi1>, vector<16xf32>
      %select_n3A_1120 = arith.select %eq3A, %gather3A_1109, %select_n3A_1119 : vector<16xi1>, vector<16xf32>
      %swap3A = arith.constant 0 : i32
      %swap3A_1121 = arith.index_cast %swap3A : i32 to index
      %swap3A_1122 = arith.constant 0 : index
      %swap3A_1123 = tpu.vector_load %arg5[%swap3A_1121, %swap3A_1122] {strides = array<i32>} : memref<16x64xf32, #tpu.memory_space<vmem>>, vector<1x16xf32>,
      %swap3A_1124 = vector.shape_cast %swap3A_1123 : vector<1x16xf32> to vector<16xf32>
      %swap3A_1125 = vector.shape_cast %select_n3A_1120 : vector<16xf32> to vector<1x16xf32>
      tpu.vector_store %arg5[%swap3A_1121, %swap3A_1122], %swap3A_1125 {strides = array<i32>} : memref<16x64xf32, #tpu.memory_space<vmem>>, vector<1x16xf32>,
      %add3A_1126 = arith.constant 16 : i32
      %add3A_1127 = vector.broadcast %add3A_1126 : i32 to vector<16xi32>
      %add3A_1128 = arith.addi %iota3A, %add3A_1127 : vector<16xi32>
      %eq3A_1129 = arith.cmpi eq, %add3A_1128, %gather3A_1101 : vector<16xi32>
      %eq3A_1130 = arith.cmpi eq, %add3A_1128, %gather3A_1105 : vector<16xi32>
      %sub3A_1131 = arith.constant 1.000000e+00 : f32
      %sub3A_1132 = vector.broadcast %sub3A_1131 : f32 to vector<16xf32>
      %sub3A_1133 = arith.subf %sub3A_1132, %gather3A_1109 : vector<16xf32>
      %jit3A_1134 = arith.constant 0.000000e+00 : f32
      %broadcast_in_dim3A_1135 = vector.broadcast %jit3A_1134 : f32 to vector<16xf32>
      %select_n3A_1136 = arith.select %eq3A_1130, %sub3A_1133, %broadcast_in_dim3A_1135 : vector<16xi1>, vector<16xf32>
      %select_n3A_1137 = arith.select %eq3A_1129, %gather3A_1109, %select_n3A_1136 : vector<16xi1>, vector<16xf32>
      %swap3A_1138 = arith.constant 0 : i32
      %swap3A_1139 = arith.index_cast %swap3A_1138 : i32 to index
      %swap3A_1140 = arith.constant 16 : index
      %swap3A_1141 = tpu.vector_load %arg5[%swap3A_1139, %swap3A_1140] {strides = array<i32>} : memref<16x64xf32, #tpu.memory_space<vmem>>, vector<1x16xf32>,
      %swap3A_1142 = vector.shape_cast %swap3A_1141 : vector<1x16xf32> to vector<16xf32>
      %swap3A_1143 = vector.shape_cast %select_n3A_1137 : vector<16xf32> to vector<1x16xf32>
      tpu.vector_store %arg5[%swap3A_1139, %swap3A_1140], %swap3A_1143 {strides = array<i32>} : memref<16x64xf32, #tpu.memory_space<vmem>>, vector<1x16xf32>,
      %add3A_1144 = arith.constant 32 : i32
      %add3A_1145 = vector.broadcast %add3A_1144 : i32 to vector<16xi32>
      %add3A_1146 = arith.addi %iota3A, %add3A_1145 : vector<16xi32>
      %eq3A_1147 = arith.cmpi eq, %add3A_1146, %gather3A_1101 : vector<16xi32>
      %eq3A_1148 = arith.cmpi eq, %add3A_1146, %gather3A_1105 : vector<16xi32>
      %sub3A_1149 = arith.constant 1.000000e+00 : f32
      %sub3A_1150 = vector.broadcast %sub3A_1149 : f32 to vector<16xf32>
      %sub3A_1151 = arith.subf %sub3A_1150, %gather3A_1109 : vector<16xf32>
      %jit3A_1152 = arith.constant 0.000000e+00 : f32
      %broadcast_in_dim3A_1153 = vector.broadcast %jit3A_1152 : f32 to vector<16xf32>
      %select_n3A_1154 = arith.select %eq3A_1148, %sub3A_1151, %broadcast_in_dim3A_1153 : vector<16xi1>, vector<16xf32>
      %select_n3A_1155 = arith.select %eq3A_1147, %gather3A_1109, %select_n3A_1154 : vector<16xi1>, vector<16xf32>
      %swap3A_1156 = arith.constant 0 : i32
      %swap3A_1157 = arith.index_cast %swap3A_1156 : i32 to index
      %swap3A_1158 = arith.constant 32 : index
      %swap3A_1159 = tpu.vector_load %arg5[%swap3A_1157, %swap3A_1158] {strides = array<i32>} : memref<16x64xf32, #tpu.memory_space<vmem>>, vector<1x16xf32>,
      %swap3A_1160 = vector.shape_cast %swap3A_1159 : vector<1x16xf32> to vector<16xf32>
      %swap3A_1161 = vector.shape_cast %select_n3A_1155 : vector<16xf32> to vector<1x16xf32>
      tpu.vector_store %arg5[%swap3A_1157, %swap3A_1158], %swap3A_1161 {strides = array<i32>} : memref<16x64xf32, #tpu.memory_space<vmem>>, vector<1x16xf32>,
      %add3A_1162 = arith.constant 48 : i32
      %add3A_1163 = vector.broadcast %add3A_1162 : i32 to vector<16xi32>
      %add3A_1164 = arith.addi %iota3A, %add3A_1163 : vector<16xi32>
      %eq3A_1165 = arith.cmpi eq, %add3A_1164, %gather3A_1101 : vector<16xi32>
      %eq3A_1166 = arith.cmpi eq, %add3A_1164, %gather3A_1105 : vector<16xi32>
      %sub3A_1167 = arith.constant 1.000000e+00 : f32
      %sub3A_1168 = vector.broadcast %sub3A_1167 : f32 to vector<16xf32>
      %sub3A_1169 = arith.subf %sub3A_1168, %gather3A_1109 : vector<16xf32>
      %jit3A_1170 = arith.constant 0.000000e+00 : f32
      %broadcast_in_dim3A_1171 = vector.broadcast %jit3A_1170 : f32 to vector<16xf32>
      %select_n3A_1172 = arith.select %eq3A_1166, %sub3A_1169, %broadcast_in_dim3A_1171 : vector<16xi1>, vector<16xf32>
      %select_n3A_1173 = arith.select %eq3A_1165, %gather3A_1109, %select_n3A_1172 : vector<16xi1>, vector<16xf32>
      %swap3A_1174 = arith.constant 0 : i32
      %swap3A_1175 = arith.index_cast %swap3A_1174 : i32 to index
      %swap3A_1176 = arith.constant 48 : index
      %swap3A_1177 = tpu.vector_load %arg5[%swap3A_1175, %swap3A_1176] {strides = array<i32>} : memref<16x64xf32, #tpu.memory_space<vmem>>, vector<1x16xf32>,
      %swap3A_1178 = vector.shape_cast %swap3A_1177 : vector<1x16xf32> to vector<16xf32>
      %swap3A_1179 = vector.shape_cast %select_n3A_1173 : vector<16xf32> to vector<1x16xf32>
      tpu.vector_store %arg5[%swap3A_1175, %swap3A_1176], %swap3A_1179 {strides = array<i32>} : memref<16x64xf32, #tpu.memory_space<vmem>>, vector<1x16xf32>,
      %broadcast_in_dim3A_1180 = arith.constant 1 : i32
      %broadcast_in_dim3A_1181 = vector.broadcast %broadcast_in_dim3A_1180 : i32 to vector<16x1xi32>
      %gather3A_1182 = vector.shape_cast %broadcast_in_dim3A_1181 : vector<16x1xi32> to vector<16xi32>
      %gather3A_1183 = tpu.dynamic_gather %select_n3A_1092[%gather3A_1182] in [0] : vector<16xi32>, vector<16xi32> -> vector<16xi32>
      %broadcast_in_dim3A_1184 = arith.constant 1 : i32
      %broadcast_in_dim3A_1185 = vector.broadcast %broadcast_in_dim3A_1184 : i32 to vector<16x1xi32>
      %gather3A_1186 = vector.shape_cast %broadcast_in_dim3A_1185 : vector<16x1xi32> to vector<16xi32>
      %gather3A_1187 = tpu.dynamic_gather %select_n3A_1087[%gather3A_1186] in [0] : vector<16xi32>, vector<16xi32> -> vector<16xi32>
      %broadcast_in_dim3A_1188 = arith.constant 1 : i32
      %broadcast_in_dim3A_1189 = vector.broadcast %broadcast_in_dim3A_1188 : i32 to vector<16x1xi32>
      %gather3A_1190 = vector.shape_cast %broadcast_in_dim3A_1189 : vector<16x1xi32> to vector<16xi32>
      %gather3A_1191 = tpu.dynamic_gather %div3A_1098[%gather3A_1190] in [0] : vector<16xf32>, vector<16xi32> -> vector<16xf32>
      %add3A_1192 = arith.constant 0 : i32
      %add3A_1193 = vector.broadcast %add3A_1192 : i32 to vector<16xi32>
      %add3A_1194 = arith.addi %iota3A, %add3A_1193 : vector<16xi32>
      %eq3A_1195 = arith.cmpi eq, %add3A_1194, %gather3A_1183 : vector<16xi32>
      %eq3A_1196 = arith.cmpi eq, %add3A_1194, %gather3A_1187 : vector<16xi32>
      %sub3A_1197 = arith.constant 1.000000e+00 : f32
      %sub3A_1198 = vector.broadcast %sub3A_1197 : f32 to vector<16xf32>
      %sub3A_1199 = arith.subf %sub3A_1198, %gather3A_1191 : vector<16xf32>
      %jit3A_1200 = arith.constant 0.000000e+00 : f32
      %broadcast_in_dim3A_1201 = vector.broadcast %jit3A_1200 : f32 to vector<16xf32>
      %select_n3A_1202 = arith.select %eq3A_1196, %sub3A_1199, %broadcast_in_dim3A_1201 : vector<16xi1>, vector<16xf32>
      %select_n3A_1203 = arith.select %eq3A_1195, %gather3A_1191, %select_n3A_1202 : vector<16xi1>, vector<16xf32>
      %swap3A_1204 = arith.constant 1 : i32
      %swap3A_1205 = arith.index_cast %swap3A_1204 : i32 to index
      %swap3A_1206 = arith.constant 0 : index
      %swap3A_1207 = tpu.vector_load %arg5[%swap3A_1205, %swap3A_1206] {strides = array<i32>} : memref<16x64xf32, #tpu.memory_space<vmem>>, vector<1x16xf32>,
      %swap3A_1208 = vector.shape_cast %swap3A_1207 : vector<1x16xf32> to vector<16xf32>
      %swap3A_1209 = vector.shape_cast %select_n3A_1203 : vector<16xf32> to vector<1x16xf32>
      tpu.vector_store %arg5[%swap3A_1205, %swap3A_1206], %swap3A_1209 {strides = array<i32>} : memref<16x64xf32, #tpu.memory_space<vmem>>, vector<1x16xf32>,
      %add3A_1210 = arith.constant 16 : i32
      %add3A_1211 = vector.broadcast %add3A_1210 : i32 to vector<16xi32>
      %add3A_1212 = arith.addi %iota3A, %add3A_1211 : vector<16xi32>
      %eq3A_1213 = arith.cmpi eq, %add3A_1212, %gather3A_1183 : vector<16xi32>
      %eq3A_1214 = arith.cmpi eq, %add3A_1212, %gather3A_1187 : vector<16xi32>
      %sub3A_1215 = arith.constant 1.000000e+00 : f32
      %sub3A_1216 = vector.broadcast %sub3A_1215 : f32 to vector<16xf32>
      %sub3A_1217 = arith.subf %sub3A_1216, %gather3A_1191 : vector<16xf32>
      %jit3A_1218 = arith.constant 0.000000e+00 : f32
      %broadcast_in_dim3A_1219 = vector.broadcast %jit3A_1218 : f32 to vector<16xf32>
      %select_n3A_1220 = arith.select %eq3A_1214, %sub3A_1217, %broadcast_in_dim3A_1219 : vector<16xi1>, vector<16xf32>
      %select_n3A_1221 = arith.select %eq3A_1213, %gather3A_1191, %select_n3A_1220 : vector<16xi1>, vector<16xf32>
      %swap3A_1222 = arith.constant 1 : i32
      %swap3A_1223 = arith.index_cast %swap3A_1222 : i32 to index
      %swap3A_1224 = arith.constant 16 : index
      %swap3A_1225 = tpu.vector_load %arg5[%swap3A_1223, %swap3A_1224] {strides = array<i32>} : memref<16x64xf32, #tpu.memory_space<vmem>>, vector<1x16xf32>,
      %swap3A_1226 = vector.shape_cast %swap3A_1225 : vector<1x16xf32> to vector<16xf32>
      %swap3A_1227 = vector.shape_cast %select_n3A_1221 : vector<16xf32> to vector<1x16xf32>
      tpu.vector_store %arg5[%swap3A_1223, %swap3A_1224], %swap3A_1227 {strides = array<i32>} : memref<16x64xf32, #tpu.memory_space<vmem>>, vector<1x16xf32>,
      %add3A_1228 = arith.constant 32 : i32
      %add3A_1229 = vector.broadcast %add3A_1228 : i32 to vector<16xi32>
      %add3A_1230 = arith.addi %iota3A, %add3A_1229 : vector<16xi32>
      %eq3A_1231 = arith.cmpi eq, %add3A_1230, %gather3A_1183 : vector<16xi32>
      %eq3A_1232 = arith.cmpi eq, %add3A_1230, %gather3A_1187 : vector<16xi32>
      %sub3A_1233 = arith.constant 1.000000e+00 : f32
      %sub3A_1234 = vector.broadcast %sub3A_1233 : f32 to vector<16xf32>
      %sub3A_1235 = arith.subf %sub3A_1234, %gather3A_1191 : vector<16xf32>
      %jit3A_1236 = arith.constant 0.000000e+00 : f32
      %broadcast_in_dim3A_1237 = vector.broadcast %jit3A_1236 : f32 to vector<16xf32>
      %select_n3A_1238 = arith.select %eq3A_1232, %sub3A_1235, %broadcast_in_dim3A_1237 : vector<16xi1>, vector<16xf32>
      %select_n3A_1239 = arith.select %eq3A_1231, %gather3A_1191, %select_n3A_1238 : vector<16xi1>, vector<16xf32>
      %swap3A_1240 = arith.constant 1 : i32
      %swap3A_1241 = arith.index_cast %swap3A_1240 : i32 to index
      %swap3A_1242 = arith.constant 32 : index
      %swap3A_1243 = tpu.vector_load %arg5[%swap3A_1241, %swap3A_1242] {strides = array<i32>} : memref<16x64xf32, #tpu.memory_space<vmem>>, vector<1x16xf32>,
      %swap3A_1244 = vector.shape_cast %swap3A_1243 : vector<1x16xf32> to vector<16xf32>
      %swap3A_1245 = vector.shape_cast %select_n3A_1239 : vector<16xf32> to vector<1x16xf32>
      tpu.vector_store %arg5[%swap3A_1241, %swap3A_1242], %swap3A_1245 {strides = array<i32>} : memref<16x64xf32, #tpu.memory_space<vmem>>, vector<1x16xf32>,
      %add3A_1246 = arith.constant 48 : i32
      %add3A_1247 = vector.broadcast %add3A_1246 : i32 to vector<16xi32>
      %add3A_1248 = arith.addi %iota3A, %add3A_1247 : vector<16xi32>
      %eq3A_1249 = arith.cmpi eq, %add3A_1248, %gather3A_1183 : vector<16xi32>
      %eq3A_1250 = arith.cmpi eq, %add3A_1248, %gather3A_1187 : vector<16xi32>
      %sub3A_1251 = arith.constant 1.000000e+00 : f32
      %sub3A_1252 = vector.broadcast %sub3A_1251 : f32 to vector<16xf32>
      %sub3A_1253 = arith.subf %sub3A_1252, %gather3A_1191 : vector<16xf32>
      %jit3A_1254 = arith.constant 0.000000e+00 : f32
      %broadcast_in_dim3A_1255 = vector.broadcast %jit3A_1254 : f32 to vector<16xf32>
      %select_n3A_1256 = arith.select %eq3A_1250, %sub3A_1253, %broadcast_in_dim3A_1255 : vector<16xi1>, vector<16xf32>
      %select_n3A_1257 = arith.select %eq3A_1249, %gather3A_1191, %select_n3A_1256 : vector<16xi1>, vector<16xf32>
      %swap3A_1258 = arith.constant 1 : i32
      %swap3A_1259 = arith.index_cast %swap3A_1258 : i32 to index
      %swap3A_1260 = arith.constant 48 : index
      %swap3A_1261 = tpu.vector_load %arg5[%swap3A_1259, %swap3A_1260] {strides = array<i32>} : memref<16x64xf32, #tpu.memory_space<vmem>>, vector<1x16xf32>,
      %swap3A_1262 = vector.shape_cast %swap3A_1261 : vector<1x16xf32> to vector<16xf32>
      %swap3A_1263 = vector.shape_cast %select_n3A_1257 : vector<16xf32> to vector<1x16xf32>
      tpu.vector_store %arg5[%swap3A_1259, %swap3A_1260], %swap3A_1263 {strides = array<i32>} : memref<16x64xf32, #tpu.memory_space<vmem>>, vector<1x16xf32>,
      %broadcast_in_dim3A_1264 = arith.constant 2 : i32
      %broadcast_in_dim3A_1265 = vector.broadcast %broadcast_in_dim3A_1264 : i32 to vector<16x1xi32>
      %gather3A_1266 = vector.shape_cast %broadcast_in_dim3A_1265 : vector<16x1xi32> to vector<16xi32>
      %gather3A_1267 = tpu.dynamic_gather %select_n3A_1092[%gather3A_1266] in [0] : vector<16xi32>, vector<16xi32> -> vector<16xi32>
      %broadcast_in_dim3A_1268 = arith.constant 2 : i32
      %broadcast_in_dim3A_1269 = vector.broadcast %broadcast_in_dim3A_1268 : i32 to vector<16x1xi32>
      %gather3A_1270 = vector.shape_cast %broadcast_in_dim3A_1269 : vector<16x1xi32> to vector<16xi32>
      %gather3A_1271 = tpu.dynamic_gather %select_n3A_1087[%gather3A_1270] in [0] : vector<16xi32>, vector<16xi32> -> vector<16xi32>
      %broadcast_in_dim3A_1272 = arith.constant 2 : i32
      %broadcast_in_dim3A_1273 = vector.broadcast %broadcast_in_dim3A_1272 : i32 to vector<16x1xi32>
      %gather3A_1274 = vector.shape_cast %broadcast_in_dim3A_1273 : vector<16x1xi32> to vector<16xi32>
      %gather3A_1275 = tpu.dynamic_gather %div3A_1098[%gather3A_1274] in [0] : vector<16xf32>, vector<16xi32> -> vector<16xf32>
      %add3A_1276 = arith.constant 0 : i32
      %add3A_1277 = vector.broadcast %add3A_1276 : i32 to vector<16xi32>
      %add3A_1278 = arith.addi %iota3A, %add3A_1277 : vector<16xi32>
      %eq3A_1279 = arith.cmpi eq, %add3A_1278, %gather3A_1267 : vector<16xi32>
      %eq3A_1280 = arith.cmpi eq, %add3A_1278, %gather3A_1271 : vector<16xi32>
      %sub3A_1281 = arith.constant 1.000000e+00 : f32
      %sub3A_1282 = vector.broadcast %sub3A_1281 : f32 to vector<16xf32>
      %sub3A_1283 = arith.subf %sub3A_1282, %gather3A_1275 : vector<16xf32>
      %jit3A_1284 = arith.constant 0.000000e+00 : f32
      %broadcast_in_dim3A_1285 = vector.broadcast %jit3A_1284 : f32 to vector<16xf32>
      %select_n3A_1286 = arith.select %eq3A_1280, %sub3A_1283, %broadcast_in_dim3A_1285 : vector<16xi1>, vector<16xf32>
      %select_n3A_1287 = arith.select %eq3A_1279, %gather3A_1275, %select_n3A_1286 : vector<16xi1>, vector<16xf32>
      %swap3A_1288 = arith.constant 2 : i32
      %swap3A_1289 = arith.index_cast %swap3A_1288 : i32 to index
      %swap3A_1290 = arith.constant 0 : index
      %swap3A_1291 = tpu.vector_load %arg5[%swap3A_1289, %swap3A_1290] {strides = array<i32>} : memref<16x64xf32, #tpu.memory_space<vmem>>, vector<1x16xf32>,
      %swap3A_1292 = vector.shape_cast %swap3A_1291 : vector<1x16xf32> to vector<16xf32>
      %swap3A_1293 = vector.shape_cast %select_n3A_1287 : vector<16xf32> to vector<1x16xf32>
      tpu.vector_store %arg5[%swap3A_1289, %swap3A_1290], %swap3A_1293 {strides = array<i32>} : memref<16x64xf32, #tpu.memory_space<vmem>>, vector<1x16xf32>,
      %add3A_1294 = arith.constant 16 : i32
      %add3A_1295 = vector.broadcast %add3A_1294 : i32 to vector<16xi32>
      %add3A_1296 = arith.addi %iota3A, %add3A_1295 : vector<16xi32>
      %eq3A_1297 = arith.cmpi eq, %add3A_1296, %gather3A_1267 : vector<16xi32>
      %eq3A_1298 = arith.cmpi eq, %add3A_1296, %gather3A_1271 : vector<16xi32>
      %sub3A_1299 = arith.constant 1.000000e+00 : f32
      %sub3A_1300 = vector.broadcast %sub3A_1299 : f32 to vector<16xf32>
      %sub3A_1301 = arith.subf %sub3A_1300, %gather3A_1275 : vector<16xf32>
      %jit3A_1302 = arith.constant 0.000000e+00 : f32
      %broadcast_in_dim3A_1303 = vector.broadcast %jit3A_1302 : f32 to vector<16xf32>
      %select_n3A_1304 = arith.select %eq3A_1298, %sub3A_1301, %broadcast_in_dim3A_1303 : vector<16xi1>, vector<16xf32>
      %select_n3A_1305 = arith.select %eq3A_1297, %gather3A_1275, %select_n3A_1304 : vector<16xi1>, vector<16xf32>
      %swap3A_1306 = arith.constant 2 : i32
      %swap3A_1307 = arith.index_cast %swap3A_1306 : i32 to index
      %swap3A_1308 = arith.constant 16 : index
      %swap3A_1309 = tpu.vector_load %arg5[%swap3A_1307, %swap3A_1308] {strides = array<i32>} : memref<16x64xf32, #tpu.memory_space<vmem>>, vector<1x16xf32>,
      %swap3A_1310 = vector.shape_cast %swap3A_1309 : vector<1x16xf32> to vector<16xf32>
      %swap3A_1311 = vector.shape_cast %select_n3A_1305 : vector<16xf32> to vector<1x16xf32>
      tpu.vector_store %arg5[%swap3A_1307, %swap3A_1308], %swap3A_1311 {strides = array<i32>} : memref<16x64xf32, #tpu.memory_space<vmem>>, vector<1x16xf32>,
      %add3A_1312 = arith.constant 32 : i32
      %add3A_1313 = vector.broadcast %add3A_1312 : i32 to vector<16xi32>
      %add3A_1314 = arith.addi %iota3A, %add3A_1313 : vector<16xi32>
      %eq3A_1315 = arith.cmpi eq, %add3A_1314, %gather3A_1267 : vector<16xi32>
      %eq3A_1316 = arith.cmpi eq, %add3A_1314, %gather3A_1271 : vector<16xi32>
      %sub3A_1317 = arith.constant 1.000000e+00 : f32
      %sub3A_1318 = vector.broadcast %sub3A_1317 : f32 to vector<16xf32>
      %sub3A_1319 = arith.subf %sub3A_1318, %gather3A_1275 : vector<16xf32>
      %jit3A_1320 = arith.constant 0.000000e+00 : f32
      %broadcast_in_dim3A_1321 = vector.broadcast %jit3A_1320 : f32 to vector<16xf32>
      %select_n3A_1322 = arith.select %eq3A_1316, %sub3A_1319, %broadcast_in_dim3A_1321 : vector<16xi1>, vector<16xf32>
      %select_n3A_1323 = arith.select %eq3A_1315, %gather3A_1275, %select_n3A_1322 : vector<16xi1>, vector<16xf32>
      %swap3A_1324 = arith.constant 2 : i32
      %swap3A_1325 = arith.index_cast %swap3A_1324 : i32 to index
      %swap3A_1326 = arith.constant 32 : index
      %swap3A_1327 = tpu.vector_load %arg5[%swap3A_1325, %swap3A_1326] {strides = array<i32>} : memref<16x64xf32, #tpu.memory_space<vmem>>, vector<1x16xf32>,
      %swap3A_1328 = vector.shape_cast %swap3A_1327 : vector<1x16xf32> to vector<16xf32>
      %swap3A_1329 = vector.shape_cast %select_n3A_1323 : vector<16xf32> to vector<1x16xf32>
      tpu.vector_store %arg5[%swap3A_1325, %swap3A_1326], %swap3A_1329 {strides = array<i32>} : memref<16x64xf32, #tpu.memory_space<vmem>>, vector<1x16xf32>,
      %add3A_1330 = arith.constant 48 : i32
      %add3A_1331 = vector.broadcast %add3A_1330 : i32 to vector<16xi32>
      %add3A_1332 = arith.addi %iota3A, %add3A_1331 : vector<16xi32>
      %eq3A_1333 = arith.cmpi eq, %add3A_1332, %gather3A_1267 : vector<16xi32>
      %eq3A_1334 = arith.cmpi eq, %add3A_1332, %gather3A_1271 : vector<16xi32>
      %sub3A_1335 = arith.constant 1.000000e+00 : f32
      %sub3A_1336 = vector.broadcast %sub3A_1335 : f32 to vector<16xf32>
      %sub3A_1337 = arith.subf %sub3A_1336, %gather3A_1275 : vector<16xf32>
      %jit3A_1338 = arith.constant 0.000000e+00 : f32
      %broadcast_in_dim3A_1339 = vector.broadcast %jit3A_1338 : f32 to vector<16xf32>
      %select_n3A_1340 = arith.select %eq3A_1334, %sub3A_1337, %broadcast_in_dim3A_1339 : vector<16xi1>, vector<16xf32>
      %select_n3A_1341 = arith.select %eq3A_1333, %gather3A_1275, %select_n3A_1340 : vector<16xi1>, vector<16xf32>
      %swap3A_1342 = arith.constant 2 : i32
      %swap3A_1343 = arith.index_cast %swap3A_1342 : i32 to index
      %swap3A_1344 = arith.constant 48 : index
      %swap3A_1345 = tpu.vector_load %arg5[%swap3A_1343, %swap3A_1344] {strides = array<i32>} : memref<16x64xf32, #tpu.memory_space<vmem>>, vector<1x16xf32>,
      %swap3A_1346 = vector.shape_cast %swap3A_1345 : vector<1x16xf32> to vector<16xf32>
      %swap3A_1347 = vector.shape_cast %select_n3A_1341 : vector<16xf32> to vector<1x16xf32>
      tpu.vector_store %arg5[%swap3A_1343, %swap3A_1344], %swap3A_1347 {strides = array<i32>} : memref<16x64xf32, #tpu.memory_space<vmem>>, vector<1x16xf32>,
      %broadcast_in_dim3A_1348 = arith.constant 3 : i32
      %broadcast_in_dim3A_1349 = vector.broadcast %broadcast_in_dim3A_1348 : i32 to vector<16x1xi32>
      %gather3A_1350 = vector.shape_cast %broadcast_in_dim3A_1349 : vector<16x1xi32> to vector<16xi32>
      %gather3A_1351 = tpu.dynamic_gather %select_n3A_1092[%gather3A_1350] in [0] : vector<16xi32>, vector<16xi32> -> vector<16xi32>
      %broadcast_in_dim3A_1352 = arith.constant 3 : i32
      %broadcast_in_dim3A_1353 = vector.broadcast %broadcast_in_dim3A_1352 : i32 to vector<16x1xi32>
      %gather3A_1354 = vector.shape_cast %broadcast_in_dim3A_1353 : vector<16x1xi32> to vector<16xi32>
      %gather3A_1355 = tpu.dynamic_gather %select_n3A_1087[%gather3A_1354] in [0] : vector<16xi32>, vector<16xi32> -> vector<16xi32>
      %broadcast_in_dim3A_1356 = arith.constant 3 : i32
      %broadcast_in_dim3A_1357 = vector.broadcast %broadcast_in_dim3A_1356 : i32 to vector<16x1xi32>
      %gather3A_1358 = vector.shape_cast %broadcast_in_dim3A_1357 : vector<16x1xi32> to vector<16xi32>
      %gather3A_1359 = tpu.dynamic_gather %div3A_1098[%gather3A_1358] in [0] : vector<16xf32>, vector<16xi32> -> vector<16xf32>
      %add3A_1360 = arith.constant 0 : i32
      %add3A_1361 = vector.broadcast %add3A_1360 : i32 to vector<16xi32>
      %add3A_1362 = arith.addi %iota3A, %add3A_1361 : vector<16xi32>
      %eq3A_1363 = arith.cmpi eq, %add3A_1362, %gather3A_1351 : vector<16xi32>
      %eq3A_1364 = arith.cmpi eq, %add3A_1362, %gather3A_1355 : vector<16xi32>
      %sub3A_1365 = arith.constant 1.000000e+00 : f32
      %sub3A_1366 = vector.broadcast %sub3A_1365 : f32 to vector<16xf32>
      %sub3A_1367 = arith.subf %sub3A_1366, %gather3A_1359 : vector<16xf32>
      %jit3A_1368 = arith.constant 0.000000e+00 : f32
      %broadcast_in_dim3A_1369 = vector.broadcast %jit3A_1368 : f32 to vector<16xf32>
      %select_n3A_1370 = arith.select %eq3A_1364, %sub3A_1367, %broadcast_in_dim3A_1369 : vector<16xi1>, vector<16xf32>
      %select_n3A_1371 = arith.select %eq3A_1363, %gather3A_1359, %select_n3A_1370 : vector<16xi1>, vector<16xf32>
      %swap3A_1372 = arith.constant 3 : i32
      %swap3A_1373 = arith.index_cast %swap3A_1372 : i32 to index
      %swap3A_1374 = arith.constant 0 : index
      %swap3A_1375 = tpu.vector_load %arg5[%swap3A_1373, %swap3A_1374] {strides = array<i32>} : memref<16x64xf32, #tpu.memory_space<vmem>>, vector<1x16xf32>,
      %swap3A_1376 = vector.shape_cast %swap3A_1375 : vector<1x16xf32> to vector<16xf32>
      %swap3A_1377 = vector.shape_cast %select_n3A_1371 : vector<16xf32> to vector<1x16xf32>
      tpu.vector_store %arg5[%swap3A_1373, %swap3A_1374], %swap3A_1377 {strides = array<i32>} : memref<16x64xf32, #tpu.memory_space<vmem>>, vector<1x16xf32>,
      %add3A_1378 = arith.constant 16 : i32
      %add3A_1379 = vector.broadcast %add3A_1378 : i32 to vector<16xi32>
      %add3A_1380 = arith.addi %iota3A, %add3A_1379 : vector<16xi32>
      %eq3A_1381 = arith.cmpi eq, %add3A_1380, %gather3A_1351 : vector<16xi32>
      %eq3A_1382 = arith.cmpi eq, %add3A_1380, %gather3A_1355 : vector<16xi32>
      %sub3A_1383 = arith.constant 1.000000e+00 : f32
      %sub3A_1384 = vector.broadcast %sub3A_1383 : f32 to vector<16xf32>
      %sub3A_1385 = arith.subf %sub3A_1384, %gather3A_1359 : vector<16xf32>
      %jit3A_1386 = arith.constant 0.000000e+00 : f32
      %broadcast_in_dim3A_1387 = vector.broadcast %jit3A_1386 : f32 to vector<16xf32>
      %select_n3A_1388 = arith.select %eq3A_1382, %sub3A_1385, %broadcast_in_dim3A_1387 : vector<16xi1>, vector<16xf32>
      %select_n3A_1389 = arith.select %eq3A_1381, %gather3A_1359, %select_n3A_1388 : vector<16xi1>, vector<16xf32>
      %swap3A_1390 = arith.constant 3 : i32
      %swap3A_1391 = arith.index_cast %swap3A_1390 : i32 to index
      %swap3A_1392 = arith.constant 16 : index
      %swap3A_1393 = tpu.vector_load %arg5[%swap3A_1391, %swap3A_1392] {strides = array<i32>} : memref<16x64xf32, #tpu.memory_space<vmem>>, vector<1x16xf32>,
      %swap3A_1394 = vector.shape_cast %swap3A_1393 : vector<1x16xf32> to vector<16xf32>
      %swap3A_1395 = vector.shape_cast %select_n3A_1389 : vector<16xf32> to vector<1x16xf32>
      tpu.vector_store %arg5[%swap3A_1391, %swap3A_1392], %swap3A_1395 {strides = array<i32>} : memref<16x64xf32, #tpu.memory_space<vmem>>, vector<1x16xf32>,
      %add3A_1396 = arith.constant 32 : i32
      %add3A_1397 = vector.broadcast %add3A_1396 : i32 to vector<16xi32>
      %add3A_1398 = arith.addi %iota3A, %add3A_1397 : vector<16xi32>
      %eq3A_1399 = arith.cmpi eq, %add3A_1398, %gather3A_1351 : vector<16xi32>
      %eq3A_1400 = arith.cmpi eq, %add3A_1398, %gather3A_1355 : vector<16xi32>
      %sub3A_1401 = arith.constant 1.000000e+00 : f32
      %sub3A_1402 = vector.broadcast %sub3A_1401 : f32 to vector<16xf32>
      %sub3A_1403 = arith.subf %sub3A_1402, %gather3A_1359 : vector<16xf32>
      %jit3A_1404 = arith.constant 0.000000e+00 : f32
      %broadcast_in_dim3A_1405 = vector.broadcast %jit3A_1404 : f32 to vector<16xf32>
      %select_n3A_1406 = arith.select %eq3A_1400, %sub3A_1403, %broadcast_in_dim3A_1405 : vector<16xi1>, vector<16xf32>
      %select_n3A_1407 = arith.select %eq3A_1399, %gather3A_1359, %select_n3A_1406 : vector<16xi1>, vector<16xf32>
      %swap3A_1408 = arith.constant 3 : i32
      %swap3A_1409 = arith.index_cast %swap3A_1408 : i32 to index
      %swap3A_1410 = arith.constant 32 : index
      %swap3A_1411 = tpu.vector_load %arg5[%swap3A_1409, %swap3A_1410] {strides = array<i32>} : memref<16x64xf32, #tpu.memory_space<vmem>>, vector<1x16xf32>,
      %swap3A_1412 = vector.shape_cast %swap3A_1411 : vector<1x16xf32> to vector<16xf32>
      %swap3A_1413 = vector.shape_cast %select_n3A_1407 : vector<16xf32> to vector<1x16xf32>
      tpu.vector_store %arg5[%swap3A_1409, %swap3A_1410], %swap3A_1413 {strides = array<i32>} : memref<16x64xf32, #tpu.memory_space<vmem>>, vector<1x16xf32>,
      %add3A_1414 = arith.constant 48 : i32
      %add3A_1415 = vector.broadcast %add3A_1414 : i32 to vector<16xi32>
      %add3A_1416 = arith.addi %iota3A, %add3A_1415 : vector<16xi32>
      %eq3A_1417 = arith.cmpi eq, %add3A_1416, %gather3A_1351 : vector<16xi32>
      %eq3A_1418 = arith.cmpi eq, %add3A_1416, %gather3A_1355 : vector<16xi32>
      %sub3A_1419 = arith.constant 1.000000e+00 : f32
      %sub3A_1420 = vector.broadcast %sub3A_1419 : f32 to vector<16xf32>
      %sub3A_1421 = arith.subf %sub3A_1420, %gather3A_1359 : vector<16xf32>
      %jit3A_1422 = arith.constant 0.000000e+00 : f32
      %broadcast_in_dim3A_1423 = vector.broadcast %jit3A_1422 : f32 to vector<16xf32>
      %select_n3A_1424 = arith.select %eq3A_1418, %sub3A_1421, %broadcast_in_dim3A_1423 : vector<16xi1>, vector<16xf32>
      %select_n3A_1425 = arith.select %eq3A_1417, %gather3A_1359, %select_n3A_1424 : vector<16xi1>, vector<16xf32>
      %swap3A_1426 = arith.constant 3 : i32
      %swap3A_1427 = arith.index_cast %swap3A_1426 : i32 to index
      %swap3A_1428 = arith.constant 48 : index
      %swap3A_1429 = tpu.vector_load %arg5[%swap3A_1427, %swap3A_1428] {strides = array<i32>} : memref<16x64xf32, #tpu.memory_space<vmem>>, vector<1x16xf32>,
      %swap3A_1430 = vector.shape_cast %swap3A_1429 : vector<1x16xf32> to vector<16xf32>
      %swap3A_1431 = vector.shape_cast %select_n3A_1425 : vector<16xf32> to vector<1x16xf32>
      tpu.vector_store %arg5[%swap3A_1427, %swap3A_1428], %swap3A_1431 {strides = array<i32>} : memref<16x64xf32, #tpu.memory_space<vmem>>, vector<1x16xf32>,
      %broadcast_in_dim3A_1432 = arith.constant 4 : i32
      %broadcast_in_dim3A_1433 = vector.broadcast %broadcast_in_dim3A_1432 : i32 to vector<16x1xi32>
      %gather3A_1434 = vector.shape_cast %broadcast_in_dim3A_1433 : vector<16x1xi32> to vector<16xi32>
      %gather3A_1435 = tpu.dynamic_gather %select_n3A_1092[%gather3A_1434] in [0] : vector<16xi32>, vector<16xi32> -> vector<16xi32>
      %broadcast_in_dim3A_1436 = arith.constant 4 : i32
      %broadcast_in_dim3A_1437 = vector.broadcast %broadcast_in_dim3A_1436 : i32 to vector<16x1xi32>
      %gather3A_1438 = vector.shape_cast %broadcast_in_dim3A_1437 : vector<16x1xi32> to vector<16xi32>
      %gather3A_1439 = tpu.dynamic_gather %select_n3A_1087[%gather3A_1438] in [0] : vector<16xi32>, vector<16xi32> -> vector<16xi32>
      %broadcast_in_dim3A_1440 = arith.constant 4 : i32
      %broadcast_in_dim3A_1441 = vector.broadcast %broadcast_in_dim3A_1440 : i32 to vector<16x1xi32>
      %gather3A_1442 = vector.shape_cast %broadcast_in_dim3A_1441 : vector<16x1xi32> to vector<16xi32>
      %gather3A_1443 = tpu.dynamic_gather %div3A_1098[%gather3A_1442] in [0] : vector<16xf32>, vector<16xi32> -> vector<16xf32>
      %add3A_1444 = arith.constant 0 : i32
      %add3A_1445 = vector.broadcast %add3A_1444 : i32 to vector<16xi32>
      %add3A_1446 = arith.addi %iota3A, %add3A_1445 : vector<16xi32>
      %eq3A_1447 = arith.cmpi eq, %add3A_1446, %gather3A_1435 : vector<16xi32>
      %eq3A_1448 = arith.cmpi eq, %add3A_1446, %gather3A_1439 : vector<16xi32>
      %sub3A_1449 = arith.constant 1.000000e+00 : f32
      %sub3A_1450 = vector.broadcast %sub3A_1449 : f32 to vector<16xf32>
      %sub3A_1451 = arith.subf %sub3A_1450, %gather3A_1443 : vector<16xf32>
      %jit3A_1452 = arith.constant 0.000000e+00 : f32
      %broadcast_in_dim3A_1453 = vector.broadcast %jit3A_1452 : f32 to vector<16xf32>
      %select_n3A_1454 = arith.select %eq3A_1448, %sub3A_1451, %broadcast_in_dim3A_1453 : vector<16xi1>, vector<16xf32>
      %select_n3A_1455 = arith.select %eq3A_1447, %gather3A_1443, %select_n3A_1454 : vector<16xi1>, vector<16xf32>
      %swap3A_1456 = arith.constant 4 : i32
      %swap3A_1457 = arith.index_cast %swap3A_1456 : i32 to index
      %swap3A_1458 = arith.constant 0 : index
      %swap3A_1459 = tpu.vector_load %arg5[%swap3A_1457, %swap3A_1458] {strides = array<i32>} : memref<16x64xf32, #tpu.memory_space<vmem>>, vector<1x16xf32>,
      %swap3A_1460 = vector.shape_cast %swap3A_1459 : vector<1x16xf32> to vector<16xf32>
      %swap3A_1461 = vector.shape_cast %select_n3A_1455 : vector<16xf32> to vector<1x16xf32>
      tpu.vector_store %arg5[%swap3A_1457, %swap3A_1458], %swap3A_1461 {strides = array<i32>} : memref<16x64xf32, #tpu.memory_space<vmem>>, vector<1x16xf32>,
      %add3A_1462 = arith.constant 16 : i32
      %add3A_1463 = vector.broadcast %add3A_1462 : i32 to vector<16xi32>
      %add3A_1464 = arith.addi %iota3A, %add3A_1463 : vector<16xi32>
      %eq3A_1465 = arith.cmpi eq, %add3A_1464, %gather3A_1435 : vector<16xi32>
      %eq3A_1466 = arith.cmpi eq, %add3A_1464, %gather3A_1439 : vector<16xi32>
      %sub3A_1467 = arith.constant 1.000000e+00 : f32
      %sub3A_1468 = vector.broadcast %sub3A_1467 : f32 to vector<16xf32>
      %sub3A_1469 = arith.subf %sub3A_1468, %gather3A_1443 : vector<16xf32>
      %jit3A_1470 = arith.constant 0.000000e+00 : f32
      %broadcast_in_dim3A_1471 = vector.broadcast %jit3A_1470 : f32 to vector<16xf32>
      %select_n3A_1472 = arith.select %eq3A_1466, %sub3A_1469, %broadcast_in_dim3A_1471 : vector<16xi1>, vector<16xf32>
      %select_n3A_1473 = arith.select %eq3A_1465, %gather3A_1443, %select_n3A_1472 : vector<16xi1>, vector<16xf32>
      %swap3A_1474 = arith.constant 4 : i32
      %swap3A_1475 = arith.index_cast %swap3A_1474 : i32 to index
      %swap3A_1476 = arith.constant 16 : index
      %swap3A_1477 = tpu.vector_load %arg5[%swap3A_1475, %swap3A_1476] {strides = array<i32>} : memref<16x64xf32, #tpu.memory_space<vmem>>, vector<1x16xf32>,
      %swap3A_1478 = vector.shape_cast %swap3A_1477 : vector<1x16xf32> to vector<16xf32>
      %swap3A_1479 = vector.shape_cast %select_n3A_1473 : vector<16xf32> to vector<1x16xf32>
      tpu.vector_store %arg5[%swap3A_1475, %swap3A_1476], %swap3A_1479 {strides = array<i32>} : memref<16x64xf32, #tpu.memory_space<vmem>>, vector<1x16xf32>,
      %add3A_1480 = arith.constant 32 : i32
      %add3A_1481 = vector.broadcast %add3A_1480 : i32 to vector<16xi32>
      %add3A_1482 = arith.addi %iota3A, %add3A_1481 : vector<16xi32>
      %eq3A_1483 = arith.cmpi eq, %add3A_1482, %gather3A_1435 : vector<16xi32>
      %eq3A_1484 = arith.cmpi eq, %add3A_1482, %gather3A_1439 : vector<16xi32>
      %sub3A_1485 = arith.constant 1.000000e+00 : f32
      %sub3A_1486 = vector.broadcast %sub3A_1485 : f32 to vector<16xf32>
      %sub3A_1487 = arith.subf %sub3A_1486, %gather3A_1443 : vector<16xf32>
      %jit3A_1488 = arith.constant 0.000000e+00 : f32
      %broadcast_in_dim3A_1489 = vector.broadcast %jit3A_1488 : f32 to vector<16xf32>
      %select_n3A_1490 = arith.select %eq3A_1484, %sub3A_1487, %broadcast_in_dim3A_1489 : vector<16xi1>, vector<16xf32>
      %select_n3A_1491 = arith.select %eq3A_1483, %gather3A_1443, %select_n3A_1490 : vector<16xi1>, vector<16xf32>
      %swap3A_1492 = arith.constant 4 : i32
      %swap3A_1493 = arith.index_cast %swap3A_1492 : i32 to index
      %swap3A_1494 = arith.constant 32 : index
      %swap3A_1495 = tpu.vector_load %arg5[%swap3A_1493, %swap3A_1494] {strides = array<i32>} : memref<16x64xf32, #tpu.memory_space<vmem>>, vector<1x16xf32>,
      %swap3A_1496 = vector.shape_cast %swap3A_1495 : vector<1x16xf32> to vector<16xf32>
      %swap3A_1497 = vector.shape_cast %select_n3A_1491 : vector<16xf32> to vector<1x16xf32>
      tpu.vector_store %arg5[%swap3A_1493, %swap3A_1494], %swap3A_1497 {strides = array<i32>} : memref<16x64xf32, #tpu.memory_space<vmem>>, vector<1x16xf32>,
      %add3A_1498 = arith.constant 48 : i32
      %add3A_1499 = vector.broadcast %add3A_1498 : i32 to vector<16xi32>
      %add3A_1500 = arith.addi %iota3A, %add3A_1499 : vector<16xi32>
      %eq3A_1501 = arith.cmpi eq, %add3A_1500, %gather3A_1435 : vector<16xi32>
      %eq3A_1502 = arith.cmpi eq, %add3A_1500, %gather3A_1439 : vector<16xi32>
      %sub3A_1503 = arith.constant 1.000000e+00 : f32
      %sub3A_1504 = vector.broadcast %sub3A_1503 : f32 to vector<16xf32>
      %sub3A_1505 = arith.subf %sub3A_1504, %gather3A_1443 : vector<16xf32>
      %jit3A_1506 = arith.constant 0.000000e+00 : f32
      %broadcast_in_dim3A_1507 = vector.broadcast %jit3A_1506 : f32 to vector<16xf32>
      %select_n3A_1508 = arith.select %eq3A_1502, %sub3A_1505, %broadcast_in_dim3A_1507 : vector<16xi1>, vector<16xf32>
      %select_n3A_1509 = arith.select %eq3A_1501, %gather3A_1443, %select_n3A_1508 : vector<16xi1>, vector<16xf32>
      %swap3A_1510 = arith.constant 4 : i32
      %swap3A_1511 = arith.index_cast %swap3A_1510 : i32 to index
      %swap3A_1512 = arith.constant 48 : index
      %swap3A_1513 = tpu.vector_load %arg5[%swap3A_1511, %swap3A_1512] {strides = array<i32>} : memref<16x64xf32, #tpu.memory_space<vmem>>, vector<1x16xf32>,
      %swap3A_1514 = vector.shape_cast %swap3A_1513 : vector<1x16xf32> to vector<16xf32>
      %swap3A_1515 = vector.shape_cast %select_n3A_1509 : vector<16xf32> to vector<1x16xf32>
      tpu.vector_store %arg5[%swap3A_1511, %swap3A_1512], %swap3A_1515 {strides = array<i32>} : memref<16x64xf32, #tpu.memory_space<vmem>>, vector<1x16xf32>,
      %broadcast_in_dim3A_1516 = arith.constant 5 : i32
      %broadcast_in_dim3A_1517 = vector.broadcast %broadcast_in_dim3A_1516 : i32 to vector<16x1xi32>
      %gather3A_1518 = vector.shape_cast %broadcast_in_dim3A_1517 : vector<16x1xi32> to vector<16xi32>
      %gather3A_1519 = tpu.dynamic_gather %select_n3A_1092[%gather3A_1518] in [0] : vector<16xi32>, vector<16xi32> -> vector<16xi32>
      %broadcast_in_dim3A_1520 = arith.constant 5 : i32
      %broadcast_in_dim3A_1521 = vector.broadcast %broadcast_in_dim3A_1520 : i32 to vector<16x1xi32>
      %gather3A_1522 = vector.shape_cast %broadcast_in_dim3A_1521 : vector<16x1xi32> to vector<16xi32>
      %gather3A_1523 = tpu.dynamic_gather %select_n3A_1087[%gather3A_1522] in [0] : vector<16xi32>, vector<16xi32> -> vector<16xi32>
      %broadcast_in_dim3A_1524 = arith.constant 5 : i32
      %broadcast_in_dim3A_1525 = vector.broadcast %broadcast_in_dim3A_1524 : i32 to vector<16x1xi32>
      %gather3A_1526 = vector.shape_cast %broadcast_in_dim3A_1525 : vector<16x1xi32> to vector<16xi32>
      %gather3A_1527 = tpu.dynamic_gather %div3A_1098[%gather3A_1526] in [0] : vector<16xf32>, vector<16xi32> -> vector<16xf32>
      %add3A_1528 = arith.constant 0 : i32
      %add3A_1529 = vector.broadcast %add3A_1528 : i32 to vector<16xi32>
      %add3A_1530 = arith.addi %iota3A, %add3A_1529 : vector<16xi32>
      %eq3A_1531 = arith.cmpi eq, %add3A_1530, %gather3A_1519 : vector<16xi32>
      %eq3A_1532 = arith.cmpi eq, %add3A_1530, %gather3A_1523 : vector<16xi32>
      %sub3A_1533 = arith.constant 1.000000e+00 : f32
      %sub3A_1534 = vector.broadcast %sub3A_1533 : f32 to vector<16xf32>
      %sub3A_1535 = arith.subf %sub3A_1534, %gather3A_1527 : vector<16xf32>
      %jit3A_1536 = arith.constant 0.000000e+00 : f32
      %broadcast_in_dim3A_1537 = vector.broadcast %jit3A_1536 : f32 to vector<16xf32>
      %select_n3A_1538 = arith.select %eq3A_1532, %sub3A_1535, %broadcast_in_dim3A_1537 : vector<16xi1>, vector<16xf32>
      %select_n3A_1539 = arith.select %eq3A_1531, %gather3A_1527, %select_n3A_1538 : vector<16xi1>, vector<16xf32>
      %swap3A_1540 = arith.constant 5 : i32
      %swap3A_1541 = arith.index_cast %swap3A_1540 : i32 to index
      %swap3A_1542 = arith.constant 0 : index
      %swap3A_1543 = tpu.vector_load %arg5[%swap3A_1541, %swap3A_1542] {strides = array<i32>} : memref<16x64xf32, #tpu.memory_space<vmem>>, vector<1x16xf32>,
      %swap3A_1544 = vector.shape_cast %swap3A_1543 : vector<1x16xf32> to vector<16xf32>
      %swap3A_1545 = vector.shape_cast %select_n3A_1539 : vector<16xf32> to vector<1x16xf32>
      tpu.vector_store %arg5[%swap3A_1541, %swap3A_1542], %swap3A_1545 {strides = array<i32>} : memref<16x64xf32, #tpu.memory_space<vmem>>, vector<1x16xf32>,
      %add3A_1546 = arith.constant 16 : i32
      %add3A_1547 = vector.broadcast %add3A_1546 : i32 to vector<16xi32>
      %add3A_1548 = arith.addi %iota3A, %add3A_1547 : vector<16xi32>
      %eq3A_1549 = arith.cmpi eq, %add3A_1548, %gather3A_1519 : vector<16xi32>
      %eq3A_1550 = arith.cmpi eq, %add3A_1548, %gather3A_1523 : vector<16xi32>
      %sub3A_1551 = arith.constant 1.000000e+00 : f32
      %sub3A_1552 = vector.broadcast %sub3A_1551 : f32 to vector<16xf32>
      %sub3A_1553 = arith.subf %sub3A_1552, %gather3A_1527 : vector<16xf32>
      %jit3A_1554 = arith.constant 0.000000e+00 : f32
      %broadcast_in_dim3A_1555 = vector.broadcast %jit3A_1554 : f32 to vector<16xf32>
      %select_n3A_1556 = arith.select %eq3A_1550, %sub3A_1553, %broadcast_in_dim3A_1555 : vector<16xi1>, vector<16xf32>
      %select_n3A_1557 = arith.select %eq3A_1549, %gather3A_1527, %select_n3A_1556 : vector<16xi1>, vector<16xf32>
      %swap3A_1558 = arith.constant 5 : i32
      %swap3A_1559 = arith.index_cast %swap3A_1558 : i32 to index
      %swap3A_1560 = arith.constant 16 : index
      %swap3A_1561 = tpu.vector_load %arg5[%swap3A_1559, %swap3A_1560] {strides = array<i32>} : memref<16x64xf32, #tpu.memory_space<vmem>>, vector<1x16xf32>,
      %swap3A_1562 = vector.shape_cast %swap3A_1561 : vector<1x16xf32> to vector<16xf32>
      %swap3A_1563 = vector.shape_cast %select_n3A_1557 : vector<16xf32> to vector<1x16xf32>
      tpu.vector_store %arg5[%swap3A_1559, %swap3A_1560], %swap3A_1563 {strides = array<i32>} : memref<16x64xf32, #tpu.memory_space<vmem>>, vector<1x16xf32>,
      %add3A_1564 = arith.constant 32 : i32
      %add3A_1565 = vector.broadcast %add3A_1564 : i32 to vector<16xi32>
      %add3A_1566 = arith.addi %iota3A, %add3A_1565 : vector<16xi32>
      %eq3A_1567 = arith.cmpi eq, %add3A_1566, %gather3A_1519 : vector<16xi32>
      %eq3A_1568 = arith.cmpi eq, %add3A_1566, %gather3A_1523 : vector<16xi32>
      %sub3A_1569 = arith.constant 1.000000e+00 : f32
      %sub3A_1570 = vector.broadcast %sub3A_1569 : f32 to vector<16xf32>
      %sub3A_1571 = arith.subf %sub3A_1570, %gather3A_1527 : vector<16xf32>
      %jit3A_1572 = arith.constant 0.000000e+00 : f32
      %broadcast_in_dim3A_1573 = vector.broadcast %jit3A_1572 : f32 to vector<16xf32>
      %select_n3A_1574 = arith.select %eq3A_1568, %sub3A_1571, %broadcast_in_dim3A_1573 : vector<16xi1>, vector<16xf32>
      %select_n3A_1575 = arith.select %eq3A_1567, %gather3A_1527, %select_n3A_1574 : vector<16xi1>, vector<16xf32>
      %swap3A_1576 = arith.constant 5 : i32
      %swap3A_1577 = arith.index_cast %swap3A_1576 : i32 to index
      %swap3A_1578 = arith.constant 32 : index
      %swap3A_1579 = tpu.vector_load %arg5[%swap3A_1577, %swap3A_1578] {strides = array<i32>} : memref<16x64xf32, #tpu.memory_space<vmem>>, vector<1x16xf32>,
      %swap3A_1580 = vector.shape_cast %swap3A_1579 : vector<1x16xf32> to vector<16xf32>
      %swap3A_1581 = vector.shape_cast %select_n3A_1575 : vector<16xf32> to vector<1x16xf32>
      tpu.vector_store %arg5[%swap3A_1577, %swap3A_1578], %swap3A_1581 {strides = array<i32>} : memref<16x64xf32, #tpu.memory_space<vmem>>, vector<1x16xf32>,
      %add3A_1582 = arith.constant 48 : i32
      %add3A_1583 = vector.broadcast %add3A_1582 : i32 to vector<16xi32>
      %add3A_1584 = arith.addi %iota3A, %add3A_1583 : vector<16xi32>
      %eq3A_1585 = arith.cmpi eq, %add3A_1584, %gather3A_1519 : vector<16xi32>
      %eq3A_1586 = arith.cmpi eq, %add3A_1584, %gather3A_1523 : vector<16xi32>
      %sub3A_1587 = arith.constant 1.000000e+00 : f32
      %sub3A_1588 = vector.broadcast %sub3A_1587 : f32 to vector<16xf32>
      %sub3A_1589 = arith.subf %sub3A_1588, %gather3A_1527 : vector<16xf32>
      %jit3A_1590 = arith.constant 0.000000e+00 : f32
      %broadcast_in_dim3A_1591 = vector.broadcast %jit3A_1590 : f32 to vector<16xf32>
      %select_n3A_1592 = arith.select %eq3A_1586, %sub3A_1589, %broadcast_in_dim3A_1591 : vector<16xi1>, vector<16xf32>
      %select_n3A_1593 = arith.select %eq3A_1585, %gather3A_1527, %select_n3A_1592 : vector<16xi1>, vector<16xf32>
      %swap3A_1594 = arith.constant 5 : i32
      %swap3A_1595 = arith.index_cast %swap3A_1594 : i32 to index
      %swap3A_1596 = arith.constant 48 : index
      %swap3A_1597 = tpu.vector_load %arg5[%swap3A_1595, %swap3A_1596] {strides = array<i32>} : memref<16x64xf32, #tpu.memory_space<vmem>>, vector<1x16xf32>,
      %swap3A_1598 = vector.shape_cast %swap3A_1597 : vector<1x16xf32> to vector<16xf32>
      %swap3A_1599 = vector.shape_cast %select_n3A_1593 : vector<16xf32> to vector<1x16xf32>
      tpu.vector_store %arg5[%swap3A_1595, %swap3A_1596], %swap3A_1599 {strides = array<i32>} : memref<16x64xf32, #tpu.memory_space<vmem>>, vector<1x16xf32>,
      %broadcast_in_dim3A_1600 = arith.constant 6 : i32
      %broadcast_in_dim3A_1601 = vector.broadcast %broadcast_in_dim3A_1600 : i32 to vector<16x1xi32>
      %gather3A_1602 = vector.shape_cast %broadcast_in_dim3A_1601 : vector<16x1xi32> to vector<16xi32>
      %gather3A_1603 = tpu.dynamic_gather %select_n3A_1092[%gather3A_1602] in [0] : vector<16xi32>, vector<16xi32> -> vector<16xi32>
      %broadcast_in_dim3A_1604 = arith.constant 6 : i32
      %broadcast_in_dim3A_1605 = vector.broadcast %broadcast_in_dim3A_1604 : i32 to vector<16x1xi32>
      %gather3A_1606 = vector.shape_cast %broadcast_in_dim3A_1605 : vector<16x1xi32> to vector<16xi32>
      %gather3A_1607 = tpu.dynamic_gather %select_n3A_1087[%gather3A_1606] in [0] : vector<16xi32>, vector<16xi32> -> vector<16xi32>
      %broadcast_in_dim3A_1608 = arith.constant 6 : i32
      %broadcast_in_dim3A_1609 = vector.broadcast %broadcast_in_dim3A_1608 : i32 to vector<16x1xi32>
      %gather3A_1610 = vector.shape_cast %broadcast_in_dim3A_1609 : vector<16x1xi32> to vector<16xi32>
      %gather3A_1611 = tpu.dynamic_gather %div3A_1098[%gather3A_1610] in [0] : vector<16xf32>, vector<16xi32> -> vector<16xf32>
      %add3A_1612 = arith.constant 0 : i32
      %add3A_1613 = vector.broadcast %add3A_1612 : i32 to vector<16xi32>
      %add3A_1614 = arith.addi %iota3A, %add3A_1613 : vector<16xi32>
      %eq3A_1615 = arith.cmpi eq, %add3A_1614, %gather3A_1603 : vector<16xi32>
      %eq3A_1616 = arith.cmpi eq, %add3A_1614, %gather3A_1607 : vector<16xi32>
      %sub3A_1617 = arith.constant 1.000000e+00 : f32
      %sub3A_1618 = vector.broadcast %sub3A_1617 : f32 to vector<16xf32>
      %sub3A_1619 = arith.subf %sub3A_1618, %gather3A_1611 : vector<16xf32>
      %jit3A_1620 = arith.constant 0.000000e+00 : f32
      %broadcast_in_dim3A_1621 = vector.broadcast %jit3A_1620 : f32 to vector<16xf32>
      %select_n3A_1622 = arith.select %eq3A_1616, %sub3A_1619, %broadcast_in_dim3A_1621 : vector<16xi1>, vector<16xf32>
      %select_n3A_1623 = arith.select %eq3A_1615, %gather3A_1611, %select_n3A_1622 : vector<16xi1>, vector<16xf32>
      %swap3A_1624 = arith.constant 6 : i32
      %swap3A_1625 = arith.index_cast %swap3A_1624 : i32 to index
      %swap3A_1626 = arith.constant 0 : index
      %swap3A_1627 = tpu.vector_load %arg5[%swap3A_1625, %swap3A_1626] {strides = array<i32>} : memref<16x64xf32, #tpu.memory_space<vmem>>, vector<1x16xf32>,
      %swap3A_1628 = vector.shape_cast %swap3A_1627 : vector<1x16xf32> to vector<16xf32>
      %swap3A_1629 = vector.shape_cast %select_n3A_1623 : vector<16xf32> to vector<1x16xf32>
      tpu.vector_store %arg5[%swap3A_1625, %swap3A_1626], %swap3A_1629 {strides = array<i32>} : memref<16x64xf32, #tpu.memory_space<vmem>>, vector<1x16xf32>,
      %add3A_1630 = arith.constant 16 : i32
      %add3A_1631 = vector.broadcast %add3A_1630 : i32 to vector<16xi32>
      %add3A_1632 = arith.addi %iota3A, %add3A_1631 : vector<16xi32>
      %eq3A_1633 = arith.cmpi eq, %add3A_1632, %gather3A_1603 : vector<16xi32>
      %eq3A_1634 = arith.cmpi eq, %add3A_1632, %gather3A_1607 : vector<16xi32>
      %sub3A_1635 = arith.constant 1.000000e+00 : f32
      %sub3A_1636 = vector.broadcast %sub3A_1635 : f32 to vector<16xf32>
      %sub3A_1637 = arith.subf %sub3A_1636, %gather3A_1611 : vector<16xf32>
      %jit3A_1638 = arith.constant 0.000000e+00 : f32
      %broadcast_in_dim3A_1639 = vector.broadcast %jit3A_1638 : f32 to vector<16xf32>
      %select_n3A_1640 = arith.select %eq3A_1634, %sub3A_1637, %broadcast_in_dim3A_1639 : vector<16xi1>, vector<16xf32>
      %select_n3A_1641 = arith.select %eq3A_1633, %gather3A_1611, %select_n3A_1640 : vector<16xi1>, vector<16xf32>
      %swap3A_1642 = arith.constant 6 : i32
      %swap3A_1643 = arith.index_cast %swap3A_1642 : i32 to index
      %swap3A_1644 = arith.constant 16 : index
      %swap3A_1645 = tpu.vector_load %arg5[%swap3A_1643, %swap3A_1644] {strides = array<i32>} : memref<16x64xf32, #tpu.memory_space<vmem>>, vector<1x16xf32>,
      %swap3A_1646 = vector.shape_cast %swap3A_1645 : vector<1x16xf32> to vector<16xf32>
      %swap3A_1647 = vector.shape_cast %select_n3A_1641 : vector<16xf32> to vector<1x16xf32>
      tpu.vector_store %arg5[%swap3A_1643, %swap3A_1644], %swap3A_1647 {strides = array<i32>} : memref<16x64xf32, #tpu.memory_space<vmem>>, vector<1x16xf32>,
      %add3A_1648 = arith.constant 32 : i32
      %add3A_1649 = vector.broadcast %add3A_1648 : i32 to vector<16xi32>
      %add3A_1650 = arith.addi %iota3A, %add3A_1649 : vector<16xi32>
      %eq3A_1651 = arith.cmpi eq, %add3A_1650, %gather3A_1603 : vector<16xi32>
      %eq3A_1652 = arith.cmpi eq, %add3A_1650, %gather3A_1607 : vector<16xi32>
      %sub3A_1653 = arith.constant 1.000000e+00 : f32
      %sub3A_1654 = vector.broadcast %sub3A_1653 : f32 to vector<16xf32>
      %sub3A_1655 = arith.subf %sub3A_1654, %gather3A_1611 : vector<16xf32>
      %jit3A_1656 = arith.constant 0.000000e+00 : f32
      %broadcast_in_dim3A_1657 = vector.broadcast %jit3A_1656 : f32 to vector<16xf32>
      %select_n3A_1658 = arith.select %eq3A_1652, %sub3A_1655, %broadcast_in_dim3A_1657 : vector<16xi1>, vector<16xf32>
      %select_n3A_1659 = arith.select %eq3A_1651, %gather3A_1611, %select_n3A_1658 : vector<16xi1>, vector<16xf32>
      %swap3A_1660 = arith.constant 6 : i32
      %swap3A_1661 = arith.index_cast %swap3A_1660 : i32 to index
      %swap3A_1662 = arith.constant 32 : index
      %swap3A_1663 = tpu.vector_load %arg5[%swap3A_1661, %swap3A_1662] {strides = array<i32>} : memref<16x64xf32, #tpu.memory_space<vmem>>, vector<1x16xf32>,
      %swap3A_1664 = vector.shape_cast %swap3A_1663 : vector<1x16xf32> to vector<16xf32>
      %swap3A_1665 = vector.shape_cast %select_n3A_1659 : vector<16xf32> to vector<1x16xf32>
      tpu.vector_store %arg5[%swap3A_1661, %swap3A_1662], %swap3A_1665 {strides = array<i32>} : memref<16x64xf32, #tpu.memory_space<vmem>>, vector<1x16xf32>,
      %add3A_1666 = arith.constant 48 : i32
      %add3A_1667 = vector.broadcast %add3A_1666 : i32 to vector<16xi32>
      %add3A_1668 = arith.addi %iota3A, %add3A_1667 : vector<16xi32>
      %eq3A_1669 = arith.cmpi eq, %add3A_1668, %gather3A_1603 : vector<16xi32>
      %eq3A_1670 = arith.cmpi eq, %add3A_1668, %gather3A_1607 : vector<16xi32>
      %sub3A_1671 = arith.constant 1.000000e+00 : f32
      %sub3A_1672 = vector.broadcast %sub3A_1671 : f32 to vector<16xf32>
      %sub3A_1673 = arith.subf %sub3A_1672, %gather3A_1611 : vector<16xf32>
      %jit3A_1674 = arith.constant 0.000000e+00 : f32
      %broadcast_in_dim3A_1675 = vector.broadcast %jit3A_1674 : f32 to vector<16xf32>
      %select_n3A_1676 = arith.select %eq3A_1670, %sub3A_1673, %broadcast_in_dim3A_1675 : vector<16xi1>, vector<16xf32>
      %select_n3A_1677 = arith.select %eq3A_1669, %gather3A_1611, %select_n3A_1676 : vector<16xi1>, vector<16xf32>
      %swap3A_1678 = arith.constant 6 : i32
      %swap3A_1679 = arith.index_cast %swap3A_1678 : i32 to index
      %swap3A_1680 = arith.constant 48 : index
      %swap3A_1681 = tpu.vector_load %arg5[%swap3A_1679, %swap3A_1680] {strides = array<i32>} : memref<16x64xf32, #tpu.memory_space<vmem>>, vector<1x16xf32>,
      %swap3A_1682 = vector.shape_cast %swap3A_1681 : vector<1x16xf32> to vector<16xf32>
      %swap3A_1683 = vector.shape_cast %select_n3A_1677 : vector<16xf32> to vector<1x16xf32>
      tpu.vector_store %arg5[%swap3A_1679, %swap3A_1680], %swap3A_1683 {strides = array<i32>} : memref<16x64xf32, #tpu.memory_space<vmem>>, vector<1x16xf32>,
      %broadcast_in_dim3A_1684 = arith.constant 7 : i32
      %broadcast_in_dim3A_1685 = vector.broadcast %broadcast_in_dim3A_1684 : i32 to vector<16x1xi32>
      %gather3A_1686 = vector.shape_cast %broadcast_in_dim3A_1685 : vector<16x1xi32> to vector<16xi32>
      %gather3A_1687 = tpu.dynamic_gather %select_n3A_1092[%gather3A_1686] in [0] : vector<16xi32>, vector<16xi32> -> vector<16xi32>
      %broadcast_in_dim3A_1688 = arith.constant 7 : i32
      %broadcast_in_dim3A_1689 = vector.broadcast %broadcast_in_dim3A_1688 : i32 to vector<16x1xi32>
      %gather3A_1690 = vector.shape_cast %broadcast_in_dim3A_1689 : vector<16x1xi32> to vector<16xi32>
      %gather3A_1691 = tpu.dynamic_gather %select_n3A_1087[%gather3A_1690] in [0] : vector<16xi32>, vector<16xi32> -> vector<16xi32>
      %broadcast_in_dim3A_1692 = arith.constant 7 : i32
      %broadcast_in_dim3A_1693 = vector.broadcast %broadcast_in_dim3A_1692 : i32 to vector<16x1xi32>
      %gather3A_1694 = vector.shape_cast %broadcast_in_dim3A_1693 : vector<16x1xi32> to vector<16xi32>
      %gather3A_1695 = tpu.dynamic_gather %div3A_1098[%gather3A_1694] in [0] : vector<16xf32>, vector<16xi32> -> vector<16xf32>
      %add3A_1696 = arith.constant 0 : i32
      %add3A_1697 = vector.broadcast %add3A_1696 : i32 to vector<16xi32>
      %add3A_1698 = arith.addi %iota3A, %add3A_1697 : vector<16xi32>
      %eq3A_1699 = arith.cmpi eq, %add3A_1698, %gather3A_1687 : vector<16xi32>
      %eq3A_1700 = arith.cmpi eq, %add3A_1698, %gather3A_1691 : vector<16xi32>
      %sub3A_1701 = arith.constant 1.000000e+00 : f32
      %sub3A_1702 = vector.broadcast %sub3A_1701 : f32 to vector<16xf32>
      %sub3A_1703 = arith.subf %sub3A_1702, %gather3A_1695 : vector<16xf32>
      %jit3A_1704 = arith.constant 0.000000e+00 : f32
      %broadcast_in_dim3A_1705 = vector.broadcast %jit3A_1704 : f32 to vector<16xf32>
      %select_n3A_1706 = arith.select %eq3A_1700, %sub3A_1703, %broadcast_in_dim3A_1705 : vector<16xi1>, vector<16xf32>
      %select_n3A_1707 = arith.select %eq3A_1699, %gather3A_1695, %select_n3A_1706 : vector<16xi1>, vector<16xf32>
      %swap3A_1708 = arith.constant 7 : i32
      %swap3A_1709 = arith.index_cast %swap3A_1708 : i32 to index
      %swap3A_1710 = arith.constant 0 : index
      %swap3A_1711 = tpu.vector_load %arg5[%swap3A_1709, %swap3A_1710] {strides = array<i32>} : memref<16x64xf32, #tpu.memory_space<vmem>>, vector<1x16xf32>,
      %swap3A_1712 = vector.shape_cast %swap3A_1711 : vector<1x16xf32> to vector<16xf32>
      %swap3A_1713 = vector.shape_cast %select_n3A_1707 : vector<16xf32> to vector<1x16xf32>
      tpu.vector_store %arg5[%swap3A_1709, %swap3A_1710], %swap3A_1713 {strides = array<i32>} : memref<16x64xf32, #tpu.memory_space<vmem>>, vector<1x16xf32>,
      %add3A_1714 = arith.constant 16 : i32
      %add3A_1715 = vector.broadcast %add3A_1714 : i32 to vector<16xi32>
      %add3A_1716 = arith.addi %iota3A, %add3A_1715 : vector<16xi32>
      %eq3A_1717 = arith.cmpi eq, %add3A_1716, %gather3A_1687 : vector<16xi32>
      %eq3A_1718 = arith.cmpi eq, %add3A_1716, %gather3A_1691 : vector<16xi32>
      %sub3A_1719 = arith.constant 1.000000e+00 : f32
      %sub3A_1720 = vector.broadcast %sub3A_1719 : f32 to vector<16xf32>
      %sub3A_1721 = arith.subf %sub3A_1720, %gather3A_1695 : vector<16xf32>
      %jit3A_1722 = arith.constant 0.000000e+00 : f32
      %broadcast_in_dim3A_1723 = vector.broadcast %jit3A_1722 : f32 to vector<16xf32>
      %select_n3A_1724 = arith.select %eq3A_1718, %sub3A_1721, %broadcast_in_dim3A_1723 : vector<16xi1>, vector<16xf32>
      %select_n3A_1725 = arith.select %eq3A_1717, %gather3A_1695, %select_n3A_1724 : vector<16xi1>, vector<16xf32>
      %swap3A_1726 = arith.constant 7 : i32
      %swap3A_1727 = arith.index_cast %swap3A_1726 : i32 to index
      %swap3A_1728 = arith.constant 16 : index
      %swap3A_1729 = tpu.vector_load %arg5[%swap3A_1727, %swap3A_1728] {strides = array<i32>} : memref<16x64xf32, #tpu.memory_space<vmem>>, vector<1x16xf32>,
      %swap3A_1730 = vector.shape_cast %swap3A_1729 : vector<1x16xf32> to vector<16xf32>
      %swap3A_1731 = vector.shape_cast %select_n3A_1725 : vector<16xf32> to vector<1x16xf32>
      tpu.vector_store %arg5[%swap3A_1727, %swap3A_1728], %swap3A_1731 {strides = array<i32>} : memref<16x64xf32, #tpu.memory_space<vmem>>, vector<1x16xf32>,
      %add3A_1732 = arith.constant 32 : i32
      %add3A_1733 = vector.broadcast %add3A_1732 : i32 to vector<16xi32>
      %add3A_1734 = arith.addi %iota3A, %add3A_1733 : vector<16xi32>
      %eq3A_1735 = arith.cmpi eq, %add3A_1734, %gather3A_1687 : vector<16xi32>
      %eq3A_1736 = arith.cmpi eq, %add3A_1734, %gather3A_1691 : vector<16xi32>
      %sub3A_1737 = arith.constant 1.000000e+00 : f32
      %sub3A_1738 = vector.broadcast %sub3A_1737 : f32 to vector<16xf32>
      %sub3A_1739 = arith.subf %sub3A_1738, %gather3A_1695 : vector<16xf32>
      %jit3A_1740 = arith.constant 0.000000e+00 : f32
      %broadcast_in_dim3A_1741 = vector.broadcast %jit3A_1740 : f32 to vector<16xf32>
      %select_n3A_1742 = arith.select %eq3A_1736, %sub3A_1739, %broadcast_in_dim3A_1741 : vector<16xi1>, vector<16xf32>
      %select_n3A_1743 = arith.select %eq3A_1735, %gather3A_1695, %select_n3A_1742 : vector<16xi1>, vector<16xf32>
      %swap3A_1744 = arith.constant 7 : i32
      %swap3A_1745 = arith.index_cast %swap3A_1744 : i32 to index
      %swap3A_1746 = arith.constant 32 : index
      %swap3A_1747 = tpu.vector_load %arg5[%swap3A_1745, %swap3A_1746] {strides = array<i32>} : memref<16x64xf32, #tpu.memory_space<vmem>>, vector<1x16xf32>,
      %swap3A_1748 = vector.shape_cast %swap3A_1747 : vector<1x16xf32> to vector<16xf32>
      %swap3A_1749 = vector.shape_cast %select_n3A_1743 : vector<16xf32> to vector<1x16xf32>
      tpu.vector_store %arg5[%swap3A_1745, %swap3A_1746], %swap3A_1749 {strides = array<i32>} : memref<16x64xf32, #tpu.memory_space<vmem>>, vector<1x16xf32>,
      %add3A_1750 = arith.constant 48 : i32
      %add3A_1751 = vector.broadcast %add3A_1750 : i32 to vector<16xi32>
      %add3A_1752 = arith.addi %iota3A, %add3A_1751 : vector<16xi32>
      %eq3A_1753 = arith.cmpi eq, %add3A_1752, %gather3A_1687 : vector<16xi32>
      %eq3A_1754 = arith.cmpi eq, %add3A_1752, %gather3A_1691 : vector<16xi32>
      %sub3A_1755 = arith.constant 1.000000e+00 : f32
      %sub3A_1756 = vector.broadcast %sub3A_1755 : f32 to vector<16xf32>
      %sub3A_1757 = arith.subf %sub3A_1756, %gather3A_1695 : vector<16xf32>
      %jit3A_1758 = arith.constant 0.000000e+00 : f32
      %broadcast_in_dim3A_1759 = vector.broadcast %jit3A_1758 : f32 to vector<16xf32>
      %select_n3A_1760 = arith.select %eq3A_1754, %sub3A_1757, %broadcast_in_dim3A_1759 : vector<16xi1>, vector<16xf32>
      %select_n3A_1761 = arith.select %eq3A_1753, %gather3A_1695, %select_n3A_1760 : vector<16xi1>, vector<16xf32>
      %swap3A_1762 = arith.constant 7 : i32
      %swap3A_1763 = arith.index_cast %swap3A_1762 : i32 to index
      %swap3A_1764 = arith.constant 48 : index
      %swap3A_1765 = tpu.vector_load %arg5[%swap3A_1763, %swap3A_1764] {strides = array<i32>} : memref<16x64xf32, #tpu.memory_space<vmem>>, vector<1x16xf32>,
      %swap3A_1766 = vector.shape_cast %swap3A_1765 : vector<1x16xf32> to vector<16xf32>
      %swap3A_1767 = vector.shape_cast %select_n3A_1761 : vector<16xf32> to vector<1x16xf32>
      tpu.vector_store %arg5[%swap3A_1763, %swap3A_1764], %swap3A_1767 {strides = array<i32>} : memref<16x64xf32, #tpu.memory_space<vmem>>, vector<1x16xf32>,
      %broadcast_in_dim3A_1768 = arith.constant 8 : i32
      %broadcast_in_dim3A_1769 = vector.broadcast %broadcast_in_dim3A_1768 : i32 to vector<16x1xi32>
      %gather3A_1770 = vector.shape_cast %broadcast_in_dim3A_1769 : vector<16x1xi32> to vector<16xi32>
      %gather3A_1771 = tpu.dynamic_gather %select_n3A_1092[%gather3A_1770] in [0] : vector<16xi32>, vector<16xi32> -> vector<16xi32>
      %broadcast_in_dim3A_1772 = arith.constant 8 : i32
      %broadcast_in_dim3A_1773 = vector.broadcast %broadcast_in_dim3A_1772 : i32 to vector<16x1xi32>
      %gather3A_1774 = vector.shape_cast %broadcast_in_dim3A_1773 : vector<16x1xi32> to vector<16xi32>
      %gather3A_1775 = tpu.dynamic_gather %select_n3A_1087[%gather3A_1774] in [0] : vector<16xi32>, vector<16xi32> -> vector<16xi32>
      %broadcast_in_dim3A_1776 = arith.constant 8 : i32
      %broadcast_in_dim3A_1777 = vector.broadcast %broadcast_in_dim3A_1776 : i32 to vector<16x1xi32>
      %gather3A_1778 = vector.shape_cast %broadcast_in_dim3A_1777 : vector<16x1xi32> to vector<16xi32>
      %gather3A_1779 = tpu.dynamic_gather %div3A_1098[%gather3A_1778] in [0] : vector<16xf32>, vector<16xi32> -> vector<16xf32>
      %add3A_1780 = arith.constant 0 : i32
      %add3A_1781 = vector.broadcast %add3A_1780 : i32 to vector<16xi32>
      %add3A_1782 = arith.addi %iota3A, %add3A_1781 : vector<16xi32>
      %eq3A_1783 = arith.cmpi eq, %add3A_1782, %gather3A_1771 : vector<16xi32>
      %eq3A_1784 = arith.cmpi eq, %add3A_1782, %gather3A_1775 : vector<16xi32>
      %sub3A_1785 = arith.constant 1.000000e+00 : f32
      %sub3A_1786 = vector.broadcast %sub3A_1785 : f32 to vector<16xf32>
      %sub3A_1787 = arith.subf %sub3A_1786, %gather3A_1779 : vector<16xf32>
      %jit3A_1788 = arith.constant 0.000000e+00 : f32
      %broadcast_in_dim3A_1789 = vector.broadcast %jit3A_1788 : f32 to vector<16xf32>
      %select_n3A_1790 = arith.select %eq3A_1784, %sub3A_1787, %broadcast_in_dim3A_1789 : vector<16xi1>, vector<16xf32>
      %select_n3A_1791 = arith.select %eq3A_1783, %gather3A_1779, %select_n3A_1790 : vector<16xi1>, vector<16xf32>
      %swap3A_1792 = arith.constant 8 : i32
      %swap3A_1793 = arith.index_cast %swap3A_1792 : i32 to index
      %swap3A_1794 = arith.constant 0 : index
      %swap3A_1795 = tpu.vector_load %arg5[%swap3A_1793, %swap3A_1794] {strides = array<i32>} : memref<16x64xf32, #tpu.memory_space<vmem>>, vector<1x16xf32>,
      %swap3A_1796 = vector.shape_cast %swap3A_1795 : vector<1x16xf32> to vector<16xf32>
      %swap3A_1797 = vector.shape_cast %select_n3A_1791 : vector<16xf32> to vector<1x16xf32>
      tpu.vector_store %arg5[%swap3A_1793, %swap3A_1794], %swap3A_1797 {strides = array<i32>} : memref<16x64xf32, #tpu.memory_space<vmem>>, vector<1x16xf32>,
      %add3A_1798 = arith.constant 16 : i32
      %add3A_1799 = vector.broadcast %add3A_1798 : i32 to vector<16xi32>
      %add3A_1800 = arith.addi %iota3A, %add3A_1799 : vector<16xi32>
      %eq3A_1801 = arith.cmpi eq, %add3A_1800, %gather3A_1771 : vector<16xi32>
      %eq3A_1802 = arith.cmpi eq, %add3A_1800, %gather3A_1775 : vector<16xi32>
      %sub3A_1803 = arith.constant 1.000000e+00 : f32
      %sub3A_1804 = vector.broadcast %sub3A_1803 : f32 to vector<16xf32>
      %sub3A_1805 = arith.subf %sub3A_1804, %gather3A_1779 : vector<16xf32>
      %jit3A_1806 = arith.constant 0.000000e+00 : f32
      %broadcast_in_dim3A_1807 = vector.broadcast %jit3A_1806 : f32 to vector<16xf32>
      %select_n3A_1808 = arith.select %eq3A_1802, %sub3A_1805, %broadcast_in_dim3A_1807 : vector<16xi1>, vector<16xf32>
      %select_n3A_1809 = arith.select %eq3A_1801, %gather3A_1779, %select_n3A_1808 : vector<16xi1>, vector<16xf32>
      %swap3A_1810 = arith.constant 8 : i32
      %swap3A_1811 = arith.index_cast %swap3A_1810 : i32 to index
      %swap3A_1812 = arith.constant 16 : index
      %swap3A_1813 = tpu.vector_load %arg5[%swap3A_1811, %swap3A_1812] {strides = array<i32>} : memref<16x64xf32, #tpu.memory_space<vmem>>, vector<1x16xf32>,
      %swap3A_1814 = vector.shape_cast %swap3A_1813 : vector<1x16xf32> to vector<16xf32>
      %swap3A_1815 = vector.shape_cast %select_n3A_1809 : vector<16xf32> to vector<1x16xf32>
      tpu.vector_store %arg5[%swap3A_1811, %swap3A_1812], %swap3A_1815 {strides = array<i32>} : memref<16x64xf32, #tpu.memory_space<vmem>>, vector<1x16xf32>,
      %add3A_1816 = arith.constant 32 : i32
      %add3A_1817 = vector.broadcast %add3A_1816 : i32 to vector<16xi32>
      %add3A_1818 = arith.addi %iota3A, %add3A_1817 : vector<16xi32>
      %eq3A_1819 = arith.cmpi eq, %add3A_1818, %gather3A_1771 : vector<16xi32>
      %eq3A_1820 = arith.cmpi eq, %add3A_1818, %gather3A_1775 : vector<16xi32>
      %sub3A_1821 = arith.constant 1.000000e+00 : f32
      %sub3A_1822 = vector.broadcast %sub3A_1821 : f32 to vector<16xf32>
      %sub3A_1823 = arith.subf %sub3A_1822, %gather3A_1779 : vector<16xf32>
      %jit3A_1824 = arith.constant 0.000000e+00 : f32
      %broadcast_in_dim3A_1825 = vector.broadcast %jit3A_1824 : f32 to vector<16xf32>
      %select_n3A_1826 = arith.select %eq3A_1820, %sub3A_1823, %broadcast_in_dim3A_1825 : vector<16xi1>, vector<16xf32>
      %select_n3A_1827 = arith.select %eq3A_1819, %gather3A_1779, %select_n3A_1826 : vector<16xi1>, vector<16xf32>
      %swap3A_1828 = arith.constant 8 : i32
      %swap3A_1829 = arith.index_cast %swap3A_1828 : i32 to index
      %swap3A_1830 = arith.constant 32 : index
      %swap3A_1831 = tpu.vector_load %arg5[%swap3A_1829, %swap3A_1830] {strides = array<i32>} : memref<16x64xf32, #tpu.memory_space<vmem>>, vector<1x16xf32>,
      %swap3A_1832 = vector.shape_cast %swap3A_1831 : vector<1x16xf32> to vector<16xf32>
      %swap3A_1833 = vector.shape_cast %select_n3A_1827 : vector<16xf32> to vector<1x16xf32>
      tpu.vector_store %arg5[%swap3A_1829, %swap3A_1830], %swap3A_1833 {strides = array<i32>} : memref<16x64xf32, #tpu.memory_space<vmem>>, vector<1x16xf32>,
      %add3A_1834 = arith.constant 48 : i32
      %add3A_1835 = vector.broadcast %add3A_1834 : i32 to vector<16xi32>
      %add3A_1836 = arith.addi %iota3A, %add3A_1835 : vector<16xi32>
      %eq3A_1837 = arith.cmpi eq, %add3A_1836, %gather3A_1771 : vector<16xi32>
      %eq3A_1838 = arith.cmpi eq, %add3A_1836, %gather3A_1775 : vector<16xi32>
      %sub3A_1839 = arith.constant 1.000000e+00 : f32
      %sub3A_1840 = vector.broadcast %sub3A_1839 : f32 to vector<16xf32>
      %sub3A_1841 = arith.subf %sub3A_1840, %gather3A_1779 : vector<16xf32>
      %jit3A_1842 = arith.constant 0.000000e+00 : f32
      %broadcast_in_dim3A_1843 = vector.broadcast %jit3A_1842 : f32 to vector<16xf32>
      %select_n3A_1844 = arith.select %eq3A_1838, %sub3A_1841, %broadcast_in_dim3A_1843 : vector<16xi1>, vector<16xf32>
      %select_n3A_1845 = arith.select %eq3A_1837, %gather3A_1779, %select_n3A_1844 : vector<16xi1>, vector<16xf32>
      %swap3A_1846 = arith.constant 8 : i32
      %swap3A_1847 = arith.index_cast %swap3A_1846 : i32 to index
      %swap3A_1848 = arith.constant 48 : index
      %swap3A_1849 = tpu.vector_load %arg5[%swap3A_1847, %swap3A_1848] {strides = array<i32>} : memref<16x64xf32, #tpu.memory_space<vmem>>, vector<1x16xf32>,
      %swap3A_1850 = vector.shape_cast %swap3A_1849 : vector<1x16xf32> to vector<16xf32>
      %swap3A_1851 = vector.shape_cast %select_n3A_1845 : vector<16xf32> to vector<1x16xf32>
      tpu.vector_store %arg5[%swap3A_1847, %swap3A_1848], %swap3A_1851 {strides = array<i32>} : memref<16x64xf32, #tpu.memory_space<vmem>>, vector<1x16xf32>,
      %broadcast_in_dim3A_1852 = arith.constant 9 : i32
      %broadcast_in_dim3A_1853 = vector.broadcast %broadcast_in_dim3A_1852 : i32 to vector<16x1xi32>
      %gather3A_1854 = vector.shape_cast %broadcast_in_dim3A_1853 : vector<16x1xi32> to vector<16xi32>
      %gather3A_1855 = tpu.dynamic_gather %select_n3A_1092[%gather3A_1854] in [0] : vector<16xi32>, vector<16xi32> -> vector<16xi32>
      %broadcast_in_dim3A_1856 = arith.constant 9 : i32
      %broadcast_in_dim3A_1857 = vector.broadcast %broadcast_in_dim3A_1856 : i32 to vector<16x1xi32>
      %gather3A_1858 = vector.shape_cast %broadcast_in_dim3A_1857 : vector<16x1xi32> to vector<16xi32>
      %gather3A_1859 = tpu.dynamic_gather %select_n3A_1087[%gather3A_1858] in [0] : vector<16xi32>, vector<16xi32> -> vector<16xi32>
      %broadcast_in_dim3A_1860 = arith.constant 9 : i32
      %broadcast_in_dim3A_1861 = vector.broadcast %broadcast_in_dim3A_1860 : i32 to vector<16x1xi32>
      %gather3A_1862 = vector.shape_cast %broadcast_in_dim3A_1861 : vector<16x1xi32> to vector<16xi32>
      %gather3A_1863 = tpu.dynamic_gather %div3A_1098[%gather3A_1862] in [0] : vector<16xf32>, vector<16xi32> -> vector<16xf32>
      %add3A_1864 = arith.constant 0 : i32
      %add3A_1865 = vector.broadcast %add3A_1864 : i32 to vector<16xi32>
      %add3A_1866 = arith.addi %iota3A, %add3A_1865 : vector<16xi32>
      %eq3A_1867 = arith.cmpi eq, %add3A_1866, %gather3A_1855 : vector<16xi32>
      %eq3A_1868 = arith.cmpi eq, %add3A_1866, %gather3A_1859 : vector<16xi32>
      %sub3A_1869 = arith.constant 1.000000e+00 : f32
      %sub3A_1870 = vector.broadcast %sub3A_1869 : f32 to vector<16xf32>
      %sub3A_1871 = arith.subf %sub3A_1870, %gather3A_1863 : vector<16xf32>
      %jit3A_1872 = arith.constant 0.000000e+00 : f32
      %broadcast_in_dim3A_1873 = vector.broadcast %jit3A_1872 : f32 to vector<16xf32>
      %select_n3A_1874 = arith.select %eq3A_1868, %sub3A_1871, %broadcast_in_dim3A_1873 : vector<16xi1>, vector<16xf32>
      %select_n3A_1875 = arith.select %eq3A_1867, %gather3A_1863, %select_n3A_1874 : vector<16xi1>, vector<16xf32>
      %swap3A_1876 = arith.constant 9 : i32
      %swap3A_1877 = arith.index_cast %swap3A_1876 : i32 to index
      %swap3A_1878 = arith.constant 0 : index
      %swap3A_1879 = tpu.vector_load %arg5[%swap3A_1877, %swap3A_1878] {strides = array<i32>} : memref<16x64xf32, #tpu.memory_space<vmem>>, vector<1x16xf32>,
      %swap3A_1880 = vector.shape_cast %swap3A_1879 : vector<1x16xf32> to vector<16xf32>
      %swap3A_1881 = vector.shape_cast %select_n3A_1875 : vector<16xf32> to vector<1x16xf32>
      tpu.vector_store %arg5[%swap3A_1877, %swap3A_1878], %swap3A_1881 {strides = array<i32>} : memref<16x64xf32, #tpu.memory_space<vmem>>, vector<1x16xf32>,
      %add3A_1882 = arith.constant 16 : i32
      %add3A_1883 = vector.broadcast %add3A_1882 : i32 to vector<16xi32>
      %add3A_1884 = arith.addi %iota3A, %add3A_1883 : vector<16xi32>
      %eq3A_1885 = arith.cmpi eq, %add3A_1884, %gather3A_1855 : vector<16xi32>
      %eq3A_1886 = arith.cmpi eq, %add3A_1884, %gather3A_1859 : vector<16xi32>
      %sub3A_1887 = arith.constant 1.000000e+00 : f32
      %sub3A_1888 = vector.broadcast %sub3A_1887 : f32 to vector<16xf32>
      %sub3A_1889 = arith.subf %sub3A_1888, %gather3A_1863 : vector<16xf32>
      %jit3A_1890 = arith.constant 0.000000e+00 : f32
      %broadcast_in_dim3A_1891 = vector.broadcast %jit3A_1890 : f32 to vector<16xf32>
      %select_n3A_1892 = arith.select %eq3A_1886, %sub3A_1889, %broadcast_in_dim3A_1891 : vector<16xi1>, vector<16xf32>
      %select_n3A_1893 = arith.select %eq3A_1885, %gather3A_1863, %select_n3A_1892 : vector<16xi1>, vector<16xf32>
      %swap3A_1894 = arith.constant 9 : i32
      %swap3A_1895 = arith.index_cast %swap3A_1894 : i32 to index
      %swap3A_1896 = arith.constant 16 : index
      %swap3A_1897 = tpu.vector_load %arg5[%swap3A_1895, %swap3A_1896] {strides = array<i32>} : memref<16x64xf32, #tpu.memory_space<vmem>>, vector<1x16xf32>,
      %swap3A_1898 = vector.shape_cast %swap3A_1897 : vector<1x16xf32> to vector<16xf32>
      %swap3A_1899 = vector.shape_cast %select_n3A_1893 : vector<16xf32> to vector<1x16xf32>
      tpu.vector_store %arg5[%swap3A_1895, %swap3A_1896], %swap3A_1899 {strides = array<i32>} : memref<16x64xf32, #tpu.memory_space<vmem>>, vector<1x16xf32>,
      %add3A_1900 = arith.constant 32 : i32
      %add3A_1901 = vector.broadcast %add3A_1900 : i32 to vector<16xi32>
      %add3A_1902 = arith.addi %iota3A, %add3A_1901 : vector<16xi32>
      %eq3A_1903 = arith.cmpi eq, %add3A_1902, %gather3A_1855 : vector<16xi32>
      %eq3A_1904 = arith.cmpi eq, %add3A_1902, %gather3A_1859 : vector<16xi32>
      %sub3A_1905 = arith.constant 1.000000e+00 : f32
      %sub3A_1906 = vector.broadcast %sub3A_1905 : f32 to vector<16xf32>
      %sub3A_1907 = arith.subf %sub3A_1906, %gather3A_1863 : vector<16xf32>
      %jit3A_1908 = arith.constant 0.000000e+00 : f32
      %broadcast_in_dim3A_1909 = vector.broadcast %jit3A_1908 : f32 to vector<16xf32>
      %select_n3A_1910 = arith.select %eq3A_1904, %sub3A_1907, %broadcast_in_dim3A_1909 : vector<16xi1>, vector<16xf32>
      %select_n3A_1911 = arith.select %eq3A_1903, %gather3A_1863, %select_n3A_1910 : vector<16xi1>, vector<16xf32>
      %swap3A_1912 = arith.constant 9 : i32
      %swap3A_1913 = arith.index_cast %swap3A_1912 : i32 to index
      %swap3A_1914 = arith.constant 32 : index
      %swap3A_1915 = tpu.vector_load %arg5[%swap3A_1913, %swap3A_1914] {strides = array<i32>} : memref<16x64xf32, #tpu.memory_space<vmem>>, vector<1x16xf32>,
      %swap3A_1916 = vector.shape_cast %swap3A_1915 : vector<1x16xf32> to vector<16xf32>
      %swap3A_1917 = vector.shape_cast %select_n3A_1911 : vector<16xf32> to vector<1x16xf32>
      tpu.vector_store %arg5[%swap3A_1913, %swap3A_1914], %swap3A_1917 {strides = array<i32>} : memref<16x64xf32, #tpu.memory_space<vmem>>, vector<1x16xf32>,
      %add3A_1918 = arith.constant 48 : i32
      %add3A_1919 = vector.broadcast %add3A_1918 : i32 to vector<16xi32>
      %add3A_1920 = arith.addi %iota3A, %add3A_1919 : vector<16xi32>
      %eq3A_1921 = arith.cmpi eq, %add3A_1920, %gather3A_1855 : vector<16xi32>
      %eq3A_1922 = arith.cmpi eq, %add3A_1920, %gather3A_1859 : vector<16xi32>
      %sub3A_1923 = arith.constant 1.000000e+00 : f32
      %sub3A_1924 = vector.broadcast %sub3A_1923 : f32 to vector<16xf32>
      %sub3A_1925 = arith.subf %sub3A_1924, %gather3A_1863 : vector<16xf32>
      %jit3A_1926 = arith.constant 0.000000e+00 : f32
      %broadcast_in_dim3A_1927 = vector.broadcast %jit3A_1926 : f32 to vector<16xf32>
      %select_n3A_1928 = arith.select %eq3A_1922, %sub3A_1925, %broadcast_in_dim3A_1927 : vector<16xi1>, vector<16xf32>
      %select_n3A_1929 = arith.select %eq3A_1921, %gather3A_1863, %select_n3A_1928 : vector<16xi1>, vector<16xf32>
      %swap3A_1930 = arith.constant 9 : i32
      %swap3A_1931 = arith.index_cast %swap3A_1930 : i32 to index
      %swap3A_1932 = arith.constant 48 : index
      %swap3A_1933 = tpu.vector_load %arg5[%swap3A_1931, %swap3A_1932] {strides = array<i32>} : memref<16x64xf32, #tpu.memory_space<vmem>>, vector<1x16xf32>,
      %swap3A_1934 = vector.shape_cast %swap3A_1933 : vector<1x16xf32> to vector<16xf32>
      %swap3A_1935 = vector.shape_cast %select_n3A_1929 : vector<16xf32> to vector<1x16xf32>
      tpu.vector_store %arg5[%swap3A_1931, %swap3A_1932], %swap3A_1935 {strides = array<i32>} : memref<16x64xf32, #tpu.memory_space<vmem>>, vector<1x16xf32>,
      %broadcast_in_dim3A_1936 = arith.constant 10 : i32
      %broadcast_in_dim3A_1937 = vector.broadcast %broadcast_in_dim3A_1936 : i32 to vector<16x1xi32>
      %gather3A_1938 = vector.shape_cast %broadcast_in_dim3A_1937 : vector<16x1xi32> to vector<16xi32>
      %gather3A_1939 = tpu.dynamic_gather %select_n3A_1092[%gather3A_1938] in [0] : vector<16xi32>, vector<16xi32> -> vector<16xi32>
      %broadcast_in_dim3A_1940 = arith.constant 10 : i32
      %broadcast_in_dim3A_1941 = vector.broadcast %broadcast_in_dim3A_1940 : i32 to vector<16x1xi32>
      %gather3A_1942 = vector.shape_cast %broadcast_in_dim3A_1941 : vector<16x1xi32> to vector<16xi32>
      %gather3A_1943 = tpu.dynamic_gather %select_n3A_1087[%gather3A_1942] in [0] : vector<16xi32>, vector<16xi32> -> vector<16xi32>
      %broadcast_in_dim3A_1944 = arith.constant 10 : i32
      %broadcast_in_dim3A_1945 = vector.broadcast %broadcast_in_dim3A_1944 : i32 to vector<16x1xi32>
      %gather3A_1946 = vector.shape_cast %broadcast_in_dim3A_1945 : vector<16x1xi32> to vector<16xi32>
      %gather3A_1947 = tpu.dynamic_gather %div3A_1098[%gather3A_1946] in [0] : vector<16xf32>, vector<16xi32> -> vector<16xf32>
      %add3A_1948 = arith.constant 0 : i32
      %add3A_1949 = vector.broadcast %add3A_1948 : i32 to vector<16xi32>
      %add3A_1950 = arith.addi %iota3A, %add3A_1949 : vector<16xi32>
      %eq3A_1951 = arith.cmpi eq, %add3A_1950, %gather3A_1939 : vector<16xi32>
      %eq3A_1952 = arith.cmpi eq, %add3A_1950, %gather3A_1943 : vector<16xi32>
      %sub3A_1953 = arith.constant 1.000000e+00 : f32
      %sub3A_1954 = vector.broadcast %sub3A_1953 : f32 to vector<16xf32>
      %sub3A_1955 = arith.subf %sub3A_1954, %gather3A_1947 : vector<16xf32>
      %jit3A_1956 = arith.constant 0.000000e+00 : f32
      %broadcast_in_dim3A_1957 = vector.broadcast %jit3A_1956 : f32 to vector<16xf32>
      %select_n3A_1958 = arith.select %eq3A_1952, %sub3A_1955, %broadcast_in_dim3A_1957 : vector<16xi1>, vector<16xf32>
      %select_n3A_1959 = arith.select %eq3A_1951, %gather3A_1947, %select_n3A_1958 : vector<16xi1>, vector<16xf32>
      %swap3A_1960 = arith.constant 10 : i32
      %swap3A_1961 = arith.index_cast %swap3A_1960 : i32 to index
      %swap3A_1962 = arith.constant 0 : index
      %swap3A_1963 = tpu.vector_load %arg5[%swap3A_1961, %swap3A_1962] {strides = array<i32>} : memref<16x64xf32, #tpu.memory_space<vmem>>, vector<1x16xf32>,
      %swap3A_1964 = vector.shape_cast %swap3A_1963 : vector<1x16xf32> to vector<16xf32>
      %swap3A_1965 = vector.shape_cast %select_n3A_1959 : vector<16xf32> to vector<1x16xf32>
      tpu.vector_store %arg5[%swap3A_1961, %swap3A_1962], %swap3A_1965 {strides = array<i32>} : memref<16x64xf32, #tpu.memory_space<vmem>>, vector<1x16xf32>,
      %add3A_1966 = arith.constant 16 : i32
      %add3A_1967 = vector.broadcast %add3A_1966 : i32 to vector<16xi32>
      %add3A_1968 = arith.addi %iota3A, %add3A_1967 : vector<16xi32>
      %eq3A_1969 = arith.cmpi eq, %add3A_1968, %gather3A_1939 : vector<16xi32>
      %eq3A_1970 = arith.cmpi eq, %add3A_1968, %gather3A_1943 : vector<16xi32>
      %sub3A_1971 = arith.constant 1.000000e+00 : f32
      %sub3A_1972 = vector.broadcast %sub3A_1971 : f32 to vector<16xf32>
      %sub3A_1973 = arith.subf %sub3A_1972, %gather3A_1947 : vector<16xf32>
      %jit3A_1974 = arith.constant 0.000000e+00 : f32
      %broadcast_in_dim3A_1975 = vector.broadcast %jit3A_1974 : f32 to vector<16xf32>
      %select_n3A_1976 = arith.select %eq3A_1970, %sub3A_1973, %broadcast_in_dim3A_1975 : vector<16xi1>, vector<16xf32>
      %select_n3A_1977 = arith.select %eq3A_1969, %gather3A_1947, %select_n3A_1976 : vector<16xi1>, vector<16xf32>
      %swap3A_1978 = arith.constant 10 : i32
      %swap3A_1979 = arith.index_cast %swap3A_1978 : i32 to index
      %swap3A_1980 = arith.constant 16 : index
      %swap3A_1981 = tpu.vector_load %arg5[%swap3A_1979, %swap3A_1980] {strides = array<i32>} : memref<16x64xf32, #tpu.memory_space<vmem>>, vector<1x16xf32>,
      %swap3A_1982 = vector.shape_cast %swap3A_1981 : vector<1x16xf32> to vector<16xf32>
      %swap3A_1983 = vector.shape_cast %select_n3A_1977 : vector<16xf32> to vector<1x16xf32>
      tpu.vector_store %arg5[%swap3A_1979, %swap3A_1980], %swap3A_1983 {strides = array<i32>} : memref<16x64xf32, #tpu.memory_space<vmem>>, vector<1x16xf32>,
      %add3A_1984 = arith.constant 32 : i32
      %add3A_1985 = vector.broadcast %add3A_1984 : i32 to vector<16xi32>
      %add3A_1986 = arith.addi %iota3A, %add3A_1985 : vector<16xi32>
      %eq3A_1987 = arith.cmpi eq, %add3A_1986, %gather3A_1939 : vector<16xi32>
      %eq3A_1988 = arith.cmpi eq, %add3A_1986, %gather3A_1943 : vector<16xi32>
      %sub3A_1989 = arith.constant 1.000000e+00 : f32
      %sub3A_1990 = vector.broadcast %sub3A_1989 : f32 to vector<16xf32>
      %sub3A_1991 = arith.subf %sub3A_1990, %gather3A_1947 : vector<16xf32>
      %jit3A_1992 = arith.constant 0.000000e+00 : f32
      %broadcast_in_dim3A_1993 = vector.broadcast %jit3A_1992 : f32 to vector<16xf32>
      %select_n3A_1994 = arith.select %eq3A_1988, %sub3A_1991, %broadcast_in_dim3A_1993 : vector<16xi1>, vector<16xf32>
      %select_n3A_1995 = arith.select %eq3A_1987, %gather3A_1947, %select_n3A_1994 : vector<16xi1>, vector<16xf32>
      %swap3A_1996 = arith.constant 10 : i32
      %swap3A_1997 = arith.index_cast %swap3A_1996 : i32 to index
      %swap3A_1998 = arith.constant 32 : index
      %swap3A_1999 = tpu.vector_load %arg5[%swap3A_1997, %swap3A_1998] {strides = array<i32>} : memref<16x64xf32, #tpu.memory_space<vmem>>, vector<1x16xf32>,
      %swap3A_2000 = vector.shape_cast %swap3A_1999 : vector<1x16xf32> to vector<16xf32>
      %swap3A_2001 = vector.shape_cast %select_n3A_1995 : vector<16xf32> to vector<1x16xf32>
      tpu.vector_store %arg5[%swap3A_1997, %swap3A_1998], %swap3A_2001 {strides = array<i32>} : memref<16x64xf32, #tpu.memory_space<vmem>>, vector<1x16xf32>,
      %add3A_2002 = arith.constant 48 : i32
      %add3A_2003 = vector.broadcast %add3A_2002 : i32 to vector<16xi32>
      %add3A_2004 = arith.addi %iota3A, %add3A_2003 : vector<16xi32>
      %eq3A_2005 = arith.cmpi eq, %add3A_2004, %gather3A_1939 : vector<16xi32>
      %eq3A_2006 = arith.cmpi eq, %add3A_2004, %gather3A_1943 : vector<16xi32>
      %sub3A_2007 = arith.constant 1.000000e+00 : f32
      %sub3A_2008 = vector.broadcast %sub3A_2007 : f32 to vector<16xf32>
      %sub3A_2009 = arith.subf %sub3A_2008, %gather3A_1947 : vector<16xf32>
      %jit3A_2010 = arith.constant 0.000000e+00 : f32
      %broadcast_in_dim3A_2011 = vector.broadcast %jit3A_2010 : f32 to vector<16xf32>
      %select_n3A_2012 = arith.select %eq3A_2006, %sub3A_2009, %broadcast_in_dim3A_2011 : vector<16xi1>, vector<16xf32>
      %select_n3A_2013 = arith.select %eq3A_2005, %gather3A_1947, %select_n3A_2012 : vector<16xi1>, vector<16xf32>
      %swap3A_2014 = arith.constant 10 : i32
      %swap3A_2015 = arith.index_cast %swap3A_2014 : i32 to index
      %swap3A_2016 = arith.constant 48 : index
      %swap3A_2017 = tpu.vector_load %arg5[%swap3A_2015, %swap3A_2016] {strides = array<i32>} : memref<16x64xf32, #tpu.memory_space<vmem>>, vector<1x16xf32>,
      %swap3A_2018 = vector.shape_cast %swap3A_2017 : vector<1x16xf32> to vector<16xf32>
      %swap3A_2019 = vector.shape_cast %select_n3A_2013 : vector<16xf32> to vector<1x16xf32>
      tpu.vector_store %arg5[%swap3A_2015, %swap3A_2016], %swap3A_2019 {strides = array<i32>} : memref<16x64xf32, #tpu.memory_space<vmem>>, vector<1x16xf32>,
      %broadcast_in_dim3A_2020 = arith.constant 11 : i32
      %broadcast_in_dim3A_2021 = vector.broadcast %broadcast_in_dim3A_2020 : i32 to vector<16x1xi32>
      %gather3A_2022 = vector.shape_cast %broadcast_in_dim3A_2021 : vector<16x1xi32> to vector<16xi32>
      %gather3A_2023 = tpu.dynamic_gather %select_n3A_1092[%gather3A_2022] in [0] : vector<16xi32>, vector<16xi32> -> vector<16xi32>
      %broadcast_in_dim3A_2024 = arith.constant 11 : i32
      %broadcast_in_dim3A_2025 = vector.broadcast %broadcast_in_dim3A_2024 : i32 to vector<16x1xi32>
      %gather3A_2026 = vector.shape_cast %broadcast_in_dim3A_2025 : vector<16x1xi32> to vector<16xi32>
      %gather3A_2027 = tpu.dynamic_gather %select_n3A_1087[%gather3A_2026] in [0] : vector<16xi32>, vector<16xi32> -> vector<16xi32>
      %broadcast_in_dim3A_2028 = arith.constant 11 : i32
      %broadcast_in_dim3A_2029 = vector.broadcast %broadcast_in_dim3A_2028 : i32 to vector<16x1xi32>
      %gather3A_2030 = vector.shape_cast %broadcast_in_dim3A_2029 : vector<16x1xi32> to vector<16xi32>
      %gather3A_2031 = tpu.dynamic_gather %div3A_1098[%gather3A_2030] in [0] : vector<16xf32>, vector<16xi32> -> vector<16xf32>
      %add3A_2032 = arith.constant 0 : i32
      %add3A_2033 = vector.broadcast %add3A_2032 : i32 to vector<16xi32>
      %add3A_2034 = arith.addi %iota3A, %add3A_2033 : vector<16xi32>
      %eq3A_2035 = arith.cmpi eq, %add3A_2034, %gather3A_2023 : vector<16xi32>
      %eq3A_2036 = arith.cmpi eq, %add3A_2034, %gather3A_2027 : vector<16xi32>
      %sub3A_2037 = arith.constant 1.000000e+00 : f32
      %sub3A_2038 = vector.broadcast %sub3A_2037 : f32 to vector<16xf32>
      %sub3A_2039 = arith.subf %sub3A_2038, %gather3A_2031 : vector<16xf32>
      %jit3A_2040 = arith.constant 0.000000e+00 : f32
      %broadcast_in_dim3A_2041 = vector.broadcast %jit3A_2040 : f32 to vector<16xf32>
      %select_n3A_2042 = arith.select %eq3A_2036, %sub3A_2039, %broadcast_in_dim3A_2041 : vector<16xi1>, vector<16xf32>
      %select_n3A_2043 = arith.select %eq3A_2035, %gather3A_2031, %select_n3A_2042 : vector<16xi1>, vector<16xf32>
      %swap3A_2044 = arith.constant 11 : i32
      %swap3A_2045 = arith.index_cast %swap3A_2044 : i32 to index
      %swap3A_2046 = arith.constant 0 : index
      %swap3A_2047 = tpu.vector_load %arg5[%swap3A_2045, %swap3A_2046] {strides = array<i32>} : memref<16x64xf32, #tpu.memory_space<vmem>>, vector<1x16xf32>,
      %swap3A_2048 = vector.shape_cast %swap3A_2047 : vector<1x16xf32> to vector<16xf32>
      %swap3A_2049 = vector.shape_cast %select_n3A_2043 : vector<16xf32> to vector<1x16xf32>
      tpu.vector_store %arg5[%swap3A_2045, %swap3A_2046], %swap3A_2049 {strides = array<i32>} : memref<16x64xf32, #tpu.memory_space<vmem>>, vector<1x16xf32>,
      %add3A_2050 = arith.constant 16 : i32
      %add3A_2051 = vector.broadcast %add3A_2050 : i32 to vector<16xi32>
      %add3A_2052 = arith.addi %iota3A, %add3A_2051 : vector<16xi32>
      %eq3A_2053 = arith.cmpi eq, %add3A_2052, %gather3A_2023 : vector<16xi32>
      %eq3A_2054 = arith.cmpi eq, %add3A_2052, %gather3A_2027 : vector<16xi32>
      %sub3A_2055 = arith.constant 1.000000e+00 : f32
      %sub3A_2056 = vector.broadcast %sub3A_2055 : f32 to vector<16xf32>
      %sub3A_2057 = arith.subf %sub3A_2056, %gather3A_2031 : vector<16xf32>
      %jit3A_2058 = arith.constant 0.000000e+00 : f32
      %broadcast_in_dim3A_2059 = vector.broadcast %jit3A_2058 : f32 to vector<16xf32>
      %select_n3A_2060 = arith.select %eq3A_2054, %sub3A_2057, %broadcast_in_dim3A_2059 : vector<16xi1>, vector<16xf32>
      %select_n3A_2061 = arith.select %eq3A_2053, %gather3A_2031, %select_n3A_2060 : vector<16xi1>, vector<16xf32>
      %swap3A_2062 = arith.constant 11 : i32
      %swap3A_2063 = arith.index_cast %swap3A_2062 : i32 to index
      %swap3A_2064 = arith.constant 16 : index
      %swap3A_2065 = tpu.vector_load %arg5[%swap3A_2063, %swap3A_2064] {strides = array<i32>} : memref<16x64xf32, #tpu.memory_space<vmem>>, vector<1x16xf32>,
      %swap3A_2066 = vector.shape_cast %swap3A_2065 : vector<1x16xf32> to vector<16xf32>
      %swap3A_2067 = vector.shape_cast %select_n3A_2061 : vector<16xf32> to vector<1x16xf32>
      tpu.vector_store %arg5[%swap3A_2063, %swap3A_2064], %swap3A_2067 {strides = array<i32>} : memref<16x64xf32, #tpu.memory_space<vmem>>, vector<1x16xf32>,
      %add3A_2068 = arith.constant 32 : i32
      %add3A_2069 = vector.broadcast %add3A_2068 : i32 to vector<16xi32>
      %add3A_2070 = arith.addi %iota3A, %add3A_2069 : vector<16xi32>
      %eq3A_2071 = arith.cmpi eq, %add3A_2070, %gather3A_2023 : vector<16xi32>
      %eq3A_2072 = arith.cmpi eq, %add3A_2070, %gather3A_2027 : vector<16xi32>
      %sub3A_2073 = arith.constant 1.000000e+00 : f32
      %sub3A_2074 = vector.broadcast %sub3A_2073 : f32 to vector<16xf32>
      %sub3A_2075 = arith.subf %sub3A_2074, %gather3A_2031 : vector<16xf32>
      %jit3A_2076 = arith.constant 0.000000e+00 : f32
      %broadcast_in_dim3A_2077 = vector.broadcast %jit3A_2076 : f32 to vector<16xf32>
      %select_n3A_2078 = arith.select %eq3A_2072, %sub3A_2075, %broadcast_in_dim3A_2077 : vector<16xi1>, vector<16xf32>
      %select_n3A_2079 = arith.select %eq3A_2071, %gather3A_2031, %select_n3A_2078 : vector<16xi1>, vector<16xf32>
      %swap3A_2080 = arith.constant 11 : i32
      %swap3A_2081 = arith.index_cast %swap3A_2080 : i32 to index
      %swap3A_2082 = arith.constant 32 : index
      %swap3A_2083 = tpu.vector_load %arg5[%swap3A_2081, %swap3A_2082] {strides = array<i32>} : memref<16x64xf32, #tpu.memory_space<vmem>>, vector<1x16xf32>,
      %swap3A_2084 = vector.shape_cast %swap3A_2083 : vector<1x16xf32> to vector<16xf32>
      %swap3A_2085 = vector.shape_cast %select_n3A_2079 : vector<16xf32> to vector<1x16xf32>
      tpu.vector_store %arg5[%swap3A_2081, %swap3A_2082], %swap3A_2085 {strides = array<i32>} : memref<16x64xf32, #tpu.memory_space<vmem>>, vector<1x16xf32>,
      %add3A_2086 = arith.constant 48 : i32
      %add3A_2087 = vector.broadcast %add3A_2086 : i32 to vector<16xi32>
      %add3A_2088 = arith.addi %iota3A, %add3A_2087 : vector<16xi32>
      %eq3A_2089 = arith.cmpi eq, %add3A_2088, %gather3A_2023 : vector<16xi32>
      %eq3A_2090 = arith.cmpi eq, %add3A_2088, %gather3A_2027 : vector<16xi32>
      %sub3A_2091 = arith.constant 1.000000e+00 : f32
      %sub3A_2092 = vector.broadcast %sub3A_2091 : f32 to vector<16xf32>
      %sub3A_2093 = arith.subf %sub3A_2092, %gather3A_2031 : vector<16xf32>
      %jit3A_2094 = arith.constant 0.000000e+00 : f32
      %broadcast_in_dim3A_2095 = vector.broadcast %jit3A_2094 : f32 to vector<16xf32>
      %select_n3A_2096 = arith.select %eq3A_2090, %sub3A_2093, %broadcast_in_dim3A_2095 : vector<16xi1>, vector<16xf32>
      %select_n3A_2097 = arith.select %eq3A_2089, %gather3A_2031, %select_n3A_2096 : vector<16xi1>, vector<16xf32>
      %swap3A_2098 = arith.constant 11 : i32
      %swap3A_2099 = arith.index_cast %swap3A_2098 : i32 to index
      %swap3A_2100 = arith.constant 48 : index
      %swap3A_2101 = tpu.vector_load %arg5[%swap3A_2099, %swap3A_2100] {strides = array<i32>} : memref<16x64xf32, #tpu.memory_space<vmem>>, vector<1x16xf32>,
      %swap3A_2102 = vector.shape_cast %swap3A_2101 : vector<1x16xf32> to vector<16xf32>
      %swap3A_2103 = vector.shape_cast %select_n3A_2097 : vector<16xf32> to vector<1x16xf32>
      tpu.vector_store %arg5[%swap3A_2099, %swap3A_2100], %swap3A_2103 {strides = array<i32>} : memref<16x64xf32, #tpu.memory_space<vmem>>, vector<1x16xf32>,
      %broadcast_in_dim3A_2104 = arith.constant 12 : i32
      %broadcast_in_dim3A_2105 = vector.broadcast %broadcast_in_dim3A_2104 : i32 to vector<16x1xi32>
      %gather3A_2106 = vector.shape_cast %broadcast_in_dim3A_2105 : vector<16x1xi32> to vector<16xi32>
      %gather3A_2107 = tpu.dynamic_gather %select_n3A_1092[%gather3A_2106] in [0] : vector<16xi32>, vector<16xi32> -> vector<16xi32>
      %broadcast_in_dim3A_2108 = arith.constant 12 : i32
      %broadcast_in_dim3A_2109 = vector.broadcast %broadcast_in_dim3A_2108 : i32 to vector<16x1xi32>
      %gather3A_2110 = vector.shape_cast %broadcast_in_dim3A_2109 : vector<16x1xi32> to vector<16xi32>
      %gather3A_2111 = tpu.dynamic_gather %select_n3A_1087[%gather3A_2110] in [0] : vector<16xi32>, vector<16xi32> -> vector<16xi32>
      %broadcast_in_dim3A_2112 = arith.constant 12 : i32
      %broadcast_in_dim3A_2113 = vector.broadcast %broadcast_in_dim3A_2112 : i32 to vector<16x1xi32>
      %gather3A_2114 = vector.shape_cast %broadcast_in_dim3A_2113 : vector<16x1xi32> to vector<16xi32>
      %gather3A_2115 = tpu.dynamic_gather %div3A_1098[%gather3A_2114] in [0] : vector<16xf32>, vector<16xi32> -> vector<16xf32>
      %add3A_2116 = arith.constant 0 : i32
      %add3A_2117 = vector.broadcast %add3A_2116 : i32 to vector<16xi32>
      %add3A_2118 = arith.addi %iota3A, %add3A_2117 : vector<16xi32>
      %eq3A_2119 = arith.cmpi eq, %add3A_2118, %gather3A_2107 : vector<16xi32>
      %eq3A_2120 = arith.cmpi eq, %add3A_2118, %gather3A_2111 : vector<16xi32>
      %sub3A_2121 = arith.constant 1.000000e+00 : f32
      %sub3A_2122 = vector.broadcast %sub3A_2121 : f32 to vector<16xf32>
      %sub3A_2123 = arith.subf %sub3A_2122, %gather3A_2115 : vector<16xf32>
      %jit3A_2124 = arith.constant 0.000000e+00 : f32
      %broadcast_in_dim3A_2125 = vector.broadcast %jit3A_2124 : f32 to vector<16xf32>
      %select_n3A_2126 = arith.select %eq3A_2120, %sub3A_2123, %broadcast_in_dim3A_2125 : vector<16xi1>, vector<16xf32>
      %select_n3A_2127 = arith.select %eq3A_2119, %gather3A_2115, %select_n3A_2126 : vector<16xi1>, vector<16xf32>
      %swap3A_2128 = arith.constant 12 : i32
      %swap3A_2129 = arith.index_cast %swap3A_2128 : i32 to index
      %swap3A_2130 = arith.constant 0 : index
      %swap3A_2131 = tpu.vector_load %arg5[%swap3A_2129, %swap3A_2130] {strides = array<i32>} : memref<16x64xf32, #tpu.memory_space<vmem>>, vector<1x16xf32>,
      %swap3A_2132 = vector.shape_cast %swap3A_2131 : vector<1x16xf32> to vector<16xf32>
      %swap3A_2133 = vector.shape_cast %select_n3A_2127 : vector<16xf32> to vector<1x16xf32>
      tpu.vector_store %arg5[%swap3A_2129, %swap3A_2130], %swap3A_2133 {strides = array<i32>} : memref<16x64xf32, #tpu.memory_space<vmem>>, vector<1x16xf32>,
      %add3A_2134 = arith.constant 16 : i32
      %add3A_2135 = vector.broadcast %add3A_2134 : i32 to vector<16xi32>
      %add3A_2136 = arith.addi %iota3A, %add3A_2135 : vector<16xi32>
      %eq3A_2137 = arith.cmpi eq, %add3A_2136, %gather3A_2107 : vector<16xi32>
      %eq3A_2138 = arith.cmpi eq, %add3A_2136, %gather3A_2111 : vector<16xi32>
      %sub3A_2139 = arith.constant 1.000000e+00 : f32
      %sub3A_2140 = vector.broadcast %sub3A_2139 : f32 to vector<16xf32>
      %sub3A_2141 = arith.subf %sub3A_2140, %gather3A_2115 : vector<16xf32>
      %jit3A_2142 = arith.constant 0.000000e+00 : f32
      %broadcast_in_dim3A_2143 = vector.broadcast %jit3A_2142 : f32 to vector<16xf32>
      %select_n3A_2144 = arith.select %eq3A_2138, %sub3A_2141, %broadcast_in_dim3A_2143 : vector<16xi1>, vector<16xf32>
      %select_n3A_2145 = arith.select %eq3A_2137, %gather3A_2115, %select_n3A_2144 : vector<16xi1>, vector<16xf32>
      %swap3A_2146 = arith.constant 12 : i32
      %swap3A_2147 = arith.index_cast %swap3A_2146 : i32 to index
      %swap3A_2148 = arith.constant 16 : index
      %swap3A_2149 = tpu.vector_load %arg5[%swap3A_2147, %swap3A_2148] {strides = array<i32>} : memref<16x64xf32, #tpu.memory_space<vmem>>, vector<1x16xf32>,
      %swap3A_2150 = vector.shape_cast %swap3A_2149 : vector<1x16xf32> to vector<16xf32>
      %swap3A_2151 = vector.shape_cast %select_n3A_2145 : vector<16xf32> to vector<1x16xf32>
      tpu.vector_store %arg5[%swap3A_2147, %swap3A_2148], %swap3A_2151 {strides = array<i32>} : memref<16x64xf32, #tpu.memory_space<vmem>>, vector<1x16xf32>,
      %add3A_2152 = arith.constant 32 : i32
      %add3A_2153 = vector.broadcast %add3A_2152 : i32 to vector<16xi32>
      %add3A_2154 = arith.addi %iota3A, %add3A_2153 : vector<16xi32>
      %eq3A_2155 = arith.cmpi eq, %add3A_2154, %gather3A_2107 : vector<16xi32>
      %eq3A_2156 = arith.cmpi eq, %add3A_2154, %gather3A_2111 : vector<16xi32>
      %sub3A_2157 = arith.constant 1.000000e+00 : f32
      %sub3A_2158 = vector.broadcast %sub3A_2157 : f32 to vector<16xf32>
      %sub3A_2159 = arith.subf %sub3A_2158, %gather3A_2115 : vector<16xf32>
      %jit3A_2160 = arith.constant 0.000000e+00 : f32
      %broadcast_in_dim3A_2161 = vector.broadcast %jit3A_2160 : f32 to vector<16xf32>
      %select_n3A_2162 = arith.select %eq3A_2156, %sub3A_2159, %broadcast_in_dim3A_2161 : vector<16xi1>, vector<16xf32>
      %select_n3A_2163 = arith.select %eq3A_2155, %gather3A_2115, %select_n3A_2162 : vector<16xi1>, vector<16xf32>
      %swap3A_2164 = arith.constant 12 : i32
      %swap3A_2165 = arith.index_cast %swap3A_2164 : i32 to index
      %swap3A_2166 = arith.constant 32 : index
      %swap3A_2167 = tpu.vector_load %arg5[%swap3A_2165, %swap3A_2166] {strides = array<i32>} : memref<16x64xf32, #tpu.memory_space<vmem>>, vector<1x16xf32>,
      %swap3A_2168 = vector.shape_cast %swap3A_2167 : vector<1x16xf32> to vector<16xf32>
      %swap3A_2169 = vector.shape_cast %select_n3A_2163 : vector<16xf32> to vector<1x16xf32>
      tpu.vector_store %arg5[%swap3A_2165, %swap3A_2166], %swap3A_2169 {strides = array<i32>} : memref<16x64xf32, #tpu.memory_space<vmem>>, vector<1x16xf32>,
      %add3A_2170 = arith.constant 48 : i32
      %add3A_2171 = vector.broadcast %add3A_2170 : i32 to vector<16xi32>
      %add3A_2172 = arith.addi %iota3A, %add3A_2171 : vector<16xi32>
      %eq3A_2173 = arith.cmpi eq, %add3A_2172, %gather3A_2107 : vector<16xi32>
      %eq3A_2174 = arith.cmpi eq, %add3A_2172, %gather3A_2111 : vector<16xi32>
      %sub3A_2175 = arith.constant 1.000000e+00 : f32
      %sub3A_2176 = vector.broadcast %sub3A_2175 : f32 to vector<16xf32>
      %sub3A_2177 = arith.subf %sub3A_2176, %gather3A_2115 : vector<16xf32>
      %jit3A_2178 = arith.constant 0.000000e+00 : f32
      %broadcast_in_dim3A_2179 = vector.broadcast %jit3A_2178 : f32 to vector<16xf32>
      %select_n3A_2180 = arith.select %eq3A_2174, %sub3A_2177, %broadcast_in_dim3A_2179 : vector<16xi1>, vector<16xf32>
      %select_n3A_2181 = arith.select %eq3A_2173, %gather3A_2115, %select_n3A_2180 : vector<16xi1>, vector<16xf32>
      %swap3A_2182 = arith.constant 12 : i32
      %swap3A_2183 = arith.index_cast %swap3A_2182 : i32 to index
      %swap3A_2184 = arith.constant 48 : index
      %swap3A_2185 = tpu.vector_load %arg5[%swap3A_2183, %swap3A_2184] {strides = array<i32>} : memref<16x64xf32, #tpu.memory_space<vmem>>, vector<1x16xf32>,
      %swap3A_2186 = vector.shape_cast %swap3A_2185 : vector<1x16xf32> to vector<16xf32>
      %swap3A_2187 = vector.shape_cast %select_n3A_2181 : vector<16xf32> to vector<1x16xf32>
      tpu.vector_store %arg5[%swap3A_2183, %swap3A_2184], %swap3A_2187 {strides = array<i32>} : memref<16x64xf32, #tpu.memory_space<vmem>>, vector<1x16xf32>,
      %broadcast_in_dim3A_2188 = arith.constant 13 : i32
      %broadcast_in_dim3A_2189 = vector.broadcast %broadcast_in_dim3A_2188 : i32 to vector<16x1xi32>
      %gather3A_2190 = vector.shape_cast %broadcast_in_dim3A_2189 : vector<16x1xi32> to vector<16xi32>
      %gather3A_2191 = tpu.dynamic_gather %select_n3A_1092[%gather3A_2190] in [0] : vector<16xi32>, vector<16xi32> -> vector<16xi32>
      %broadcast_in_dim3A_2192 = arith.constant 13 : i32
      %broadcast_in_dim3A_2193 = vector.broadcast %broadcast_in_dim3A_2192 : i32 to vector<16x1xi32>
      %gather3A_2194 = vector.shape_cast %broadcast_in_dim3A_2193 : vector<16x1xi32> to vector<16xi32>
      %gather3A_2195 = tpu.dynamic_gather %select_n3A_1087[%gather3A_2194] in [0] : vector<16xi32>, vector<16xi32> -> vector<16xi32>
      %broadcast_in_dim3A_2196 = arith.constant 13 : i32
      %broadcast_in_dim3A_2197 = vector.broadcast %broadcast_in_dim3A_2196 : i32 to vector<16x1xi32>
      %gather3A_2198 = vector.shape_cast %broadcast_in_dim3A_2197 : vector<16x1xi32> to vector<16xi32>
      %gather3A_2199 = tpu.dynamic_gather %div3A_1098[%gather3A_2198] in [0] : vector<16xf32>, vector<16xi32> -> vector<16xf32>
      %add3A_2200 = arith.constant 0 : i32
      %add3A_2201 = vector.broadcast %add3A_2200 : i32 to vector<16xi32>
      %add3A_2202 = arith.addi %iota3A, %add3A_2201 : vector<16xi32>
      %eq3A_2203 = arith.cmpi eq, %add3A_2202, %gather3A_2191 : vector<16xi32>
      %eq3A_2204 = arith.cmpi eq, %add3A_2202, %gather3A_2195 : vector<16xi32>
      %sub3A_2205 = arith.constant 1.000000e+00 : f32
      %sub3A_2206 = vector.broadcast %sub3A_2205 : f32 to vector<16xf32>
      %sub3A_2207 = arith.subf %sub3A_2206, %gather3A_2199 : vector<16xf32>
      %jit3A_2208 = arith.constant 0.000000e+00 : f32
      %broadcast_in_dim3A_2209 = vector.broadcast %jit3A_2208 : f32 to vector<16xf32>
      %select_n3A_2210 = arith.select %eq3A_2204, %sub3A_2207, %broadcast_in_dim3A_2209 : vector<16xi1>, vector<16xf32>
      %select_n3A_2211 = arith.select %eq3A_2203, %gather3A_2199, %select_n3A_2210 : vector<16xi1>, vector<16xf32>
      %swap3A_2212 = arith.constant 13 : i32
      %swap3A_2213 = arith.index_cast %swap3A_2212 : i32 to index
      %swap3A_2214 = arith.constant 0 : index
      %swap3A_2215 = tpu.vector_load %arg5[%swap3A_2213, %swap3A_2214] {strides = array<i32>} : memref<16x64xf32, #tpu.memory_space<vmem>>, vector<1x16xf32>,
      %swap3A_2216 = vector.shape_cast %swap3A_2215 : vector<1x16xf32> to vector<16xf32>
      %swap3A_2217 = vector.shape_cast %select_n3A_2211 : vector<16xf32> to vector<1x16xf32>
      tpu.vector_store %arg5[%swap3A_2213, %swap3A_2214], %swap3A_2217 {strides = array<i32>} : memref<16x64xf32, #tpu.memory_space<vmem>>, vector<1x16xf32>,
      %add3A_2218 = arith.constant 16 : i32
      %add3A_2219 = vector.broadcast %add3A_2218 : i32 to vector<16xi32>
      %add3A_2220 = arith.addi %iota3A, %add3A_2219 : vector<16xi32>
      %eq3A_2221 = arith.cmpi eq, %add3A_2220, %gather3A_2191 : vector<16xi32>
      %eq3A_2222 = arith.cmpi eq, %add3A_2220, %gather3A_2195 : vector<16xi32>
      %sub3A_2223 = arith.constant 1.000000e+00 : f32
      %sub3A_2224 = vector.broadcast %sub3A_2223 : f32 to vector<16xf32>
      %sub3A_2225 = arith.subf %sub3A_2224, %gather3A_2199 : vector<16xf32>
      %jit3A_2226 = arith.constant 0.000000e+00 : f32
      %broadcast_in_dim3A_2227 = vector.broadcast %jit3A_2226 : f32 to vector<16xf32>
      %select_n3A_2228 = arith.select %eq3A_2222, %sub3A_2225, %broadcast_in_dim3A_2227 : vector<16xi1>, vector<16xf32>
      %select_n3A_2229 = arith.select %eq3A_2221, %gather3A_2199, %select_n3A_2228 : vector<16xi1>, vector<16xf32>
      %swap3A_2230 = arith.constant 13 : i32
      %swap3A_2231 = arith.index_cast %swap3A_2230 : i32 to index
      %swap3A_2232 = arith.constant 16 : index
      %swap3A_2233 = tpu.vector_load %arg5[%swap3A_2231, %swap3A_2232] {strides = array<i32>} : memref<16x64xf32, #tpu.memory_space<vmem>>, vector<1x16xf32>,
      %swap3A_2234 = vector.shape_cast %swap3A_2233 : vector<1x16xf32> to vector<16xf32>
      %swap3A_2235 = vector.shape_cast %select_n3A_2229 : vector<16xf32> to vector<1x16xf32>
      tpu.vector_store %arg5[%swap3A_2231, %swap3A_2232], %swap3A_2235 {strides = array<i32>} : memref<16x64xf32, #tpu.memory_space<vmem>>, vector<1x16xf32>,
      %add3A_2236 = arith.constant 32 : i32
      %add3A_2237 = vector.broadcast %add3A_2236 : i32 to vector<16xi32>
      %add3A_2238 = arith.addi %iota3A, %add3A_2237 : vector<16xi32>
      %eq3A_2239 = arith.cmpi eq, %add3A_2238, %gather3A_2191 : vector<16xi32>
      %eq3A_2240 = arith.cmpi eq, %add3A_2238, %gather3A_2195 : vector<16xi32>
      %sub3A_2241 = arith.constant 1.000000e+00 : f32
      %sub3A_2242 = vector.broadcast %sub3A_2241 : f32 to vector<16xf32>
      %sub3A_2243 = arith.subf %sub3A_2242, %gather3A_2199 : vector<16xf32>
      %jit3A_2244 = arith.constant 0.000000e+00 : f32
      %broadcast_in_dim3A_2245 = vector.broadcast %jit3A_2244 : f32 to vector<16xf32>
      %select_n3A_2246 = arith.select %eq3A_2240, %sub3A_2243, %broadcast_in_dim3A_2245 : vector<16xi1>, vector<16xf32>
      %select_n3A_2247 = arith.select %eq3A_2239, %gather3A_2199, %select_n3A_2246 : vector<16xi1>, vector<16xf32>
      %swap3A_2248 = arith.constant 13 : i32
      %swap3A_2249 = arith.index_cast %swap3A_2248 : i32 to index
      %swap3A_2250 = arith.constant 32 : index
      %swap3A_2251 = tpu.vector_load %arg5[%swap3A_2249, %swap3A_2250] {strides = array<i32>} : memref<16x64xf32, #tpu.memory_space<vmem>>, vector<1x16xf32>,
      %swap3A_2252 = vector.shape_cast %swap3A_2251 : vector<1x16xf32> to vector<16xf32>
      %swap3A_2253 = vector.shape_cast %select_n3A_2247 : vector<16xf32> to vector<1x16xf32>
      tpu.vector_store %arg5[%swap3A_2249, %swap3A_2250], %swap3A_2253 {strides = array<i32>} : memref<16x64xf32, #tpu.memory_space<vmem>>, vector<1x16xf32>,
      %add3A_2254 = arith.constant 48 : i32
      %add3A_2255 = vector.broadcast %add3A_2254 : i32 to vector<16xi32>
      %add3A_2256 = arith.addi %iota3A, %add3A_2255 : vector<16xi32>
      %eq3A_2257 = arith.cmpi eq, %add3A_2256, %gather3A_2191 : vector<16xi32>
      %eq3A_2258 = arith.cmpi eq, %add3A_2256, %gather3A_2195 : vector<16xi32>
      %sub3A_2259 = arith.constant 1.000000e+00 : f32
      %sub3A_2260 = vector.broadcast %sub3A_2259 : f32 to vector<16xf32>
      %sub3A_2261 = arith.subf %sub3A_2260, %gather3A_2199 : vector<16xf32>
      %jit3A_2262 = arith.constant 0.000000e+00 : f32
      %broadcast_in_dim3A_2263 = vector.broadcast %jit3A_2262 : f32 to vector<16xf32>
      %select_n3A_2264 = arith.select %eq3A_2258, %sub3A_2261, %broadcast_in_dim3A_2263 : vector<16xi1>, vector<16xf32>
      %select_n3A_2265 = arith.select %eq3A_2257, %gather3A_2199, %select_n3A_2264 : vector<16xi1>, vector<16xf32>
      %swap3A_2266 = arith.constant 13 : i32
      %swap3A_2267 = arith.index_cast %swap3A_2266 : i32 to index
      %swap3A_2268 = arith.constant 48 : index
      %swap3A_2269 = tpu.vector_load %arg5[%swap3A_2267, %swap3A_2268] {strides = array<i32>} : memref<16x64xf32, #tpu.memory_space<vmem>>, vector<1x16xf32>,
      %swap3A_2270 = vector.shape_cast %swap3A_2269 : vector<1x16xf32> to vector<16xf32>
      %swap3A_2271 = vector.shape_cast %select_n3A_2265 : vector<16xf32> to vector<1x16xf32>
      tpu.vector_store %arg5[%swap3A_2267, %swap3A_2268], %swap3A_2271 {strides = array<i32>} : memref<16x64xf32, #tpu.memory_space<vmem>>, vector<1x16xf32>,
      %broadcast_in_dim3A_2272 = arith.constant 14 : i32
      %broadcast_in_dim3A_2273 = vector.broadcast %broadcast_in_dim3A_2272 : i32 to vector<16x1xi32>
      %gather3A_2274 = vector.shape_cast %broadcast_in_dim3A_2273 : vector<16x1xi32> to vector<16xi32>
      %gather3A_2275 = tpu.dynamic_gather %select_n3A_1092[%gather3A_2274] in [0] : vector<16xi32>, vector<16xi32> -> vector<16xi32>
      %broadcast_in_dim3A_2276 = arith.constant 14 : i32
      %broadcast_in_dim3A_2277 = vector.broadcast %broadcast_in_dim3A_2276 : i32 to vector<16x1xi32>
      %gather3A_2278 = vector.shape_cast %broadcast_in_dim3A_2277 : vector<16x1xi32> to vector<16xi32>
      %gather3A_2279 = tpu.dynamic_gather %select_n3A_1087[%gather3A_2278] in [0] : vector<16xi32>, vector<16xi32> -> vector<16xi32>
      %broadcast_in_dim3A_2280 = arith.constant 14 : i32
      %broadcast_in_dim3A_2281 = vector.broadcast %broadcast_in_dim3A_2280 : i32 to vector<16x1xi32>
      %gather3A_2282 = vector.shape_cast %broadcast_in_dim3A_2281 : vector<16x1xi32> to vector<16xi32>
      %gather3A_2283 = tpu.dynamic_gather %div3A_1098[%gather3A_2282] in [0] : vector<16xf32>, vector<16xi32> -> vector<16xf32>
      %add3A_2284 = arith.constant 0 : i32
      %add3A_2285 = vector.broadcast %add3A_2284 : i32 to vector<16xi32>
      %add3A_2286 = arith.addi %iota3A, %add3A_2285 : vector<16xi32>
      %eq3A_2287 = arith.cmpi eq, %add3A_2286, %gather3A_2275 : vector<16xi32>
      %eq3A_2288 = arith.cmpi eq, %add3A_2286, %gather3A_2279 : vector<16xi32>
      %sub3A_2289 = arith.constant 1.000000e+00 : f32
      %sub3A_2290 = vector.broadcast %sub3A_2289 : f32 to vector<16xf32>
      %sub3A_2291 = arith.subf %sub3A_2290, %gather3A_2283 : vector<16xf32>
      %jit3A_2292 = arith.constant 0.000000e+00 : f32
      %broadcast_in_dim3A_2293 = vector.broadcast %jit3A_2292 : f32 to vector<16xf32>
      %select_n3A_2294 = arith.select %eq3A_2288, %sub3A_2291, %broadcast_in_dim3A_2293 : vector<16xi1>, vector<16xf32>
      %select_n3A_2295 = arith.select %eq3A_2287, %gather3A_2283, %select_n3A_2294 : vector<16xi1>, vector<16xf32>
      %swap3A_2296 = arith.constant 14 : i32
      %swap3A_2297 = arith.index_cast %swap3A_2296 : i32 to index
      %swap3A_2298 = arith.constant 0 : index
      %swap3A_2299 = tpu.vector_load %arg5[%swap3A_2297, %swap3A_2298] {strides = array<i32>} : memref<16x64xf32, #tpu.memory_space<vmem>>, vector<1x16xf32>,
      %swap3A_2300 = vector.shape_cast %swap3A_2299 : vector<1x16xf32> to vector<16xf32>
      %swap3A_2301 = vector.shape_cast %select_n3A_2295 : vector<16xf32> to vector<1x16xf32>
      tpu.vector_store %arg5[%swap3A_2297, %swap3A_2298], %swap3A_2301 {strides = array<i32>} : memref<16x64xf32, #tpu.memory_space<vmem>>, vector<1x16xf32>,
      %add3A_2302 = arith.constant 16 : i32
      %add3A_2303 = vector.broadcast %add3A_2302 : i32 to vector<16xi32>
      %add3A_2304 = arith.addi %iota3A, %add3A_2303 : vector<16xi32>
      %eq3A_2305 = arith.cmpi eq, %add3A_2304, %gather3A_2275 : vector<16xi32>
      %eq3A_2306 = arith.cmpi eq, %add3A_2304, %gather3A_2279 : vector<16xi32>
      %sub3A_2307 = arith.constant 1.000000e+00 : f32
      %sub3A_2308 = vector.broadcast %sub3A_2307 : f32 to vector<16xf32>
      %sub3A_2309 = arith.subf %sub3A_2308, %gather3A_2283 : vector<16xf32>
      %jit3A_2310 = arith.constant 0.000000e+00 : f32
      %broadcast_in_dim3A_2311 = vector.broadcast %jit3A_2310 : f32 to vector<16xf32>
      %select_n3A_2312 = arith.select %eq3A_2306, %sub3A_2309, %broadcast_in_dim3A_2311 : vector<16xi1>, vector<16xf32>
      %select_n3A_2313 = arith.select %eq3A_2305, %gather3A_2283, %select_n3A_2312 : vector<16xi1>, vector<16xf32>
      %swap3A_2314 = arith.constant 14 : i32
      %swap3A_2315 = arith.index_cast %swap3A_2314 : i32 to index
      %swap3A_2316 = arith.constant 16 : index
      %swap3A_2317 = tpu.vector_load %arg5[%swap3A_2315, %swap3A_2316] {strides = array<i32>} : memref<16x64xf32, #tpu.memory_space<vmem>>, vector<1x16xf32>,
      %swap3A_2318 = vector.shape_cast %swap3A_2317 : vector<1x16xf32> to vector<16xf32>
      %swap3A_2319 = vector.shape_cast %select_n3A_2313 : vector<16xf32> to vector<1x16xf32>
      tpu.vector_store %arg5[%swap3A_2315, %swap3A_2316], %swap3A_2319 {strides = array<i32>} : memref<16x64xf32, #tpu.memory_space<vmem>>, vector<1x16xf32>,
      %add3A_2320 = arith.constant 32 : i32
      %add3A_2321 = vector.broadcast %add3A_2320 : i32 to vector<16xi32>
      %add3A_2322 = arith.addi %iota3A, %add3A_2321 : vector<16xi32>
      %eq3A_2323 = arith.cmpi eq, %add3A_2322, %gather3A_2275 : vector<16xi32>
      %eq3A_2324 = arith.cmpi eq, %add3A_2322, %gather3A_2279 : vector<16xi32>
      %sub3A_2325 = arith.constant 1.000000e+00 : f32
      %sub3A_2326 = vector.broadcast %sub3A_2325 : f32 to vector<16xf32>
      %sub3A_2327 = arith.subf %sub3A_2326, %gather3A_2283 : vector<16xf32>
      %jit3A_2328 = arith.constant 0.000000e+00 : f32
      %broadcast_in_dim3A_2329 = vector.broadcast %jit3A_2328 : f32 to vector<16xf32>
      %select_n3A_2330 = arith.select %eq3A_2324, %sub3A_2327, %broadcast_in_dim3A_2329 : vector<16xi1>, vector<16xf32>
      %select_n3A_2331 = arith.select %eq3A_2323, %gather3A_2283, %select_n3A_2330 : vector<16xi1>, vector<16xf32>
      %swap3A_2332 = arith.constant 14 : i32
      %swap3A_2333 = arith.index_cast %swap3A_2332 : i32 to index
      %swap3A_2334 = arith.constant 32 : index
      %swap3A_2335 = tpu.vector_load %arg5[%swap3A_2333, %swap3A_2334] {strides = array<i32>} : memref<16x64xf32, #tpu.memory_space<vmem>>, vector<1x16xf32>,
      %swap3A_2336 = vector.shape_cast %swap3A_2335 : vector<1x16xf32> to vector<16xf32>
      %swap3A_2337 = vector.shape_cast %select_n3A_2331 : vector<16xf32> to vector<1x16xf32>
      tpu.vector_store %arg5[%swap3A_2333, %swap3A_2334], %swap3A_2337 {strides = array<i32>} : memref<16x64xf32, #tpu.memory_space<vmem>>, vector<1x16xf32>,
      %add3A_2338 = arith.constant 48 : i32
      %add3A_2339 = vector.broadcast %add3A_2338 : i32 to vector<16xi32>
      %add3A_2340 = arith.addi %iota3A, %add3A_2339 : vector<16xi32>
      %eq3A_2341 = arith.cmpi eq, %add3A_2340, %gather3A_2275 : vector<16xi32>
      %eq3A_2342 = arith.cmpi eq, %add3A_2340, %gather3A_2279 : vector<16xi32>
      %sub3A_2343 = arith.constant 1.000000e+00 : f32
      %sub3A_2344 = vector.broadcast %sub3A_2343 : f32 to vector<16xf32>
      %sub3A_2345 = arith.subf %sub3A_2344, %gather3A_2283 : vector<16xf32>
      %jit3A_2346 = arith.constant 0.000000e+00 : f32
      %broadcast_in_dim3A_2347 = vector.broadcast %jit3A_2346 : f32 to vector<16xf32>
      %select_n3A_2348 = arith.select %eq3A_2342, %sub3A_2345, %broadcast_in_dim3A_2347 : vector<16xi1>, vector<16xf32>
      %select_n3A_2349 = arith.select %eq3A_2341, %gather3A_2283, %select_n3A_2348 : vector<16xi1>, vector<16xf32>
      %swap3A_2350 = arith.constant 14 : i32
      %swap3A_2351 = arith.index_cast %swap3A_2350 : i32 to index
      %swap3A_2352 = arith.constant 48 : index
      %swap3A_2353 = tpu.vector_load %arg5[%swap3A_2351, %swap3A_2352] {strides = array<i32>} : memref<16x64xf32, #tpu.memory_space<vmem>>, vector<1x16xf32>,
      %swap3A_2354 = vector.shape_cast %swap3A_2353 : vector<1x16xf32> to vector<16xf32>
      %swap3A_2355 = vector.shape_cast %select_n3A_2349 : vector<16xf32> to vector<1x16xf32>
      tpu.vector_store %arg5[%swap3A_2351, %swap3A_2352], %swap3A_2355 {strides = array<i32>} : memref<16x64xf32, #tpu.memory_space<vmem>>, vector<1x16xf32>,
      %broadcast_in_dim3A_2356 = arith.constant 15 : i32
      %broadcast_in_dim3A_2357 = vector.broadcast %broadcast_in_dim3A_2356 : i32 to vector<16x1xi32>
      %gather3A_2358 = vector.shape_cast %broadcast_in_dim3A_2357 : vector<16x1xi32> to vector<16xi32>
      %gather3A_2359 = tpu.dynamic_gather %select_n3A_1092[%gather3A_2358] in [0] : vector<16xi32>, vector<16xi32> -> vector<16xi32>
      %broadcast_in_dim3A_2360 = arith.constant 15 : i32
      %broadcast_in_dim3A_2361 = vector.broadcast %broadcast_in_dim3A_2360 : i32 to vector<16x1xi32>
      %gather3A_2362 = vector.shape_cast %broadcast_in_dim3A_2361 : vector<16x1xi32> to vector<16xi32>
      %gather3A_2363 = tpu.dynamic_gather %select_n3A_1087[%gather3A_2362] in [0] : vector<16xi32>, vector<16xi32> -> vector<16xi32>
      %broadcast_in_dim3A_2364 = arith.constant 15 : i32
      %broadcast_in_dim3A_2365 = vector.broadcast %broadcast_in_dim3A_2364 : i32 to vector<16x1xi32>
      %gather3A_2366 = vector.shape_cast %broadcast_in_dim3A_2365 : vector<16x1xi32> to vector<16xi32>
      %gather3A_2367 = tpu.dynamic_gather %div3A_1098[%gather3A_2366] in [0] : vector<16xf32>, vector<16xi32> -> vector<16xf32>
      %add3A_2368 = arith.constant 0 : i32
      %add3A_2369 = vector.broadcast %add3A_2368 : i32 to vector<16xi32>
      %add3A_2370 = arith.addi %iota3A, %add3A_2369 : vector<16xi32>
      %eq3A_2371 = arith.cmpi eq, %add3A_2370, %gather3A_2359 : vector<16xi32>
      %eq3A_2372 = arith.cmpi eq, %add3A_2370, %gather3A_2363 : vector<16xi32>
      %sub3A_2373 = arith.constant 1.000000e+00 : f32
      %sub3A_2374 = vector.broadcast %sub3A_2373 : f32 to vector<16xf32>
      %sub3A_2375 = arith.subf %sub3A_2374, %gather3A_2367 : vector<16xf32>
      %jit3A_2376 = arith.constant 0.000000e+00 : f32
      %broadcast_in_dim3A_2377 = vector.broadcast %jit3A_2376 : f32 to vector<16xf32>
      %select_n3A_2378 = arith.select %eq3A_2372, %sub3A_2375, %broadcast_in_dim3A_2377 : vector<16xi1>, vector<16xf32>
      %select_n3A_2379 = arith.select %eq3A_2371, %gather3A_2367, %select_n3A_2378 : vector<16xi1>, vector<16xf32>
      %swap3A_2380 = arith.constant 15 : i32
      %swap3A_2381 = arith.index_cast %swap3A_2380 : i32 to index
      %swap3A_2382 = arith.constant 0 : index
      %swap3A_2383 = tpu.vector_load %arg5[%swap3A_2381, %swap3A_2382] {strides = array<i32>} : memref<16x64xf32, #tpu.memory_space<vmem>>, vector<1x16xf32>,
      %swap3A_2384 = vector.shape_cast %swap3A_2383 : vector<1x16xf32> to vector<16xf32>
      %swap3A_2385 = vector.shape_cast %select_n3A_2379 : vector<16xf32> to vector<1x16xf32>
      tpu.vector_store %arg5[%swap3A_2381, %swap3A_2382], %swap3A_2385 {strides = array<i32>} : memref<16x64xf32, #tpu.memory_space<vmem>>, vector<1x16xf32>,
      %add3A_2386 = arith.constant 16 : i32
      %add3A_2387 = vector.broadcast %add3A_2386 : i32 to vector<16xi32>
      %add3A_2388 = arith.addi %iota3A, %add3A_2387 : vector<16xi32>
      %eq3A_2389 = arith.cmpi eq, %add3A_2388, %gather3A_2359 : vector<16xi32>
      %eq3A_2390 = arith.cmpi eq, %add3A_2388, %gather3A_2363 : vector<16xi32>
      %sub3A_2391 = arith.constant 1.000000e+00 : f32
      %sub3A_2392 = vector.broadcast %sub3A_2391 : f32 to vector<16xf32>
      %sub3A_2393 = arith.subf %sub3A_2392, %gather3A_2367 : vector<16xf32>
      %jit3A_2394 = arith.constant 0.000000e+00 : f32
      %broadcast_in_dim3A_2395 = vector.broadcast %jit3A_2394 : f32 to vector<16xf32>
      %select_n3A_2396 = arith.select %eq3A_2390, %sub3A_2393, %broadcast_in_dim3A_2395 : vector<16xi1>, vector<16xf32>
      %select_n3A_2397 = arith.select %eq3A_2389, %gather3A_2367, %select_n3A_2396 : vector<16xi1>, vector<16xf32>
      %swap3A_2398 = arith.constant 15 : i32
      %swap3A_2399 = arith.index_cast %swap3A_2398 : i32 to index
      %swap3A_2400 = arith.constant 16 : index
      %swap3A_2401 = tpu.vector_load %arg5[%swap3A_2399, %swap3A_2400] {strides = array<i32>} : memref<16x64xf32, #tpu.memory_space<vmem>>, vector<1x16xf32>,
      %swap3A_2402 = vector.shape_cast %swap3A_2401 : vector<1x16xf32> to vector<16xf32>
      %swap3A_2403 = vector.shape_cast %select_n3A_2397 : vector<16xf32> to vector<1x16xf32>
      tpu.vector_store %arg5[%swap3A_2399, %swap3A_2400], %swap3A_2403 {strides = array<i32>} : memref<16x64xf32, #tpu.memory_space<vmem>>, vector<1x16xf32>,
      %add3A_2404 = arith.constant 32 : i32
      %add3A_2405 = vector.broadcast %add3A_2404 : i32 to vector<16xi32>
      %add3A_2406 = arith.addi %iota3A, %add3A_2405 : vector<16xi32>
      %eq3A_2407 = arith.cmpi eq, %add3A_2406, %gather3A_2359 : vector<16xi32>
      %eq3A_2408 = arith.cmpi eq, %add3A_2406, %gather3A_2363 : vector<16xi32>
      %sub3A_2409 = arith.constant 1.000000e+00 : f32
      %sub3A_2410 = vector.broadcast %sub3A_2409 : f32 to vector<16xf32>
      %sub3A_2411 = arith.subf %sub3A_2410, %gather3A_2367 : vector<16xf32>
      %jit3A_2412 = arith.constant 0.000000e+00 : f32
      %broadcast_in_dim3A_2413 = vector.broadcast %jit3A_2412 : f32 to vector<16xf32>
      %select_n3A_2414 = arith.select %eq3A_2408, %sub3A_2411, %broadcast_in_dim3A_2413 : vector<16xi1>, vector<16xf32>
      %select_n3A_2415 = arith.select %eq3A_2407, %gather3A_2367, %select_n3A_2414 : vector<16xi1>, vector<16xf32>
      %swap3A_2416 = arith.constant 15 : i32
      %swap3A_2417 = arith.index_cast %swap3A_2416 : i32 to index
      %swap3A_2418 = arith.constant 32 : index
      %swap3A_2419 = tpu.vector_load %arg5[%swap3A_2417, %swap3A_2418] {strides = array<i32>} : memref<16x64xf32, #tpu.memory_space<vmem>>, vector<1x16xf32>,
      %swap3A_2420 = vector.shape_cast %swap3A_2419 : vector<1x16xf32> to vector<16xf32>
      %swap3A_2421 = vector.shape_cast %select_n3A_2415 : vector<16xf32> to vector<1x16xf32>
      tpu.vector_store %arg5[%swap3A_2417, %swap3A_2418], %swap3A_2421 {strides = array<i32>} : memref<16x64xf32, #tpu.memory_space<vmem>>, vector<1x16xf32>,
      %add3A_2422 = arith.constant 48 : i32
      %add3A_2423 = vector.broadcast %add3A_2422 : i32 to vector<16xi32>
      %add3A_2424 = arith.addi %iota3A, %add3A_2423 : vector<16xi32>
      %eq3A_2425 = arith.cmpi eq, %add3A_2424, %gather3A_2359 : vector<16xi32>
      %eq3A_2426 = arith.cmpi eq, %add3A_2424, %gather3A_2363 : vector<16xi32>
      %sub3A_2427 = arith.constant 1.000000e+00 : f32
      %sub3A_2428 = vector.broadcast %sub3A_2427 : f32 to vector<16xf32>
      %sub3A_2429 = arith.subf %sub3A_2428, %gather3A_2367 : vector<16xf32>
      %jit3A_2430 = arith.constant 0.000000e+00 : f32
      %broadcast_in_dim3A_2431 = vector.broadcast %jit3A_2430 : f32 to vector<16xf32>
      %select_n3A_2432 = arith.select %eq3A_2426, %sub3A_2429, %broadcast_in_dim3A_2431 : vector<16xi1>, vector<16xf32>
      %select_n3A_2433 = arith.select %eq3A_2425, %gather3A_2367, %select_n3A_2432 : vector<16xi1>, vector<16xf32>
      %swap3A_2434 = arith.constant 15 : i32
      %swap3A_2435 = arith.index_cast %swap3A_2434 : i32 to index
      %swap3A_2436 = arith.constant 48 : index
      %swap3A_2437 = tpu.vector_load %arg5[%swap3A_2435, %swap3A_2436] {strides = array<i32>} : memref<16x64xf32, #tpu.memory_space<vmem>>, vector<1x16xf32>,
      %swap3A_2438 = vector.shape_cast %swap3A_2437 : vector<1x16xf32> to vector<16xf32>
      %swap3A_2439 = vector.shape_cast %select_n3A_2433 : vector<16xf32> to vector<1x16xf32>
      tpu.vector_store %arg5[%swap3A_2435, %swap3A_2436], %swap3A_2439 {strides = array<i32>} : memref<16x64xf32, #tpu.memory_space<vmem>>, vector<1x16xf32>,
      %mul3A_2440 = arith.constant 16 : i32
      %mul3A_2441 = arith.muli %add3A, %mul3A_2440 : i32
      "tpu.region"() ({
        %run_scoped3A = tpu.sem_alloc : memref<!tpu.dma_semaphore, #tpu.memory_space<semaphore_mem>>
        %dma_start3A = arith.constant 0 : i32
        %dma_start3A_2442 = tpu.memref_slice %arg3[%mul3A_2441, %dma_start3A] : memref<256x64xf32, #tpu.memory_space<hbm>> -> memref<16x64xf32, #tpu.memory_space<hbm>>
        %dma_start3A_2443 = arith.constant 0 : i32
        %dma_start3A_2444 = tpu.memref_slice %arg3[%mul3A_2441, %dma_start3A_2443] : memref<256x64xf32, #tpu.memory_space<hbm>> -> memref<16x64xf32, #tpu.memory_space<hbm>>
        tpu.enqueue_dma source(%arg5 : memref<16x64xf32, #tpu.memory_space<vmem>>) target(%dma_start3A_2444 : memref<16x64xf32, #tpu.memory_space<hbm>>) target_semaphore(%run_scoped3A : memref<!tpu.dma_semaphore, #tpu.memory_space<semaphore_mem>>)
        %dma_wait3A = arith.constant 0 : i32
        %dma_wait3A_2445 = tpu.memref_slice %arg3[%mul3A_2441, %dma_wait3A] : memref<256x64xf32, #tpu.memory_space<hbm>> -> memref<16x64xf32, #tpu.memory_space<hbm>>
        %dma_wait3A_2446 = arith.constant 0 : i32
        %dma_wait3A_2447 = tpu.memref_slice %arg3[%mul3A_2441, %dma_wait3A_2446] : memref<256x64xf32, #tpu.memory_space<hbm>> -> memref<16x64xf32, #tpu.memory_space<hbm>>
        tpu.wait_dma2 semaphore(%run_scoped3A : memref<!tpu.dma_semaphore, #tpu.memory_space<semaphore_mem>>) src(%arg5 : memref<16x64xf32, #tpu.memory_space<vmem>>) dst(%dma_wait3A_2447 : memref<16x64xf32, #tpu.memory_space<hbm>>)
        tpu.yield
      }) : () -> ()
    } else {
    }
    return
  }
}

module attributes {stable_mosaic.version = 14 : i64} {
  func.func @_logits_body(%arg0: memref<256x768xf32, #tpu.memory_space<vmem>>, %arg1: memref<768x64xf32, #tpu.memory_space<vmem>>, %arg2: memref<64x256xf32, #tpu.memory_space<vmem>>) attributes {dimension_semantics = [], scalar_prefetch = 0 : i64, scratch_operands = 0 : i64, tpu.core_type = #tpu.core_type<tc>} {
    %get3A = arith.constant 0 : index
    %get3A_0 = arith.constant 0 : index
    %get3A_1 = vector.load %arg1[%get3A, %get3A_0] : memref<768x64xf32, #tpu.memory_space<vmem>>, vector<768x64xf32>
    %get3A_2 = arith.constant 0 : index
    %get3A_3 = arith.constant 0 : index
    %get3A_4 = vector.load %arg0[%get3A_2, %get3A_3] : memref<256x768xf32, #tpu.memory_space<vmem>>, vector<256x768xf32>
    %dot_general3A = arith.constant dense<0.000000e+00> : vector<64x256xf32>
    %dot_general3A_5 = tpu.matmul %get3A_1, %get3A_4, %dot_general3A {dimension_numbers = #tpu.dot_dimension_numbers<[0], [1], [1], [0], [0, 1, 1, 0], [], []>, transpose_lhs_hint = false} : vector<768x64xf32>, vector<256x768xf32>, vector<64x256xf32> -> vector<64x256xf32>
    %swap3A = arith.constant 0 : index
    %swap3A_6 = arith.constant 0 : index
    %swap3A_7 = vector.load %arg2[%swap3A, %swap3A_6] : memref<64x256xf32, #tpu.memory_space<vmem>>, vector<64x256xf32>
    tpu.vector_store %arg2[%swap3A, %swap3A_6], %dot_general3A_5 {strides = array<i32>} : memref<64x256xf32, #tpu.memory_space<vmem>>, vector<64x256xf32>,
    return
  }
}

module attributes {stable_mosaic.version = 14 : i64} {
  func.func @_moe_body(%arg0: i32, %arg1: memref<256x768xbf16, #tpu.memory_space<vmem>>, %arg2: memref<256x64xf32, #tpu.memory_space<vmem>>, %arg3: memref<2x768x768xf32, #tpu.memory_space<vmem>>, %arg4: memref<2x768x768xf32, #tpu.memory_space<vmem>>, %arg5: memref<2x768x768xf32, #tpu.memory_space<vmem>>, %arg6: memref<256x768xf32, #tpu.memory_space<vmem>>) attributes {dimension_semantics = [#tpu.dimension_semantics<arbitrary>], iteration_bounds = array<i64: 32>, scalar_prefetch = 0 : i64, scratch_operands = 0 : i64, tpu.core_type = #tpu.core_type<tc>, window_params = [{pipeline_mode = #tpu.pipeline_mode<synchronous>, transform_indices = @transform_0, window_bounds = array<i64: 256, 768>}, {pipeline_mode = #tpu.pipeline_mode<synchronous>, transform_indices = @transform_1, window_bounds = array<i64: 256, 64>}, {transform_indices = @transform_2, window_bounds = array<i64: 2, 768, 768>}, {transform_indices = @transform_3, window_bounds = array<i64: 2, 768, 768>}, {transform_indices = @transform_4, window_bounds = array<i64: 2, 768, 768>}, {pipeline_mode = #tpu.pipeline_mode<synchronous>, transform_indices = @transform_5, window_bounds = array<i64: 256, 768>}]} {
    %get3A = arith.constant 0 : index
    %get3A_0 = arith.constant 0 : index
    %get3A_1 = vector.load %arg1[%get3A, %get3A_0] : memref<256x768xbf16, #tpu.memory_space<vmem>>, vector<256x768xbf16>
    %mul3A = arith.constant 2 : i32
    %mul3A_2 = arith.muli %arg0, %mul3A : i32
    %iota3A = tpu.iota {dimensions = array<i32: 1>} : vector<1x2xi32>
    %add3A = vector.broadcast %mul3A_2 : i32 to vector<1x2xi32>
    %add3A_3 = arith.addi %add3A, %iota3A : vector<1x2xi32>
    %iota3A_4 = tpu.iota {dimensions = array<i32: 0>} : vector<64x2xi32>
    %eq3A = vector.broadcast %add3A_3 : vector<1x2xi32> to vector<64x2xi32>
    %eq3A_5 = arith.cmpi eq, %iota3A_4, %eq3A : vector<64x2xi32>
    %convert_element_type3A = arith.extui %eq3A_5 : vector<64x2xi1> to vector<64x2xi32>
    %convert_element_type3A_6 = arith.sitofp %convert_element_type3A : vector<64x2xi32> to vector<64x2xf32>
    %get3A_7 = arith.constant 0 : index
    %get3A_8 = arith.constant 0 : index
    %get3A_9 = vector.load %arg2[%get3A_7, %get3A_8] : memref<256x64xf32, #tpu.memory_space<vmem>>, vector<256x64xf32>
    %dot_general3A = arith.constant dense<0.000000e+00> : vector<256x2xf32>
    %dot_general3A_10 = tpu.matmul %get3A_9, %convert_element_type3A_6, %dot_general3A {dimension_numbers = #tpu.dot_dimension_numbers<[1], [0], [0], [1], [0, 0, 1, 1], [], []>, transpose_lhs_hint = false} : vector<256x64xf32>, vector<64x2xf32>, vector<256x2xf32> -> vector<256x2xf32>
    %broadcast_in_dim3A = arith.constant 0.000000e+00 : f32
    %broadcast_in_dim3A_11 = vector.broadcast %broadcast_in_dim3A : f32 to vector<256x768xf32>
    %get3A_12 = arith.constant 0 : index
    %get3A_13 = arith.constant 0 : index
    %get3A_14 = arith.constant 0 : index
    %get3A_15 = vector.load %arg3[%get3A_12, %get3A_13, %get3A_14] : memref<2x768x768xf32, #tpu.memory_space<vmem>>, vector<1x768x768xf32>
    %get3A_16 = vector.shape_cast %get3A_15 : vector<1x768x768xf32> to vector<768x768xf32>
    %convert_element_type3A_17 = arith.truncf %get3A_16 : vector<768x768xf32> to vector<768x768xbf16>
    %get3A_18 = arith.constant 0 : index
    %get3A_19 = arith.constant 0 : index
    %get3A_20 = arith.constant 0 : index
    %get3A_21 = vector.load %arg4[%get3A_18, %get3A_19, %get3A_20] : memref<2x768x768xf32, #tpu.memory_space<vmem>>, vector<1x768x768xf32>
    %get3A_22 = vector.shape_cast %get3A_21 : vector<1x768x768xf32> to vector<768x768xf32>
    %convert_element_type3A_23 = arith.truncf %get3A_22 : vector<768x768xf32> to vector<768x768xbf16>
    %dot_general3A_24 = arith.constant dense<0.000000e+00> : vector<256x768xf32>
    %dot_general3A_25 = tpu.matmul %get3A_1, %convert_element_type3A_17, %dot_general3A_24 {dimension_numbers = #tpu.dot_dimension_numbers<[1], [0], [0], [1], [0, 0, 1, 1], [], []>, transpose_lhs_hint = false} : vector<256x768xbf16>, vector<768x768xbf16>, vector<256x768xf32> -> vector<256x768xf32>
    %dot_general3A_26 = arith.constant dense<0.000000e+00> : vector<256x768xf32>
    %dot_general3A_27 = tpu.matmul %get3A_1, %convert_element_type3A_23, %dot_general3A_26 {dimension_numbers = #tpu.dot_dimension_numbers<[1], [0], [0], [1], [0, 0, 1, 1], [], []>, transpose_lhs_hint = false} : vector<256x768xbf16>, vector<768x768xbf16>, vector<256x768xf32> -> vector<256x768xf32>
    %logistic3A = arith.negf %dot_general3A_25 : vector<256x768xf32>
    %logistic3A_28 = math.exp %logistic3A : vector<256x768xf32>
    %logistic3A_29 = arith.constant 1.000000e+00 : f32
    %logistic3A_30 = vector.broadcast %logistic3A_29 : f32 to vector<256x768xf32>
    %logistic3A_31 = arith.addf %logistic3A_30, %logistic3A_28 : vector<256x768xf32>
    %logistic3A_32 = arith.divf %logistic3A_30, %logistic3A_31 : vector<256x768xf32>
    %mul3A_33 = arith.mulf %dot_general3A_25, %logistic3A_32 : vector<256x768xf32>
    %mul3A_34 = arith.mulf %mul3A_33, %dot_general3A_27 : vector<256x768xf32>
    %get3A_35 = arith.constant 0 : index
    %get3A_36 = arith.constant 0 : index
    %get3A_37 = arith.constant 0 : index
    %get3A_38 = vector.load %arg5[%get3A_35, %get3A_36, %get3A_37] : memref<2x768x768xf32, #tpu.memory_space<vmem>>, vector<1x768x768xf32>
    %get3A_39 = vector.shape_cast %get3A_38 : vector<1x768x768xf32> to vector<768x768xf32>
    %convert_element_type3A_40 = arith.truncf %get3A_39 : vector<768x768xf32> to vector<768x768xbf16>
    %convert_element_type3A_41 = arith.truncf %mul3A_34 : vector<256x768xf32> to vector<256x768xbf16>
    %dot_general3A_42 = arith.constant dense<0.000000e+00> : vector<256x768xf32>
    %dot_general3A_43 = tpu.matmul %convert_element_type3A_41, %convert_element_type3A_40, %dot_general3A_42 {dimension_numbers = #tpu.dot_dimension_numbers<[1], [0], [0], [1], [0, 0, 1, 1], [], []>, transpose_lhs_hint = false} : vector<256x768xbf16>, vector<768x768xbf16>, vector<256x768xf32> -> vector<256x768xf32>
    %slice3A = vector.extract_strided_slice %dot_general3A_10 {offsets = [0, 0], sizes = [256, 1], strides = [1, 1]} : vector<256x2xf32> to vector<256x1xf32>
    %mul3A_44 = vector.broadcast %slice3A : vector<256x1xf32> to vector<256x768xf32>
    %mul3A_45 = arith.mulf %mul3A_44, %dot_general3A_43 : vector<256x768xf32>
    %add3A_46 = arith.addf %broadcast_in_dim3A_11, %mul3A_45 : vector<256x768xf32>
    %get3A_47 = arith.constant 1 : index
    %get3A_48 = arith.constant 0 : index
    %get3A_49 = arith.constant 0 : index
    %get3A_50 = vector.load %arg3[%get3A_47, %get3A_48, %get3A_49] : memref<2x768x768xf32, #tpu.memory_space<vmem>>, vector<1x768x768xf32>
    %get3A_51 = vector.shape_cast %get3A_50 : vector<1x768x768xf32> to vector<768x768xf32>
    %convert_element_type3A_52 = arith.truncf %get3A_51 : vector<768x768xf32> to vector<768x768xbf16>
    %get3A_53 = arith.constant 1 : index
    %get3A_54 = arith.constant 0 : index
    %get3A_55 = arith.constant 0 : index
    %get3A_56 = vector.load %arg4[%get3A_53, %get3A_54, %get3A_55] : memref<2x768x768xf32, #tpu.memory_space<vmem>>, vector<1x768x768xf32>
    %get3A_57 = vector.shape_cast %get3A_56 : vector<1x768x768xf32> to vector<768x768xf32>
    %convert_element_type3A_58 = arith.truncf %get3A_57 : vector<768x768xf32> to vector<768x768xbf16>
    %dot_general3A_59 = arith.constant dense<0.000000e+00> : vector<256x768xf32>
    %dot_general3A_60 = tpu.matmul %get3A_1, %convert_element_type3A_52, %dot_general3A_59 {dimension_numbers = #tpu.dot_dimension_numbers<[1], [0], [0], [1], [0, 0, 1, 1], [], []>, transpose_lhs_hint = false} : vector<256x768xbf16>, vector<768x768xbf16>, vector<256x768xf32> -> vector<256x768xf32>
    %dot_general3A_61 = arith.constant dense<0.000000e+00> : vector<256x768xf32>
    %dot_general3A_62 = tpu.matmul %get3A_1, %convert_element_type3A_58, %dot_general3A_61 {dimension_numbers = #tpu.dot_dimension_numbers<[1], [0], [0], [1], [0, 0, 1, 1], [], []>, transpose_lhs_hint = false} : vector<256x768xbf16>, vector<768x768xbf16>, vector<256x768xf32> -> vector<256x768xf32>
    %logistic3A_63 = arith.negf %dot_general3A_60 : vector<256x768xf32>
    %logistic3A_64 = math.exp %logistic3A_63 : vector<256x768xf32>
    %logistic3A_65 = arith.constant 1.000000e+00 : f32
    %logistic3A_66 = vector.broadcast %logistic3A_65 : f32 to vector<256x768xf32>
    %logistic3A_67 = arith.addf %logistic3A_66, %logistic3A_64 : vector<256x768xf32>
    %logistic3A_68 = arith.divf %logistic3A_66, %logistic3A_67 : vector<256x768xf32>
    %mul3A_69 = arith.mulf %dot_general3A_60, %logistic3A_68 : vector<256x768xf32>
    %mul3A_70 = arith.mulf %mul3A_69, %dot_general3A_62 : vector<256x768xf32>
    %get3A_71 = arith.constant 1 : index
    %get3A_72 = arith.constant 0 : index
    %get3A_73 = arith.constant 0 : index
    %get3A_74 = vector.load %arg5[%get3A_71, %get3A_72, %get3A_73] : memref<2x768x768xf32, #tpu.memory_space<vmem>>, vector<1x768x768xf32>
    %get3A_75 = vector.shape_cast %get3A_74 : vector<1x768x768xf32> to vector<768x768xf32>
    %convert_element_type3A_76 = arith.truncf %get3A_75 : vector<768x768xf32> to vector<768x768xbf16>
    %convert_element_type3A_77 = arith.truncf %mul3A_70 : vector<256x768xf32> to vector<256x768xbf16>
    %dot_general3A_78 = arith.constant dense<0.000000e+00> : vector<256x768xf32>
    %dot_general3A_79 = tpu.matmul %convert_element_type3A_77, %convert_element_type3A_76, %dot_general3A_78 {dimension_numbers = #tpu.dot_dimension_numbers<[1], [0], [0], [1], [0, 0, 1, 1], [], []>, transpose_lhs_hint = false} : vector<256x768xbf16>, vector<768x768xbf16>, vector<256x768xf32> -> vector<256x768xf32>
    %slice3A_80 = vector.extract_strided_slice %dot_general3A_10 {offsets = [0, 1], sizes = [256, 1], strides = [1, 1]} : vector<256x2xf32> to vector<256x1xf32>
    %mul3A_81 = vector.broadcast %slice3A_80 : vector<256x1xf32> to vector<256x768xf32>
    %mul3A_82 = arith.mulf %mul3A_81, %dot_general3A_79 : vector<256x768xf32>
    %add3A_83 = arith.addf %add3A_46, %mul3A_82 : vector<256x768xf32>
    %eq3A_84 = arith.constant 0 : i32
    %eq3A_85 = arith.cmpi eq, %arg0, %eq3A_84 : i32
    %convert_element_type3A_86 = arith.extui %eq3A_85 : i1 to i32
    %cond3A = arith.constant 0 : i32
    %cond3A_87 = arith.cmpi ne, %convert_element_type3A_86, %cond3A : i32
    scf.if %cond3A_87 {
      %swap3A = arith.constant 0 : index
      %swap3A_92 = arith.constant 0 : index
      %swap3A_93 = vector.load %arg6[%swap3A, %swap3A_92] : memref<256x768xf32, #tpu.memory_space<vmem>>, vector<256x768xf32>
      tpu.vector_store %arg6[%swap3A, %swap3A_92], %add3A_83 {strides = array<i32>} : memref<256x768xf32, #tpu.memory_space<vmem>>, vector<256x768xf32>,
    } else {
    }
    %ne3A = arith.constant 0 : i32
    %ne3A_88 = arith.cmpi ne, %arg0, %ne3A : i32
    %convert_element_type3A_89 = arith.extui %ne3A_88 : i1 to i32
    %cond3A_90 = arith.constant 0 : i32
    %cond3A_91 = arith.cmpi ne, %convert_element_type3A_89, %cond3A_90 : i32
    scf.if %cond3A_91 {
      %get3A_92 = arith.constant 0 : index
      %get3A_93 = arith.constant 0 : index
      %get3A_94 = vector.load %arg6[%get3A_92, %get3A_93] : memref<256x768xf32, #tpu.memory_space<vmem>>, vector<256x768xf32>
      %add3A_95 = arith.addf %get3A_94, %add3A_83 : vector<256x768xf32>
      %swap3A = arith.constant 0 : index
      %swap3A_96 = arith.constant 0 : index
      %swap3A_97 = vector.load %arg6[%swap3A, %swap3A_96] : memref<256x768xf32, #tpu.memory_space<vmem>>, vector<256x768xf32>
      tpu.vector_store %arg6[%swap3A, %swap3A_96], %add3A_95 {strides = array<i32>} : memref<256x768xf32, #tpu.memory_space<vmem>>, vector<256x768xf32>,
    } else {
    }
    return
  }
  func.func @transform_0(%arg0: i32) -> (i32, i32) {
    %c0_i32 = arith.constant 0 : i32
    %c0_i32_0 = arith.constant 0 : i32
    %c0_i32_1 = arith.constant 0 : i32
    return %c0_i32, %c0_i32_0 : i32, i32
  }
  func.func @transform_1(%arg0: i32) -> (i32, i32) {
    %c0_i32 = arith.constant 0 : i32
    %c0_i32_0 = arith.constant 0 : i32
    %c0_i32_1 = arith.constant 0 : i32
    return %c0_i32, %c0_i32_0 : i32, i32
  }
  func.func @transform_2(%arg0: i32) -> (i32, i32, i32) {
    %c0_i32 = arith.constant 0 : i32
    %c0_i32_0 = arith.constant 0 : i32
    %c0_i32_1 = arith.constant 0 : i32
    return %arg0, %c0_i32, %c0_i32_0 : i32, i32, i32
  }
  func.func @transform_3(%arg0: i32) -> (i32, i32, i32) {
    %c0_i32 = arith.constant 0 : i32
    %c0_i32_0 = arith.constant 0 : i32
    %c0_i32_1 = arith.constant 0 : i32
    return %arg0, %c0_i32, %c0_i32_0 : i32, i32, i32
  }
  func.func @transform_4(%arg0: i32) -> (i32, i32, i32) {
    %c0_i32 = arith.constant 0 : i32
    %c0_i32_0 = arith.constant 0 : i32
    %c0_i32_1 = arith.constant 0 : i32
    return %arg0, %c0_i32, %c0_i32_0 : i32, i32, i32
  }
  func.func @transform_5(%arg0: i32) -> (i32, i32) {
    %c0_i32 = arith.constant 0 : i32
    %c0_i32_0 = arith.constant 0 : i32
    %c0_i32_1 = arith.constant 0 : i32
    return %c0_i32, %c0_i32_0 : i32, i32
  }
}

</mosaic_0001>

<sc_bundles>
// kernel: kernel.5.cloned.1.call-start
scs
__scs_entry_jumppad:
0x0: {  	(pc) =	sbr.rel $0x88, $3  }
0x1: {  	(tag) =	ssettag $0x0;
	lr =	simm.s32 $0x1  }
0x2: {  	[smem:$0x3F9C] =	sst lr;
	_ =	strace $0xD0000000  }
0x3: {  	_ = 	snop  }
0x4: {  	_ = 	snop  }
0x5: {  	_ = 	snop  }
0x6: {  	_ = 	snop  }
0x7: {  	_ = 	snop  }
__scs_overlays_trampoline_lowered:
0x8: {  	[smem:$0x3FAB] =	sst s0  }
0x9: {  	[smem:$0x3FAC] =	sst s1  }
0xa: {  	[smem:$0x3FAD] =	sst s2  }
0xb: {  	[smem:$0x3FAE] =	sst s3  }
0xc: {  	[smem:$0x3FAF] =	sst s4  }
0xd: {  	[smem:$0x3FB0] =	sst s5  }
0xe: {  	[smem:$0x3FB1] =	sst s6  }
0xf: {  	[smem:$0x3FB2] =	sst s7  }
0x10: {  	[smem:$0x3FB3] =	sst s8  }
0x11: {  	[smem:$0x3FB4] =	sst s9;
	s0 =	simm.s32 @!p0 $0x0  }
0x12: {  	s1 =	sld [smem:$0x3F9A];
	s0 =	simm.s32 @p0 $0x1  }
0x13: {  	[smem:$0x3FB5] =	sst s0;
	s0 =	simm.s32 @!p1 $0x0  }
0x14: {  	s2 =	sld [smem:$0x3F99];
	s0 =	simm.s32 @p1 $0x1  }
0x15: {  	[smem:$0x3FB6] =	sst s0;
	s0 =	simm.s32 @!p2 $0x0  }
0x16: {  	s3 =	sld [smem:$0x3FDB];
	s0 =	simm.s32 @p2 $0x1  }
0x17: {  	s4 =	simm.s32 $0x1BF5;
	[smem:$0x3FB8] =	sst s0  }
0x18: {  	s0 =	sld [smem:$0x3F9B];
	_ =	swait.ge [sflag:s4], $0x0  }
0x19: {  	s7 =	sld [smem:$0x3F9C]  }
0x1a: {  	s8 =	sadd.s32 $0xFFFFE003, lr  }
0x1b: {  	s9 =	sadd.s32 $0xFFFFFEF7, lr;
	s5 =	simm.s32 $0xFFFFFFFF;
	p2 =	slt.u32 s8, $0xFFFFF086  }
0x1c: {  	p1 =	slt.u32 s9, $0xF7A;
	s5 =	simm.s32 @!p2 $0x0  }
0x1d: {  	s5 =	simm.s32 @p1 $0x1;
	p0 =	seq.s32 s7, s2  }
0x1e: {  	s7 =	smul.u32 @!p0 $0xF7A, s2;
	p2 =	seq.s32 @!p0 s5, $0x0  }
0x1f: {  	s9 =	smul.u32 $0xF7A, s1;
	s8 =	simm.s32 @!p0 $0x1BF5;
	p2 =	por !p2, p0  }
0x20: {  	[sflag:s8] =	ssyncset.s32 @!p0 $0xFFFFF086;
	s6 =	sadd.s32 @!p0 s3, s7;
	s7 =	simm.s32 @!p0 $0x108  }
0x21: {  	s3 =	sadd.s32 s3, s9;
	s6 =	sadd.s32 @!p0 $0x88, s6;
	s7 =	simm.s32 @p2 $0x1082  }
0x22: {  	[simem:s7], [sflag:s8] =	dma.local @!p0 [hbm:s6], $0xF7A  }
0x23: {  	s9 =	sor.u32 $0xD0000000, s2;
	s6 =	simm.s32 $0x108;
	_ =	swait.ge @!p0 [sflag:s8], $0x0  }
0x24: {  	s3 =	sadd.s32 $0x88, s3;
	s6 =	simm.s32 @!p1 $0x1082;
	[sflag:s4] =	ssyncset.s32 $0xFFFFF086  }
0x25: {  	[simem:s6], [sflag:s4] =	dma.local [hbm:s3], $0xF7A  }
0x26: {  	[smem:$0x3F9C] =	sst s1;
	(tag) =	ssettag s2;
	_ =	strace s9  }
0x27: {  	s1 =	sld [smem:$0x3FAC]  }
0x28: {  	s2 =	sld [smem:$0x3FAD]  }
0x29: {  	s4 =	sld [smem:$0x3FAF]  }
0x2a: {  	p0 =	seq.s32 s5, $0x0;
	s5 =	sld [smem:$0x3FB0]  }
0x2b: {  	s6 =	sld [smem:$0x3FB1]  }
0x2c: {  	s7 =	sld [smem:$0x3FB2]  }
0x2d: {  	s3 =	simm.s32 $0x108;
	s8 =	sld [smem:$0x3FB3]  }
0x2e: {  	s3 =	simm.s32 @!p0 $0x1082;
	s9 =	sld [smem:$0x3FB4]  }
0x2f: {  	lr =	sadd.s32 s0, s3;
	s0 =	sld [smem:$0x3FAB]  }
0x30: {  	s3 =	sld [smem:$0x3FAE]  }
0x31: {  	[smem:$0x3FB7] =	sst s10  }
0x32: {  	s10 =	sld [smem:$0x3FB5];
	_ =	sdelay $0x3  }
0x33: {  	p0 =	seq.s32 s10, $0x1;
	s10 =	sld [smem:$0x3FB7];
	_ =	sdelay $0x3  }
0x34: {  	[smem:$0x3FB7] =	sst s10  }
0x35: {  	s10 =	sld [smem:$0x3FB6];
	_ =	sdelay $0x3  }
0x36: {  	p1 =	seq.s32 s10, $0x1;
	s10 =	sld [smem:$0x3FB7];
	_ =	sdelay $0x3  }
0x37: {  	[smem:$0x3FB7] =	sst s10  }
0x38: {  	s10 =	sld [smem:$0x3FB8]  }
0x39: {  	_ = 	snop;
	(pc) =	sbr.ind lr, $3  }
0x3a: {  	_ = 	snop  }
0x3b: {  	_ = 	snop  }
0x3c: {  	p2 =	seq.s32 s10, $0x1;
	s10 =	sld [smem:$0x3FB7]  }
0x3d: {  	_ =	shalt  }
0x3e: {  	_ =	shalt  }
0x3f: {  	_ =	shalt  }
0x40: {  	_ =	shalt  }
0x41: {  	_ =	shalt  }
0x42: {  	_ =	shalt  }
0x43: {  	_ =	shalt  }
0x44: {  	_ =	shalt  }
0x45: {  	_ =	shalt  }
0x46: {  	_ =	shalt  }
0x47: {  	_ =	shalt  }
0x48: {  	_ =	shalt  }
0x49: {  	_ =	shalt  }
0x4a: {  	_ =	shalt  }
0x4b: {  	_ =	shalt  }
0x4c: {  	_ =	shalt  }
0x4d: {  	_ =	shalt  }
0x4e: {  	_ =	shalt  }
0x4f: {  	_ =	shalt  }
0x50: {  	_ =	shalt  }
0x51: {  	_ =	shalt  }
0x52: {  	_ =	shalt  }
0x53: {  	_ =	shalt  }
0x54: {  	_ =	shalt  }
0x55: {  	_ =	shalt  }
0x56: {  	_ =	shalt  }
0x57: {  	_ =	shalt  }
0x58: {  	_ =	shalt  }
0x59: {  	_ =	shalt  }
0x5a: {  	_ =	shalt  }
0x5b: {  	_ =	shalt  }
0x5c: {  	_ =	shalt  }
0x5d: {  	_ =	shalt  }
0x5e: {  	_ =	shalt  }
0x5f: {  	_ =	shalt  }
0x60: {  	_ =	shalt  }
0x61: {  	_ =	shalt  }
0x62: {  	_ =	shalt  }
0x63: {  	_ =	shalt  }
0x64: {  	_ =	shalt  }
0x65: {  	_ =	shalt  }
0x66: {  	_ =	shalt  }
0x67: {  	_ =	shalt  }
0x68: {  	_ =	shalt  }
0x69: {  	_ =	shalt  }
0x6a: {  	_ =	shalt  }
0x6b: {  	_ =	shalt  }
0x6c: {  	_ =	shalt  }
0x6d: {  	_ =	shalt  }
0x6e: {  	_ =	shalt  }
0x6f: {  	_ =	shalt  }
0x70: {  	_ =	shalt  }
0x71: {  	_ =	shalt  }
0x72: {  	_ =	shalt  }
0x73: {  	_ =	shalt  }
0x74: {  	_ =	shalt  }
0x75: {  	_ =	shalt  }
0x76: {  	_ =	shalt  }
0x77: {  	_ =	shalt  }
0x78: {  	_ =	shalt  }
0x79: {  	_ =	shalt  }
0x7a: {  	_ =	shalt  }
0x7b: {  	_ =	shalt  }
0x7c: {  	_ =	shalt  }
0x7d: {  	_ =	shalt  }
0x7e: {  	_ =	shalt  }
0x7f: {  	_ =	shalt  }
0x80: {  	_ =	shalt  }
0x81: {  	_ =	shalt  }
0x82: {  	_ =	shalt  }
0x83: {  	_ =	shalt  }
0x84: {  	_ =	shalt  }
0x85: {  	_ =	shalt  }
0x86: {  	_ =	shalt  }
0x87: {  	_ =	shalt  }
.Lfunc_end0:
.L_simem_size_0:
called_computation_lowered:
.L_overlay_start_0:
0x88: {  	s2 =	sld [smem:$0x3FD9]  }
0x89: {  	s3 =	sld [smem:$0x3FFE];
	_ =	sdelay $0x1  }
0x8a: {  	s1 =	srdreg.scid  }
0x8b: {  	s0 =	sand.u32 $0x1, s1  }
0x8c: {  	s17 =	sshll.u32 s0, $0xA;
	s2 =	sadd.s32 s3, s2  }
0x8d: {  	s2 =	sadd.s32 s2, s17  }
0x8e: {  	[smem:$0x3FC3] =	sst s2  }
0x8f: {  	_ = 	snop  }
0x90: {  	s2 =	sld [smem:$0x3FD0];
	(tm) =	ssettm $0x1  }
0x91: {  	s18 =	sld [smem:$0x3FFB];
	_ =	sdelay $0x3  }
0x92: {  	_ =	strace s18  }
0x93: {  	s3 =	sld [smem:$0x3FFC];
	_ =	sdelay $0x3  }
0x94: {  	_ =	strace s3  }
0x95: {  	s3 =	sld [smem:$0x3FFD];
	_ =	sdelay $0x3  }
0x96: {  	_ =	strace s3  }
0x97: {  	_ =	strace $0x8FFFFFFF  }
0x98: {  	s19 =	sld [smem:$0x3FDB];
	_ =	sdelay $0x1  }
0x99: {  	s4 =	simm.s32 $_scs_section_size  }
0x9a: {  	s5 =	simm.s32 $_size__tile_overlayer_lowered;
	s6 =	simm.s32 $_tile_overlayer_lowered  }
0x9b: {  	s22 =	simm.s32 $0x1BFF;
	s21 =	sshll.u32 s6, $0x1;
	s3 =	sadd.s32 s4, s19  }
0x9c: {  	s7 =	simm.s32 $0x0;
	s20 =	sshll.u32 s5, $0x1;
	s5 =	sadd.s32 s21, s3  }
0x9d: {  	[timem:s7], [sflag:s22] =	dma.local [hbm:s5], s20  }
0x9e: {  	_ =	swait.ge [sflag:s22], s20  }
0x9f: {  	s4 =	ssub.s32 $0x0, s20;
	[sflag:s22] =	ssyncset.done $0x0  }
0xa0: {  	[sflag:s22] =	ssyncadd.s32 s4;
	_ =	sdelay $0x1  }
0xa1: {  	s23 =	simm.s32 $0x1B8B  }
0xa2: {  	_ =	swait.ge [sflag:s23], $0x1  }
0xa3: {  	[sflag:s23] =	ssyncset.done $0x0  }
0xa4: {  	s25 =	simm.s32 $0x1B8E;
	s24 =	sld [smem:$0x3FFE];
	[sflag:s23] =	ssyncadd.s32 $0xFFFFFFFF  }
0xa5: {  	s26 =	simm.s32 $execute0_lowered;
	[smem:$0x3FD2] =	sst s25  }
0xa6: {  	s5 =	sshll.u32 s26, $0x1;
	_ =	strace $0x80000046;
	[dreg:$0x1] =	wrdreg $0xFFFFFFFF  }
0xa7: {  	s28 =	simm.s32 $_size_execute0_lowered;
	s3 =	sadd.s32 s3, s5;
	[dreg:$0x0] =	wrdreg $0x0  }
0xa8: {  	s5 =	sshll.u32 s28, $0x1;
	[dreg:$0x2] =	wrdreg s3  }
0xa9: {  	[dreg:$0x3] =	wrdreg s5  }
0xaa: {  	[dreg:$0x4] =	wrdreg $0xC0  }
0xab: {  	_ =	task [dreg:s7], $0x5FFFF  }
0xac: {  	[dreg:$0x1] =	wrdreg $0xFFFFFFFF  }
0xad: {  	[dreg:$0x0] =	wrdreg $0x60  }
0xae: {  	[dreg:$0x2] =	wrdreg s24  }
0xaf: {  	[dreg:$0x3] =	wrdreg s2  }
0xb0: {  	[dreg:$0x4] =	wrdreg $0x9  }
0xb1: {  	_ =	task.clear_ibuf [dreg:s7], $0x5FFFF;
	_ =	strace $0x90000046  }
0xb2: {  	s29 =	simm.s32 $0x9;
	_ =	strace $0x80000048  }
0xb3: {  	_ =	swait.ge [sflag:s29], $0x1  }
0xb4: {  	[sflag:s29] =	ssyncadd.s32 $0xFFFFFFFF  }
0xb5: {  	_ =	strace $0x90000048  }
0xb6: {  	_ =	sfence  }
0xb7: {  	s30 =	sld [smem:$0x0];
	_ =	sdelay $0x2  }
0xb8: {  	s31 =	sshll.u32 s1, $0xD;
	s1 =	sshrl.u32 s1, $0x2  }
0xb9: {  	s3 =	sand.u32 $0x4000, s31;
	s1 =	sadd.s32 s1, s30  }
0xba: {  	s0 =	sor.u32 s3, s0;
	s1 =	sshll.u32 s1, $0x11  }
0xbb: {  	s0 =	sor.u32 s1, s0  }
0xbc: {  	s0 =	sadd.s32 $0x8F2B, s0  }
0xbd: {  	[sflag:s0] =	ssyncadd.remote.s32 $0x1  }
0xbe: {  	_ =	sfence.sel $0xFFFF  }
0xbf: {  	[dreg:$0x0] =	wrdreg $0xFFFFFFFF;
	(pc) =	sbr.abs _section_cstart, $3  }
0xc0: {  	[dreg:$0x1] =	wrdreg $0xFFFFFFFF  }
0xc1: {  	_ =	task.clear_ibuf [dreg:s7], $0x2FFFF;
	_ =	strace $0x9FFFFFFF  }
0xc2: {  	(tm) =	ssettm $0x7FFFFFFF  }
0xc3: {  	_ =	shalt  }
tec
execute0_lowered:
.L_overlay_start_1:
0x0: {  	(tag) =	ssettag $0x1  }
0x1: {  	s1 =	stileid.u32  }
0x2: {  	p0 =	sgt.u32 s1, $0x7  }
.Ltmp0:
0x3: {  	_ = 	snop;
	(pc) =	sbr.rel @p0 .LBB2_3-.Ltmp0, $4  }
0x4: {  	_ = 	snop  }
0x5: {  	s3 =	rddreg [dreg:$0x0];
	s2 =	simm.s32 $0x0  }
0x6: {  	[smem:$0x7FF] =	sst s2  }
0x7: {  	s0 =	rddreg [dreg:$0x1];
	_ =	strace $0x80000047  }
0x8: {  	s4 =	srdreg.scid;
	s1 =	stileid.u32  }
0x9: {  	s23 =	sand.u32 $0x1, s4;
	s13 =	sshll.u32 s1, $0x1  }
0xa: {  	s26 =	sor.u32 s23, s13  }
0xb: {  	s4 =	sshll.u32 s26, $0x4;
	s5 =	sshll.u32 s26, $0x7  }
0xc: {  	s3 =	sadd.s32 $0x800, s3;
	s4 =	sor.u32 s4, s5  }
0xd: {  	[dreg:$0x3] =	wrdreg s3;
	s3 =	sand.u32 $0x470, s4;
	s4 =	sor.u32 $0x380, s4  }
0xe: {  	[dreg:$0x4] =	wrdreg s4;
	s14 =	sor.u32 $0x800, s3  }
0xf: {  	s15 =	sor.u32 $0x880, s3;
	[dreg:$0x5] =	wrdreg s14  }
0x10: {  	s16 =	sor.u32 $0x900, s3;
	[dreg:$0x6] =	wrdreg s15  }
0x11: {  	s17 =	sor.u32 $0x980, s3;
	[dreg:$0x7] =	wrdreg s16  }
0x12: {  	s18 =	sor.u32 $0xA00, s3;
	[dreg:$0x8] =	wrdreg s17  }
0x13: {  	s19 =	sor.u32 $0xA80, s3;
	[dreg:$0x9] =	wrdreg s18  }
0x14: {  	s20 =	sor.u32 $0xB00, s3;
	[dreg:$0xa] =	wrdreg s19  }
0x15: {  	s21 =	sor.u32 $0xB80, s3;
	[dreg:$0xb] =	wrdreg s20  }
0x16: {  	s22 =	sor.u32 $0x1000, s3;
	[dreg:$0xc] =	wrdreg s21  }
0x17: {  	s24 =	sor.u32 $0x1080, s3;
	[dreg:$0xd] =	wrdreg s22  }
0x18: {  	s25 =	sor.u32 $0x1100, s3;
	[dreg:$0xe] =	wrdreg s24  }
0x19: {  	s1 =	sor.u32 $0x1180, s3;
	[dreg:$0xf] =	wrdreg s25  }
0x1a: {  	s5 =	sor.u32 $0x1200, s3;
	[dreg:$0x10] =	wrdreg s1  }
0x1b: {  	s6 =	sor.u32 $0x1280, s3;
	[dreg:$0x11] =	wrdreg s5  }
0x1c: {  	s7 =	sor.u32 $0x1300, s3;
	[dreg:$0x12] =	wrdreg s6  }
0x1d: {  	s8 =	sor.u32 $0x1380, s3;
	[dreg:$0x13] =	wrdreg s7  }
0x1e: {  	s9 =	sor.u32 $0x1800, s3;
	[dreg:$0x14] =	wrdreg s8  }
0x1f: {  	s31 =	simm.s32 $0x1;
	s10 =	sor.u32 $0x1880, s3;
	[dreg:$0x15] =	wrdreg s9  }
0x20: {  	s26 =	sshll.u32 s26, $0x8;
	s11 =	sor.u32 $0x1900, s3;
	[dreg:$0x16] =	wrdreg s10  }
0x21: {  	s26 =	sadd.s32 s0, s26;
	s12 =	sor.u32 $0x1980, s3;
	[dreg:$0x17] =	wrdreg s11  }
0x22: {  	s0 =	simm.s32 $0x4000;
	s13 =	sor.u32 $0x1A00, s3;
	[dreg:$0x18] =	wrdreg s12  }
0x23: {  	s4 =	sor.u32 $0x2800, s3;
	[dreg:$0x19] =	wrdreg s13;
	s14 =	sor.u32 $0x1A80, s3  }
0x24: {  	s30 =	sor.u32 $0x3B80, s3;
	s15 =	sor.u32 $0x1B00, s3;
	[dreg:$0x1a] =	wrdreg s14  }
0x25: {  	s16 =	sor.u32 $0x1B80, s3;
	s17 =	sor.u32 $0x2000, s3;
	[dreg:$0x1b] =	wrdreg s15  }
0x26: {  	s18 =	sor.u32 $0x2080, s3;
	s19 =	sor.u32 $0x2100, s3;
	[dreg:$0x1c] =	wrdreg s16  }
0x27: {  	s20 =	sor.u32 $0x2180, s3;
	s21 =	sor.u32 $0x2200, s3;
	[dreg:$0x1d] =	wrdreg s17  }
0x28: {  	s22 =	sor.u32 $0x2280, s3;
	s24 =	sor.u32 $0x2300, s3;
	[dreg:$0x1e] =	wrdreg s18  }
0x29: {  	s25 =	sor.u32 $0x2380, s3;
	s5 =	sor.u32 $0x2880, s3;
	[dreg:$0x1f] =	wrdreg s19  }
0x2a: {  	s6 =	sor.u32 $0x2900, s3;
	s7 =	sor.u32 $0x2980, s3;
	[smem:$0x7F9] =	sst s20  }
0x2b: {  	s8 =	sor.u32 $0x2A00, s3;
	s9 =	sor.u32 $0x2A80, s3;
	[smem:$0x7FA] =	sst s21  }
0x2c: {  	s10 =	sor.u32 $0x2B00, s3;
	s11 =	sor.u32 $0x2B80, s3;
	[smem:$0x7FB] =	sst s22  }
0x2d: {  	v0 =	vimm.s32 $0x0;
	v1 =	vimm.s32 $0x2;
	s12 =	sor.u32 $0x3000, s3;
	s13 =	sor.u32 $0x3080, s3;
	[smem:$0x7FC] =	sst s24  }
0x2e: {  	v2 =	vimm.s32 $0x3;
	v3 =	vimm.s32 $0x4;
	v4 =	vimm.s32 $0x5;
	[smem:$0x7FD] =	sst s25;
	s14 =	sor.u32 $0x3100, s3;
	s15 =	sor.u32 $0x3180, s3  }
0x2f: {  	v5 =	vimm.s32 $0x6;
	v6 =	vimm.s32 $0x7;
	v7 =	vimm.s32 $0x8;
	s16 =	sor.u32 $0x3200, s3;
	s17 =	sor.u32 $0x3280, s3;
	s18 =	sor.u32 $0x3300, s3  }
0x30: {  	v8 =	vimm.s32 $0x9;
	v9 =	vimm.s32 $0xA;
	v10 =	vimm.s32 $0xB;
	s19 =	sor.u32 $0x3380, s3;
	s20 =	sor.u32 $0x3800, s3;
	s25 =	ssub.s32 $0x2, s23  }
0x31: {  	v11 =	vimm.s32 $0xC;
	v12 =	vimm.s32 $0xD;
	v13 =	vlaneseq.u32;
	s21 =	sor.u32 $0x3880, s3;
	s22 =	sor.u32 $0x3900, s3;
	s28 =	sshrl.u32 s25, $0x1  }
0x32: {  	v14 =	vimm.s32 $0xE;
	v15 =	vimm.s32 $0xF;
	v19 =	vimm.s32 $0x1;
	s23 =	sor.u32 $0x3980, s3;
	s24 =	sor.u32 $0x3A00, s3;
	s29 =	ssub.s32 s25, s28  }
0x33: {  	v16 =	vor.u32 $0x10, v13;
	v17 =	vor.u32 $0x20, v13;
	v18 =	vor.u32 $0x30, v13;
	s25 =	sor.u32 $0x3A80, s3;
	s28 =	sor.u32 $0x3B00, s3;
	s29 =	smax.u32 s29, $0x1  }
.LBB2_2:
0x34: {  	s1 =	rddreg [dreg:$0x3]  }
0x35: {  	[tilespmem:s2], [sflag:$0x1] =	stream.linear.gather [hbm4b:s1+s2], $0x4000, $0x38;
	[tilespmem:$0x4800] =	vst v63  }
0x36: {  	_ =	swait.ge [sflag:s31], $0x4000  }
0x37: {  	[sflag:s31] =	ssyncset.done $0x0  }
0x38: {  	[sflag:s31] =	ssyncadd.s32 $0xFFFFC000  }
0x39: {  	v20 =	vld [tilespmem:s3+$0x0];
	_ =	sdelay $0x1  }
0x3a: {  	v21 =	vld [tilespmem:s3+$0x80];
	_ =	sdelay $0x2  }
0x3b: {  	v22 =	vld [tilespmem:s3+$0x100];
	vm0 =	vgt.f32 v20, $-3.000000010e+38  }
0x3c: {  	v20 =	vnsel vm0, $0xFF61B1E6, v20  }
0x3d: {  	v23 =	vimm.s32 $0x0;
	vm15 =	vgt.f32 v21, $-3.000000010e+38;
	vm0 =	vgt.f32 v21, v20  }
0x3e: {  	v24 =	vld [tilespmem:s3+$0x180];
	v60 =	vnsel vm15, $0xFF61B1E6, v21;
	v23 =	vsel vm0, $0xFFFFFFFF, v23;
	vm1 =	vmneg vm0  }
0x3f: {  	[tilespmem:$0x1FBA0] =	vst v23;
	v23 =	vsel vm1, v60, v20  }
0x40: {  	v61 =	vimm.s32 $0x0;
	v20 =	vsel vm1, v20, v21;
	vm6 =	vgt.f32 v22, v23  }
0x41: {  	v63 =	vld [tilespmem:s3+$0x200];
	vm12 =	vgt.f32 v22, v20;
	v21 =	vsel vm6, $0xFFFFFFFF, v61;
	v62 =	vsel vm6, v22, v23  }
0x42: {  	[tilespmem:$0x1FBB0] =	vst v21;
	v21 =	vsel vm12, v20, v62  }
0x43: {  	v20 =	vsel vm12, v22, v20;
	vm7 =	vgt.f32 v24, v21  }
0x44: {  	v29 =	vld [tilespmem:s3+$0x280];
	vm13 =	vgt.f32 v24, v20;
	v21 =	vsel vm7, v24, v21  }
0x45: {  	v21 =	vsel vm13, v20, v21  }
0x46: {  	v20 =	vsel vm13, v24, v20;
	vm8 =	vgt.f32 v63, v21  }
0x47: {  	v31 =	vld [tilespmem:s3+$0x300];
	vm14 =	vgt.f32 v63, v20;
	v21 =	vsel vm8, v63, v21  }
0x48: {  	v28 =	vimm.s32 $0x0;
	v21 =	vsel vm14, v20, v21  }
0x49: {  	v30 =	vimm.s32 $0x0;
	s1 =	rddreg [dreg:$0x4];
	v20 =	vsel vm14, v63, v20;
	vm9 =	vgt.f32 v29, v21  }
0x4a: {  	v32 =	vimm.s32 $0x0;
	v33 =	vld [tilespmem:s1+$0x0];
	vm5 =	vgt.f32 v29, v20;
	v21 =	vsel vm9, v29, v21  }
0x4b: {  	v34 =	vimm.s32 $0x0;
	v36 =	vimm.s32 $0x0;
	v21 =	vsel vm5, v20, v21  }
0x4c: {  	v38 =	vimm.s32 $0x0;
	s1 =	rddreg [dreg:$0x5];
	v20 =	vsel vm5, v29, v20;
	vm10 =	vgt.f32 v31, v21  }
0x4d: {  	v40 =	vimm.s32 $0x0;
	v35 =	vld [tilespmem:s1+$0x0];
	vm6 =	vgt.f32 v31, v20;
	v21 =	vsel vm10, v31, v21  }
0x4e: {  	v42 =	vimm.s32 $0x0;
	v44 =	vimm.s32 $0x0;
	v21 =	vsel vm6, v20, v21  }
0x4f: {  	v46 =	vimm.s32 $0x0;
	s1 =	rddreg [dreg:$0x6];
	v20 =	vsel vm6, v31, v20;
	vm11 =	vgt.f32 v33, v21  }
0x50: {  	v37 =	vld [tilespmem:s1+$0x0];
	v22 =	vsel vm7, $0xFFFFFFFF, v28;
	vm7 =	vgt.f32 v33, v20;
	v21 =	vsel vm11, v33, v21  }
0x51: {  	v48 =	vimm.s32 $0x0;
	v24 =	vsel vm8, $0xFFFFFFFF, v30;
	v21 =	vsel vm7, v20, v21  }
0x52: {  	s1 =	rddreg [dreg:$0x7];
	v23 =	vsel vm9, $0xFFFFFFFF, v32;
	v20 =	vsel vm7, v33, v20;
	vm8 =	vgt.f32 v35, v21  }
0x53: {  	v39 =	vld [tilespmem:s1+$0x0];
	[tilespmem:$0x1FBE0] =	vst v23;
	v23 =	vsel vm8, $0xFFFFFFFF, v38;
	v21 =	vsel vm8, v35, v21;
	vm8 =	vgt.f32 v35, v20  }
0x54: {  	v50 =	vimm.s32 $0x0;
	v52 =	vimm.s32 $0x0;
	v21 =	vsel vm8, v20, v21  }
0x55: {  	v25 =	vimm.s32 $0x0;
	s1 =	rddreg [dreg:$0x8];
	v20 =	vsel vm8, v35, v20;
	vm9 =	vgt.f32 v37, v21  }
0x56: {  	v55 =	vimm.s32 $0x0;
	v41 =	vld [tilespmem:s1+$0x0];
	vm4 =	vgt.f32 v37, v20;
	v21 =	vsel vm9, v37, v21  }
0x57: {  	v58 =	vimm.s32 $0x0;
	v27 =	vimm.s32 $0x0;
	v26 =	vld [tilespmem:$0x1FBA0];
	v21 =	vsel vm4, v20, v21  }
0x58: {  	s1 =	rddreg [dreg:$0x9];
	[tilespmem:$0x1FBC0] =	vst v22;
	v22 =	vsel vm10, $0xFFFFFFFF, v34;
	v20 =	vsel vm4, v37, v20;
	vm10 =	vgt.f32 v39, v21  }
0x59: {  	v43 =	vld [tilespmem:s1+$0x0];
	vm1 =	vmand vm15, vm1;
	vm3 =	vgt.f32 v39, v20;
	v21 =	vsel vm10, v39, v21  }
0x5a: {  	v54 =	vsel vm1, $0x1, v0;
	v61 =	vimm.s32 $0x0;
	v21 =	vsel vm3, v20, v21  }
0x5b: {  	s1 =	rddreg [dreg:$0xa];
	v56 =	vld [tilespmem:$0x1FBB0];
	[tilespmem:$0x1FBD0] =	vst v24;
	v24 =	vsel vm11, $0xFFFFFFFF, v36;
	v20 =	vsel vm3, v39, v20;
	vm11 =	vgt.f32 v41, v21  }
0x5c: {  	v45 =	vld [tilespmem:s1+$0x0];
	vm15 =	vnez.u8 v26;
	vm2 =	vgt.f32 v41, v20;
	v21 =	vsel vm11, v41, v21  }
0x5d: {  	v28 =	vimm.s32 $0x0;
	v26 =	vsel vm15, $0x1, v0;
	v21 =	vsel vm2, v20, v21  }
0x5e: {  	s1 =	rddreg [dreg:$0xb];
	[tilespmem:$0x1FBF0] =	vst v22;
	v22 =	vsel vm9, $0xFFFFFFFF, v40;
	v20 =	vsel vm2, v41, v20;
	vm9 =	vgt.f32 v43, v21  }
0x5f: {  	v47 =	vld [tilespmem:s1+$0x0];
	[tilespmem:$0x1FC20] =	vst v22;
	v22 =	vsel vm9, $0xFFFFFFFF, v46;
	v21 =	vsel vm9, v43, v21;
	vm9 =	vgt.f32 v43, v20  }
0x60: {  	vm15 =	vnez.u8 v56;
	v34 =	vimm.s32 $0x0;
	v21 =	vsel vm9, v20, v21  }
0x61: {  	s1 =	rddreg [dreg:$0xc];
	[tilespmem:$0x1FC00] =	vst v24;
	v24 =	vsel vm10, $0xFFFFFFFF, v42;
	v20 =	vsel vm9, v43, v20;
	vm10 =	vgt.f32 v45, v21  }
0x62: {  	v49 =	vld [tilespmem:s1+$0x0];
	[tilespmem:$0x1FC30] =	vst v24;
	v24 =	vsel vm10, $0xFFFFFFFF, v48;
	v21 =	vsel vm10, v45, v21;
	vm10 =	vgt.f32 v45, v20  }
0x63: {  	v31 =	vimm.s32 $0x0;
	v38 =	vimm.s32 $0x0;
	v21 =	vsel vm10, v20, v21  }
0x64: {  	s1 =	rddreg [dreg:$0xd];
	[tilespmem:$0x1FC10] =	vst v23;
	v23 =	vsel vm11, $0xFFFFFFFF, v44;
	v20 =	vsel vm10, v45, v20;
	vm11 =	vgt.f32 v47, v21  }
0x65: {  	v51 =	vld [tilespmem:s1+$0x0];
	[tilespmem:$0x1FC40] =	vst v23;
	v23 =	vsel vm11, $0xFFFFFFFF, v50;
	v21 =	vsel vm11, v47, v21;
	vm11 =	vgt.f32 v47, v20  }
0x66: {  	v37 =	vimm.s32 $0x0;
	v42 =	vimm.s32 $0x0;
	v21 =	vsel vm11, v20, v21  }
0x67: {  	s1 =	rddreg [dreg:$0xe];
	v41 =	vimm.s32 $0x0;
	v20 =	vsel vm11, v47, v20;
	vm0 =	vgt.f32 v49, v21  }
0x68: {  	v53 =	vld [tilespmem:s1+$0x0];
	[tilespmem:$0x1FC50] =	vst v22;
	v22 =	vsel vm0, $0xFFFFFFFF, v52;
	v21 =	vsel vm0, v49, v21;
	vm0 =	vgt.f32 v49, v20  }
0x69: {  	v59 =	vld [tilespmem:$0x1FBC0];
	v48 =	vimm.s32 $0x0;
	v45 =	vimm.s32 $0x0;
	v21 =	vsel vm0, v20, v21  }
0x6a: {  	v25 =	vsel vm0, $0xFFFFFFFF, v25;
	v20 =	vsel vm0, v49, v20;
	vm0 =	vgt.f32 v51, v21  }
0x6b: {  	v62 =	vld [tilespmem:$0x1FBD0];
	[tilespmem:$0x1FC60] =	vst v24;
	vm1 =	vgt.f32 v51, v20;
	v24 =	vsel vm0, $0xFFFFFFFF, v55;
	v21 =	vsel vm0, v51, v21  }
0x6c: {  	s1 =	rddreg [dreg:$0xf];
	v32 =	vld [tilespmem:$0x1FBF0];
	[tilespmem:$0x1FCA0] =	vst v24;
	v24 =	vsel vm15, $0x2, v54;
	v21 =	vsel vm1, v20, v21;
	v20 =	vsel vm1, v51, v20  }
0x6d: {  	v57 =	vld [tilespmem:s1+$0x0];
	v51 =	vimm.s32 $0x0;
	v54 =	vimm.s32 $0x0;
	v24 =	vsel vm12, v26, v24  }
0x6e: {  	v26 =	vsel vm12, $0x2, v26;
	vm0 =	vgt.f32 v53, v21;
	vm12 =	vnez.u8 v59  }
0x6f: {  	[tilespmem:$0x1FC70] =	vst v23;
	vm15 =	vgt.f32 v53, v20;
	v23 =	vsel vm0, $0xFFFFFFFF, v58;
	v21 =	vsel vm0, v53, v21  }
0x70: {  	s1 =	rddreg [dreg:$0x10];
	v29 =	vld [tilespmem:$0x1FBE0];
	v27 =	vsel vm15, $0xFFFFFFFF, v27;
	[tilespmem:$0x1FCB0] =	vst v23;
	v23 =	vsel vm12, $0x3, v24;
	v21 =	vsel vm15, v20, v21  }
0x71: {  	v60 =	vld [tilespmem:s1+$0x0];
	v20 =	vsel vm15, v53, v20;
	vm12 =	vnez.u8 v62;
	vm15 =	vnez.u8 v32  }
0x72: {  	v23 =	vsel vm13, v26, v23;
	v26 =	vsel vm13, $0x3, v26;
	vm0 =	vgt.f32 v57, v21  }
0x73: {  	[tilespmem:$0x1FC80] =	vst v22;
	vm13 =	vgt.f32 v57, v20;
	v22 =	vsel vm0, $0xFFFFFFFF, v61;
	v21 =	vsel vm0, v57, v21  }
0x74: {  	s1 =	rddreg [dreg:$0x11];
	[tilespmem:$0x1FCD0] =	vst v22;
	v22 =	vsel vm12, $0x4, v23;
	v21 =	vsel vm13, v20, v21;
	v20 =	vsel vm13, v57, v20  }
0x75: {  	v63 =	vld [tilespmem:s1+$0x0];
	vm12 =	vnez.u8 v29;
	v57 =	vimm.s32 $0x0;
	v22 =	vsel vm14, v26, v22  }
0x76: {  	v35 =	vld [tilespmem:$0x1FC00];
	v26 =	vsel vm14, $0x4, v26;
	vm0 =	vgt.f32 v60, v21;
	vm14 =	vgt.f32 v60, v20  }
0x77: {  	s1 =	rddreg [dreg:$0x12];
	[tilespmem:$0x1FC90] =	vst v25;
	v25 =	vsel vm0, $0xFFFFFFFF, v28;
	v22 =	vsel vm12, $0x5, v22;
	v21 =	vsel vm0, v60, v21  }
0x78: {  	v30 =	vld [tilespmem:s1+$0x0];
	v28 =	vimm.s32 $0x0;
	v22 =	vsel vm5, v26, v22;
	v21 =	vsel vm14, v20, v21  }
0x79: {  	v39 =	vld [tilespmem:$0x1FC10];
	v26 =	vsel vm5, $0x5, v26;
	v20 =	vsel vm14, v60, v20;
	v60 =	vimm.s32 $0x0  }
0x7a: {  	vm12 =	vgt.f32 v63, v21;
	v22 =	vsel vm15, $0x6, v22;
	vm5 =	vgt.f32 v63, v20  }
0x7b: {  	vm15 =	vnez.u8 v35;
	v35 =	vimm.s32 $0x0;
	v24 =	vsel vm12, $0xFFFFFFFF, v31  }
0x7c: {  	s1 =	rddreg [dreg:$0x13];
	v43 =	vld [tilespmem:$0x1FC20];
	v21 =	vsel vm12, v63, v21;
	v22 =	vsel vm6, v26, v22;
	v26 =	vsel vm6, $0x6, v26  }
0x7d: {  	v33 =	vld [tilespmem:s1+$0x0];
	v31 =	vimm.s32 $0x0;
	v21 =	vsel vm5, v20, v21;
	v20 =	vsel vm5, v63, v20  }
0x7e: {  	v55 =	vld [tilespmem:$0x1FC60];
	v22 =	vsel vm15, $0x7, v22;
	vm15 =	vnez.u8 v39;
	vm12 =	vgt.f32 v30, v21  }
0x7f: {  	v46 =	vld [tilespmem:$0x1FC30];
	vm6 =	vgt.f32 v30, v20;
	v22 =	vsel vm7, v26, v22;
	v26 =	vsel vm7, $0x7, v26  }
0x80: {  	[tilespmem:$0x1FCC0] =	vst v27;
	v23 =	vsel vm12, $0xFFFFFFFF, v34;
	v21 =	vsel vm12, v30, v21;
	v27 =	vsel vm6, $0xFFFFFFFF, v37  }
0x81: {  	s1 =	rddreg [dreg:$0x14];
	v22 =	vsel vm15, $0x8, v22;
	vm15 =	vnez.u8 v43;
	v21 =	vsel vm6, v20, v21  }
0x82: {  	v36 =	vld [tilespmem:s1+$0x0];
	v20 =	vsel vm6, v30, v20;
	v22 =	vsel vm8, v26, v22;
	v26 =	vsel vm8, $0x8, v26  }
0x83: {  	v49 =	vld [tilespmem:$0x1FC40];
	vm6 =	vnez.u8 v55;
	v55 =	vimm.s32 $0x0;
	vm12 =	vgt.f32 v33, v21  }
0x84: {  	[tilespmem:$0x1FCE0] =	vst v25;
	vm7 =	vgt.f32 v33, v20;
	v22 =	vsel vm15, $0x9, v22;
	vm15 =	vnez.u8 v46  }
0x85: {  	s1 =	rddreg [dreg:$0x15];
	[tilespmem:$0x1FD10] =	vst v27;
	v25 =	vsel vm12, $0xFFFFFFFF, v38;
	v21 =	vsel vm12, v33, v21;
	v27 =	vsel vm7, $0xFFFFFFFF, v41  }
0x86: {  	v40 =	vld [tilespmem:s1+$0x0];
	v22 =	vsel vm4, v26, v22;
	v26 =	vsel vm4, $0x9, v26;
	v38 =	vimm.s32 $0x0  }
0x87: {  	v41 =	vimm.s32 $0x0;
	v21 =	vsel vm7, v20, v21;
	v20 =	vsel vm7, v33, v20  }
0x88: {  	s1 =	rddreg [dreg:$0x16];
	v22 =	vsel vm15, $0xA, v22;
	vm15 =	vnez.u8 v49;
	vm12 =	vgt.f32 v36, v21  }
0x89: {  	v44 =	vld [tilespmem:s1+$0x0];
	[tilespmem:$0x1FCF0] =	vst v24;
	v24 =	vsel vm12, $0xFFFFFFFF, v42;
	v21 =	vsel vm12, v36, v21;
	vm12 =	vgt.f32 v36, v20  }
0x8a: {  	v52 =	vld [tilespmem:$0x1FC50];
	v22 =	vsel vm3, v26, v22;
	v26 =	vsel vm3, $0xA, v26;
	v21 =	vsel vm12, v20, v21  }
0x8b: {  	v22 =	vsel vm15, $0xB, v22;
	v20 =	vsel vm12, v36, v20;
	vm8 =	vgt.f32 v40, v21  }
0x8c: {  	s1 =	rddreg [dreg:$0x17];
	v22 =	vsel vm2, v26, v22;
	vm0 =	vgt.f32 v40, v20;
	v21 =	vsel vm8, v40, v21  }
0x8d: {  	v47 =	vld [tilespmem:s1+$0x0];
	v26 =	vsel vm2, $0xB, v26;
	v21 =	vsel vm0, v20, v21;
	v20 =	vsel vm0, v40, v20  }
0x8e: {  	v58 =	vld [tilespmem:$0x1FC70];
	[tilespmem:$0x1FD00] =	vst v23;
	v23 =	vsel vm8, $0xFFFFFFFF, v45;
	vm8 =	vgt.f32 v44, v21;
	vm4 =	vgt.f32 v44, v20  }
0x8f: {  	[tilespmem:$0x1FD20] =	vst v25;
	v25 =	vsel vm8, $0xFFFFFFFF, v48;
	v21 =	vsel vm8, v44, v21;
	vm8 =	vnez.u8 v52  }
0x90: {  	s1 =	rddreg [dreg:$0x18];
	v48 =	vimm.s32 $0x0;
	v52 =	vimm.s32 $0x0;
	v21 =	vsel vm4, v20, v21  }
0x91: {  	v50 =	vld [tilespmem:s1+$0x0];
	v20 =	vsel vm4, v44, v20;
	v22 =	vsel vm8, $0xC, v22;
	v44 =	vimm.s32 $0x0  }
0x92: {  	vm7 =	vgt.f32 v47, v21;
	v22 =	vsel vm9, v26, v22;
	v26 =	vsel vm9, $0xC, v26  }
0x93: {  	s1 =	rddreg [dreg:$0x19];
	v61 =	vld [tilespmem:$0x1FC80];
	[tilespmem:$0x1FD40] =	vst v24;
	vm9 =	vnez.u8 v58;
	v58 =	vimm.s32 $0x0;
	v24 =	vsel vm7, $0xFFFFFFFF, v51  }
0x94: {  	v53 =	vld [tilespmem:s1+$0x0];
	v21 =	vsel vm7, v47, v21;
	vm7 =	vgt.f32 v47, v20;
	v22 =	vsel vm6, $0xD, v22  }
0x95: {  	v29 =	vld [tilespmem:$0x1FCA0];
	v21 =	vsel vm7, v20, v21;
	v20 =	vsel vm7, v47, v20;
	v22 =	vsel vm10, v26, v22  }
0x96: {  	v26 =	vsel vm10, $0xD, v26;
	vm15 =	vgt.f32 v50, v21;
	vm6 =	vgt.f32 v50, v20  }
0x97: {  	s1 =	rddreg [dreg:$0x1a];
	v63 =	vld [tilespmem:$0x1FC90];
	[tilespmem:$0x1FD50] =	vst v23;
	v22 =	vsel vm9, $0xE, v22;
	v23 =	vsel vm15, $0xFFFFFFFF, v54;
	v21 =	vsel vm15, v50, v21  }
0x98: {  	v56 =	vld [tilespmem:s1+$0x0];
	v22 =	vsel vm11, v26, v22;
	v26 =	vsel vm11, $0xE, v26;
	vm11 =	vnez.u8 v61  }
0x99: {  	v32 =	vld [tilespmem:$0x1FCB0];
	v61 =	vimm.s32 $0x0;
	v21 =	vsel vm6, v20, v21;
	v20 =	vsel vm6, v50, v20  }
0x9a: {  	s1 =	rddreg [dreg:$0x1b];
	v22 =	vsel vm11, $0xF, v22;
	vm11 =	vnez.u8 v29;
	vm8 =	vgt.f32 v53, v21  }
0x9b: {  	v59 =	vld [tilespmem:s1+$0x0];
	[tilespmem:$0x1FD60] =	vst v25;
	vm15 =	vgt.f32 v53, v20;
	v25 =	vsel vm8, $0xFFFFFFFF, v57;
	v21 =	vsel vm8, v53, v21  }
0x9c: {  	v47 =	vld [tilespmem:$0x1FD10];
	vm8 =	vnez.u8 v63;
	v21 =	vsel vm15, v20, v21;
	v20 =	vsel vm15, v53, v20  }
0x9d: {  	v22 =	vsel vm8, v26, v22;
	v26 =	vsel vm8, $0xF, v26;
	vm10 =	vgt.f32 v56, v21  }
0x9e: {  	s1 =	rddreg [dreg:$0x1c];
	vm9 =	vgt.f32 v56, v20;
	v22 =	vsel vm11, $0x10, v22;
	vm11 =	vnez.u8 v32  }
0x9f: {  	v62 =	vld [tilespmem:s1+$0x0];
	[tilespmem:$0x1FD70] =	vst v24;
	v32 =	vimm.s32 $0x0;
	v24 =	vsel vm10, $0xFFFFFFFF, v60;
	v21 =	vsel vm10, v56, v21  }
0xa0: {  	v34 =	vld [tilespmem:$0x1FCC0];
	v22 =	vsel vm1, v26, v22;
	v26 =	vsel vm1, $0x10, v26;
	v21 =	vsel vm9, v20, v21  }
0xa1: {  	vm1 =	vnez.u8 v47;
	v20 =	vsel vm9, v56, v20;
	vm10 =	vgt.f32 v59, v21  }
0xa2: {  	s1 =	rddreg [dreg:$0x1d];
	v36 =	vld [tilespmem:$0x1FCD0];
	[tilespmem:$0x1FD80] =	vst v23;
	v23 =	vsel vm10, $0xFFFFFFFF, v28;
	v21 =	vsel vm10, v59, v21;
	vm10 =	vgt.f32 v59, v20  }
0xa3: {  	v30 =	vld [tilespmem:s1+$0x0];
	v22 =	vsel vm11, $0x11, v22;
	v21 =	vsel vm10, v20, v21;
	v20 =	vsel vm10, v59, v20  }
0xa4: {  	v28 =	vimm.s32 $0x0;
	vm8 =	vgt.f32 v62, v21;
	vm11 =	vgt.f32 v62, v20  }
0xa5: {  	v39 =	vld [tilespmem:$0x1FCE0];
	[tilespmem:$0x1FD90] =	vst v25;
	v25 =	vsel vm8, $0xFFFFFFFF, v31;
	v21 =	vsel vm8, v62, v21;
	vm8 =	vnez.u8 v34  }
0xa6: {  	s1 =	rddreg [dreg:$0x1e];
	v31 =	vimm.s32 $0x0;
	v22 =	vsel vm8, v26, v22;
	v21 =	vsel vm11, v20, v21  }
0xa7: {  	v33 =	vld [tilespmem:s1+$0x0];
	v26 =	vsel vm8, $0x11, v26;
	v20 =	vsel vm11, v62, v20;
	vm8 =	vnez.u8 v36  }
0xa8: {  	v36 =	vimm.s32 $0x0;
	vm2 =	vgt.f32 v30, v21;
	v22 =	vsel vm8, $0x12, v22  }
0xa9: {  	v42 =	vld [tilespmem:$0x1FCF0];
	[tilespmem:$0x1FDA0] =	vst v24;
	vm8 =	vgt.f32 v30, v20;
	v24 =	vsel vm2, $0xFFFFFFFF, v35;
	v21 =	vsel vm2, v30, v21  }
0xaa: {  	s1 =	rddreg [dreg:$0x1f];
	v22 =	vsel vm13, v26, v22;
	v26 =	vsel vm13, $0x12, v26;
	vm13 =	vnez.u8 v39  }
0xab: {  	v37 =	vld [tilespmem:s1+$0x0];
	v35 =	vimm.s32 $0x0;
	v39 =	vimm.s32 $0x0;
	v21 =	vsel vm8, v20, v21  }
0xac: {  	s1 =	sld [smem:$0x7F9];
	v45 =	vld [tilespmem:$0x1FD00];
	v20 =	vsel vm8, v30, v20;
	v22 =	vsel vm13, $0x13, v22;
	vm2 =	vgt.f32 v33, v21  }
0xad: {  	vm13 =	vgt.f32 v33, v20;
	v22 =	vsel vm14, v26, v22;
	v26 =	vsel vm14, $0x13, v26  }
0xae: {  	vm14 =	vnez.u8 v42;
	v42 =	vimm.s32 $0x0;
	v21 =	vsel vm2, v33, v21  }
0xaf: {  	v40 =	vld [tilespmem:s1+$0x0];
	s1 =	sld [smem:$0x7FA];
	[tilespmem:$0x1FDB0] =	vst v23;
	v23 =	vsel vm2, $0xFFFFFFFF, v38;
	v22 =	vsel vm14, $0x14, v22;
	v21 =	vsel vm13, v20, v21  }
0xb0: {  	v49 =	vld [tilespmem:$0x1FD20];
	v20 =	vsel vm13, v33, v20;
	v22 =	vsel vm5, v26, v22;
	v26 =	vsel vm5, $0x14, v26  }
0xb1: {  	vm5 =	vnez.u8 v45;
	v45 =	vimm.s32 $0x0;
	vm2 =	vgt.f32 v37, v21  }
0xb2: {  	[tilespmem:$0x1FD30] =	vst v27;
	v43 =	vld [tilespmem:s1+$0x0];
	vm14 =	vgt.f32 v37, v20;
	v22 =	vsel vm5, $0x15, v22;
	v21 =	vsel vm2, v37, v21  }
0xb3: {  	s1 =	sld [smem:$0x7FB];
	v51 =	vld [tilespmem:$0x1FD30];
	[tilespmem:$0x1FDC0] =	vst v25;
	v25 =	vsel vm2, $0xFFFFFFFF, v41;
	v22 =	vsel vm1, v26, v22;
	v21 =	vsel vm14, v20, v21  }
0xb4: {  	v26 =	vsel vm1, $0x15, v26;
	v20 =	vsel vm14, v37, v20;
	vm2 =	vgt.f32 v40, v21  }
0xb5: {  	v53 =	vld [tilespmem:$0x1FD40];
	vm1 =	vnez.u8 v49;
	vm5 =	vgt.f32 v40, v20;
	v21 =	vsel vm2, v40, v21  }
0xb6: {  	v46 =	vld [tilespmem:s1+$0x0];
	v22 =	vsel vm1, $0x16, v22;
	v21 =	vsel vm5, v20, v21;
	v20 =	vsel vm5, v40, v20  }
0xb7: {  	s1 =	sld [smem:$0x7FC];
	[tilespmem:$0x1FDD0] =	vst v24;
	v24 =	vsel vm2, $0xFFFFFFFF, v44;
	vm2 =	vgt.f32 v43, v21;
	vm1 =	vgt.f32 v43, v20  }
0xb8: {  	v56 =	vld [tilespmem:$0x1FD50];
	[tilespmem:$0x1FDE0] =	vst v23;
	v23 =	vsel vm2, $0xFFFFFFFF, v48;
	v21 =	vsel vm2, v43, v21;
	vm2 =	vnez.u8 v51  }
0xb9: {  	v49 =	vimm.s32 $0x0;
	v22 =	vsel vm2, v26, v22;
	v21 =	vsel vm1, v20, v21  }
0xba: {  	v50 =	vld [tilespmem:s1+$0x0];
	v26 =	vsel vm2, $0x16, v26;
	v20 =	vsel vm1, v43, v20;
	vm2 =	vnez.u8 v53  }
0xbb: {  	v53 =	vimm.s32 $0x0;
	vm3 =	vgt.f32 v46, v21;
	v22 =	vsel vm2, $0x17, v22  }
0xbc: {  	v59 =	vld [tilespmem:$0x1FD60];
	[tilespmem:$0x1FDF0] =	vst v25;
	vm2 =	vgt.f32 v46, v20;
	v25 =	vsel vm3, $0xFFFFFFFF, v52;
	v21 =	vsel vm3, v46, v21  }
0xbd: {  	s1 =	sld [smem:$0x7FD];
	v22 =	vsel vm12, v26, v22;
	v26 =	vsel vm12, $0x17, v26;
	vm3 =	vnez.u8 v56  }
0xbe: {  	v56 =	vimm.s32 $0x0;
	v21 =	vsel vm2, v20, v21;
	v20 =	vsel vm2, v46, v20  }
0xbf: {  	v62 =	vld [tilespmem:$0x1FD70];
	v22 =	vsel vm3, $0x18, v22;
	v46 =	vimm.s32 $0x0;
	vm12 =	vgt.f32 v50, v21  }
0xc0: {  	v54 =	vld [tilespmem:s1+$0x0];
	vm3 =	vgt.f32 v50, v20;
	v22 =	vsel vm0, v26, v22;
	v26 =	vsel vm0, $0x18, v26  }
0xc1: {  	v29 =	vld [tilespmem:$0x1FD80];
	vm0 =	vnez.u8 v59;
	v59 =	vimm.s32 $0x0;
	v21 =	vsel vm12, v50, v21  }
0xc2: {  	[tilespmem:$0x1FE00] =	vst v24;
	v24 =	vsel vm12, $0xFFFFFFFF, v55;
	v22 =	vsel vm0, $0x19, v22;
	v21 =	vsel vm3, v20, v21  }
0xc3: {  	v57 =	vld [tilespmem:s4+$0x0];
	v20 =	vsel vm3, v50, v20;
	v22 =	vsel vm4, v26, v22;
	v26 =	vsel vm4, $0x19, v26  }
0xc4: {  	vm4 =	vnez.u8 v62;
	v50 =	vimm.s32 $0x0;
	v62 =	vimm.s32 $0x0  }
0xc5: {  	vm12 =	vgt.f32 v54, v21;
	vm0 =	vgt.f32 v54, v20;
	v22 =	vsel vm4, $0x1A, v22  }
0xc6: {  	v60 =	vld [tilespmem:s5+$0x0];
	[tilespmem:$0x1FE10] =	vst v23;
	vm4 =	vnez.u8 v29;
	v23 =	vsel vm12, $0xFFFFFFFF, v58;
	v21 =	vsel vm12, v54, v21  }
0xc7: {  	v22 =	vsel vm7, v26, v22;
	v26 =	vsel vm7, $0x1A, v26;
	v21 =	vsel vm0, v20, v21  }
0xc8: {  	v63 =	vld [tilespmem:s6+$0x0];
	v20 =	vsel vm0, v54, v20;
	v22 =	vsel vm4, $0x1B, v22;
	vm12 =	vgt.f32 v57, v21  }
0xc9: {  	v33 =	vld [tilespmem:$0x1FD90];
	[tilespmem:$0x1FE20] =	vst v25;
	v25 =	vsel vm12, $0xFFFFFFFF, v61;
	v21 =	vsel vm12, v57, v21;
	vm12 =	vgt.f32 v57, v20  }
0xca: {  	v29 =	vimm.s32 $0x0;
	v22 =	vsel vm6, v26, v22;
	v21 =	vsel vm12, v20, v21  }
0xcb: {  	v20 =	vsel vm12, v57, v20;
	vm7 =	vmmov vm12;
	vm12 =	vgt.f32 v60, v21  }
0xcc: {  	v37 =	vld [tilespmem:$0x1FDA0];
	[tilespmem:$0x1FE30] =	vst v24;
	v24 =	vsel vm12, $0xFFFFFFFF, v28;
	v21 =	vsel vm12, v60, v21;
	vm12 =	vgt.f32 v60, v20  }
0xcd: {  	v30 =	vld [tilespmem:s7+$0x0];
	v26 =	vsel vm6, $0x1B, v26;
	v27 =	vsel vm12, $0xFFFFFFFF, v31;
	v21 =	vsel vm12, v20, v21  }
0xce: {  	v40 =	vld [tilespmem:$0x1FDB0];
	v20 =	vsel vm12, v60, v20;
	vm12 =	vnez.u8 v33;
	vm6 =	vgt.f32 v63, v21  }
0xcf: {  	[tilespmem:$0x1FE40] =	vst v23;
	v22 =	vsel vm12, $0x1C, v22;
	vm12 =	vgt.f32 v63, v20;
	v23 =	vsel vm6, $0xFFFFFFFF, v32  }
0xd0: {  	[tilespmem:$0x1FE70] =	vst v27;
	v21 =	vsel vm6, v63, v21;
	v27 =	vsel vm12, $0xFFFFFFFF, v35;
	v22 =	vsel vm15, v26, v22  }
0xd1: {  	v43 =	vld [tilespmem:$0x1FDC0];
	v26 =	vsel vm15, $0x1C, v26;
	vm15 =	vnez.u8 v37;
	v32 =	vimm.s32 $0x0  }
0xd2: {  	v34 =	vld [tilespmem:s8+$0x0];
	v35 =	vimm.s32 $0x0;
	v21 =	vsel vm12, v20, v21;
	v20 =	vsel vm12, v63, v20  }
0xd3: {  	v22 =	vsel vm15, $0x1D, v22;
	vm15 =	vnez.u8 v40;
	vm12 =	vgt.f32 v30, v21  }
0xd4: {  	v47 =	vld [tilespmem:$0x1FDD0];
	vm4 =	vgt.f32 v30, v20;
	v22 =	vsel vm9, v26, v22;
	v26 =	vsel vm9, $0x1D, v26  }
0xd5: {  	v38 =	vld [tilespmem:s9+$0x0];
	[tilespmem:$0x1FE50] =	vst v25;
	v25 =	vsel vm12, $0xFFFFFFFF, v36;
	v21 =	vsel vm12, v30, v21;
	v22 =	vsel vm15, $0x1E, v22  }
0xd6: {  	v51 =	vld [tilespmem:$0x1FDE0];
	vm15 =	vnez.u8 v43;
	v21 =	vsel vm4, v20, v21;
	v20 =	vsel vm4, v30, v20  }
0xd7: {  	v22 =	vsel vm10, v26, v22;
	v26 =	vsel vm10, $0x1E, v26;
	vm12 =	vgt.f32 v34, v21  }
0xd8: {  	[tilespmem:$0x1FE60] =	vst v24;
	vm9 =	vgt.f32 v34, v20;
	v22 =	vsel vm15, $0x1F, v22;
	v24 =	vsel vm12, $0xFFFFFFFF, v39  }
0xd9: {  	v41 =	vld [tilespmem:s10+$0x0];
	v21 =	vsel vm12, v34, v21;
	v22 =	vsel vm11, v26, v22;
	v26 =	vsel vm11, $0x1F, v26  }
0xda: {  	vm11 =	vnez.u8 v47;
	v21 =	vsel vm9, v20, v21;
	v20 =	vsel vm9, v34, v20  }
0xdb: {  	v22 =	vsel vm11, $0x20, v22;
	vm11 =	vnez.u8 v51;
	vm12 =	vgt.f32 v38, v21  }
0xdc: {  	v44 =	vld [tilespmem:s11+$0x0];
	[tilespmem:$0x1FE80] =	vst v23;
	v23 =	vsel vm12, $0xFFFFFFFF, v42;
	v21 =	vsel vm12, v38, v21;
	vm12 =	vgt.f32 v38, v20  }
0xdd: {  	v22 =	vsel vm8, v26, v22;
	v26 =	vsel vm8, $0x20, v26;
	v21 =	vsel vm12, v20, v21  }
0xde: {  	v54 =	vld [tilespmem:$0x1FDF0];
	v22 =	vsel vm11, $0x21, v22;
	v20 =	vsel vm12, v38, v20;
	vm15 =	vgt.f32 v41, v21  }
0xdf: {  	v48 =	vld [tilespmem:s12+$0x0];
	[tilespmem:$0x1FE90] =	vst v27;
	v27 =	vsel vm12, $0xFFFFFFFF, v45;
	vm12 =	vgt.f32 v41, v20;
	v21 =	vsel vm15, v41, v21  }
0xe0: {  	v63 =	vimm.s32 $0x0;
	v22 =	vsel vm13, v26, v22;
	v21 =	vsel vm12, v20, v21  }
0xe1: {  	v60 =	vld [tilespmem:$0x1FE10];
	[tilespmem:$0x1FEA0] =	vst v25;
	v25 =	vsel vm15, $0xFFFFFFFF, v46;
	v20 =	vsel vm12, v41, v20;
	vm15 =	vgt.f32 v44, v21  }
0xe2: {  	v52 =	vld [tilespmem:s13+$0x0];
	[tilespmem:$0x1FEB0] =	vst v24;
	v24 =	vsel vm15, $0xFFFFFFFF, v50;
	v21 =	vsel vm15, v44, v21;
	vm15 =	vgt.f32 v44, v20  }
0xe3: {  	v55 =	vld [tilespmem:s14+$0x0];
	v26 =	vsel vm13, $0x21, v26;
	vm13 =	vnez.u8 v54;
	v21 =	vsel vm15, v20, v21  }
0xe4: {  	v57 =	vld [tilespmem:$0x1FE00];
	[tilespmem:$0x1FED0] =	vst v27;
	v27 =	vsel vm12, $0xFFFFFFFF, v49;
	v20 =	vsel vm15, v44, v20;
	vm12 =	vgt.f32 v48, v21  }
0xe5: {  	v30 =	vld [tilespmem:$0x1FE30];
	v22 =	vsel vm13, $0x22, v22;
	vm13 =	vgt.f32 v48, v20;
	v21 =	vsel vm12, v48, v21  }
0xe6: {  	vm8 =	vnez.u8 v60;
	v22 =	vsel vm14, v26, v22;
	v21 =	vsel vm13, v20, v21  }
0xe7: {  	v26 =	vsel vm14, $0x22, v26;
	v20 =	vsel vm13, v48, v20;
	vm14 =	vgt.f32 v52, v21  }
0xe8: {  	[tilespmem:$0x1FEE0] =	vst v25;
	v25 =	vsel vm14, $0xFFFFFFFF, v56;
	v21 =	vsel vm14, v52, v21;
	vm14 =	vgt.f32 v52, v20  }
0xe9: {  	v60 =	vimm.s32 $0x0;
	v21 =	vsel vm14, v20, v21;
	v20 =	vsel vm14, v52, v20  }
0xea: {  	v58 =	vld [tilespmem:s15+$0x0];
	vm11 =	vnez.u8 v57;
	vm6 =	vnez.u8 v30;
	vm10 =	vgt.f32 v55, v20  }
0xeb: {  	v33 =	vld [tilespmem:$0x1FE40];
	v42 =	vimm.s32 $0x0;
	[tilespmem:$0x1FEF0] =	vst v27;
	v22 =	vsel vm11, $0x23, v22;
	v27 =	vsel vm10, $0xFFFFFFFF, v62  }
0xec: {  	v38 =	vimm.s32 $0x0;
	v46 =	vimm.s32 $0x0;
	v22 =	vsel vm5, v26, v22;
	[tilespmem:$0x1FF40] =	vst v27;
	v27 =	vld [tilespmem:$0x1FE20]  }
0xed: {  	v49 =	vimm.s32 $0x0;
	v26 =	vsel vm5, $0x23, v26;
	v22 =	vsel vm8, $0x24, v22  }
0xee: {  	[tilespmem:$0x1FEC0] =	vst v23;
	v22 =	vsel vm1, v26, v22;
	v23 =	vsel vm12, $0xFFFFFFFF, v53;
	vm12 =	vgt.f32 v55, v21  }
0xef: {  	v61 =	vld [tilespmem:s16+$0x0];
	v26 =	vsel vm1, $0x24, v26;
	v56 =	vimm.s32 $0x0;
	v21 =	vsel vm12, v55, v21  }
0xf0: {  	v36 =	vld [tilespmem:$0x1FE50];
	[tilespmem:$0x1FF00] =	vst v24;
	v24 =	vsel vm12, $0xFFFFFFFF, v59;
	v21 =	vsel vm10, v20, v21;
	v20 =	vsel vm10, v55, v20  }
0xf1: {  	vm10 =	vnez.u8 v33;
	vm11 =	vgt.f32 v58, v21;
	vm12 =	vnez.u8 v27  }
0xf2: {  	v21 =	vsel vm11, v58, v21;
	v22 =	vsel vm12, $0x25, v22;
	vm12 =	vgt.f32 v58, v20  }
0xf3: {  	v28 =	vld [tilespmem:s17+$0x0];
	[tilespmem:$0x1FF10] =	vst v23;
	v23 =	vsel vm11, $0xFFFFFFFF, v63;
	v22 =	vsel vm2, v26, v22;
	v21 =	vsel vm12, v20, v21  }
0xf4: {  	v26 =	vsel vm2, $0x25, v26;
	v20 =	vsel vm12, v58, v20;
	vm5 =	vgt.f32 v61, v21  }
0xf5: {  	v41 =	vld [tilespmem:$0x1FE70];
	v22 =	vsel vm6, $0x26, v22;
	vm11 =	vgt.f32 v61, v20;
	vm6 =	vnez.u8 v36  }
0xf6: {  	[tilespmem:$0x1FF20] =	vst v25;
	v25 =	vsel vm5, $0xFFFFFFFF, v29;
	v21 =	vsel vm5, v61, v21;
	v22 =	vsel vm3, v26, v22  }
0xf7: {  	v31 =	vld [tilespmem:s18+$0x0];
	v26 =	vsel vm3, $0x26, v26;
	v21 =	vsel vm11, v20, v21;
	v20 =	vsel vm11, v61, v20  }
0xf8: {  	v39 =	vld [tilespmem:$0x1FE60];
	v22 =	vsel vm10, $0x27, v22;
	vm8 =	vgt.f32 v28, v21;
	vm10 =	vgt.f32 v28, v20  }
0xf9: {  	[tilespmem:$0x1FF30] =	vst v24;
	v22 =	vsel vm0, v26, v22;
	v26 =	vsel vm0, $0x27, v26;
	v24 =	vsel vm8, $0xFFFFFFFF, v32  }
0xfa: {  	v34 =	vld [tilespmem:s19+$0x0];
	v21 =	vsel vm8, v28, v21;
	v22 =	vsel vm6, $0x28, v22;
	vm6 =	vnez.u8 v41  }
0xfb: {  	v21 =	vsel vm10, v20, v21;
	v20 =	vsel vm10, v28, v20;
	v22 =	vsel vm7, v26, v22  }
0xfc: {  	v43 =	vld [tilespmem:$0x1FE80];
	v26 =	vsel vm7, $0x28, v26;
	vm5 =	vgt.f32 v31, v21;
	vm8 =	vgt.f32 v31, v20  }
0xfd: {  	v37 =	vld [tilespmem:s20+$0x0];
	[tilespmem:$0x1FF50] =	vst v23;
	v23 =	vsel vm5, $0xFFFFFFFF, v35;
	v21 =	vsel vm5, v31, v21;
	vm5 =	vnez.u8 v39  }
0xfe: {  	v45 =	vld [tilespmem:$0x1FE90];
	v21 =	vsel vm8, v20, v21;
	v20 =	vsel vm8, v31, v20;
	v22 =	vsel vm5, $0x29, v22  }
0xff: {  	vm7 =	vgt.f32 v34, v21;
	v22 =	vsel vm6, v26, v22;
	v26 =	vsel vm6, $0x29, v26  }
0x100: {  	v47 =	vld [tilespmem:$0x1FEA0];
	[tilespmem:$0x1FF60] =	vst v25;
	v25 =	vsel vm7, $0xFFFFFFFF, v38;
	v21 =	vsel vm7, v34, v21;
	vm7 =	vgt.f32 v34, v20  }
0x101: {  	v40 =	vld [tilespmem:s21+$0x0];
	vm6 =	vnez.u8 v43;
	v21 =	vsel vm7, v20, v21;
	v20 =	vsel vm7, v34, v20  }
0x102: {  	v22 =	vsel vm6, $0x2A, v22;
	vm5 =	vgt.f32 v37, v21;
	vm6 =	vgt.f32 v37, v20  }
0x103: {  	v50 =	vld [tilespmem:$0x1FEB0];
	[tilespmem:$0x1FF70] =	vst v24;
	v24 =	vsel vm5, $0xFFFFFFFF, v42;
	v21 =	vsel vm5, v37, v21;
	vm5 =	vnez.u8 v45  }
0x104: {  	v44 =	vld [tilespmem:s22+$0x0];
	v52 =	vimm.s32 $0x0;
	v22 =	vsel vm5, v26, v22;
	v21 =	vsel vm6, v20, v21  }
0x105: {  	v26 =	vsel vm5, $0x2A, v26;
	v20 =	vsel vm6, v37, v20;
	vm5 =	vnez.u8 v47  }
0x106: {  	v53 =	vld [tilespmem:$0x1FEC0];
	vm1 =	vgt.f32 v40, v21;
	v22 =	vsel vm5, $0x2B, v22;
	vm5 =	vgt.f32 v40, v20  }
0x107: {  	v55 =	vld [tilespmem:$0x1FED0];
	[tilespmem:$0x1FF80] =	vst v23;
	v23 =	vsel vm1, $0xFFFFFFFF, v46;
	v21 =	vsel vm1, v40, v21;
	v22 =	vsel vm4, v26, v22  }
0x108: {  	v57 =	vld [tilespmem:$0x1FEE0];
	v26 =	vsel vm4, $0x2B, v26;
	vm4 =	vnez.u8 v50;
	v21 =	vsel vm5, v20, v21  }
0x109: {  	v48 =	vld [tilespmem:s23+$0x0];
	v20 =	vsel vm5, v40, v20;
	v22 =	vsel vm4, $0x2C, v22;
	vm1 =	vgt.f32 v44, v21  }
0x10a: {  	v59 =	vld [tilespmem:$0x1FEF0];
	vm4 =	vgt.f32 v44, v20;
	v22 =	vsel vm9, v26, v22;
	v26 =	vsel vm9, $0x2C, v26  }
0x10b: {  	v51 =	vld [tilespmem:s24+$0x0];
	[tilespmem:$0x1FF90] =	vst v25;
	vm9 =	vnez.u8 v53;
	v25 =	vsel vm1, $0xFFFFFFFF, v49;
	v21 =	vsel vm1, v44, v21  }
0x10c: {  	v61 =	vld [tilespmem:$0x1FF00];
	v22 =	vsel vm9, $0x2D, v22;
	vm9 =	vnez.u8 v55;
	v21 =	vsel vm4, v20, v21  }
0x10d: {  	v63 =	vld [tilespmem:$0x1FF10];
	v20 =	vsel vm4, v44, v20;
	v22 =	vsel vm9, v26, v22;
	v26 =	vsel vm9, $0x2D, v26  }
0x10e: {  	vm9 =	vnez.u8 v57;
	vm1 =	vgt.f32 v48, v21;
	vm3 =	vgt.f32 v48, v20  }
0x10f: {  	[tilespmem:$0x1FFA0] =	vst v24;
	v22 =	vsel vm9, $0x2E, v22;
	vm9 =	vnez.u8 v59;
	v24 =	vsel vm1, $0xFFFFFFFF, v52  }
0x110: {  	v54 =	vld [tilespmem:s25+$0x0];
	v21 =	vsel vm1, v48, v21;
	v22 =	vsel vm9, v26, v22;
	v26 =	vsel vm9, $0x2E, v26  }
0x111: {  	v29 =	vld [tilespmem:$0x1FF20];
	vm9 =	vnez.u8 v61;
	v21 =	vsel vm3, v20, v21;
	v20 =	vsel vm3, v48, v20  }
0x112: {  	v22 =	vsel vm9, $0x2F, v22;
	vm9 =	vnez.u8 v63;
	vm1 =	vgt.f32 v51, v21  }
0x113: {  	v58 =	vld [tilespmem:s28+$0x0];
	vm2 =	vgt.f32 v51, v20;
	v22 =	vsel vm15, v26, v22;
	v26 =	vsel vm15, $0x2F, v26  }
0x114: {  	v31 =	vld [tilespmem:$0x1FF30];
	[tilespmem:$0x1FFB0] =	vst v23;
	v23 =	vsel vm1, $0xFFFFFFFF, v56;
	v21 =	vsel vm1, v51, v21;
	v22 =	vsel vm9, $0x30, v22  }
0x115: {  	v28 =	vsel vm13, $0x30, v26;
	v21 =	vsel vm2, v20, v21;
	v20 =	vsel vm2, v51, v20  }
0x116: {  	v32 =	vld [tilespmem:$0x1FF40];
	v22 =	vsel vm13, v26, v22;
	vm13 =	vnez.u8 v29;
	vm1 =	vgt.f32 v54, v21  }
0x117: {  	v62 =	vld [tilespmem:s30+$0x0];
	[tilespmem:$0x1FFC0] =	vst v25;
	v25 =	vsel vm1, $0xFFFFFFFF, v60;
	v21 =	vsel vm1, v54, v21;
	vm1 =	vgt.f32 v54, v20  }
0x118: {  	v30 =	vsel vm14, $0x31, v28;
	v22 =	vsel vm13, $0x31, v22;
	v21 =	vsel vm1, v20, v21  }
0x119: {  	v34 =	vld [tilespmem:$0x1FF50];
	vm13 =	vnez.u8 v31;
	v20 =	vsel vm1, v54, v20;
	vm15 =	vgt.f32 v58, v21  }
0x11a: {  	v22 =	vsel vm14, v28, v22;
	vm0 =	vgt.f32 v58, v20;
	v21 =	vsel vm15, v58, v21  }
0x11b: {  	v35 =	vld [tilespmem:$0x1FF60];
	v22 =	vsel vm13, $0x32, v22;
	vm13 =	vnez.u8 v32;
	v21 =	vsel vm0, v20, v21  }
0x11c: {  	v22 =	vsel vm13, v30, v22;
	v20 =	vsel vm0, v58, v20;
	vm9 =	vgt.f32 v62, v21  }
0x11d: {  	v36 =	vld [tilespmem:$0x1FF70];
	v33 =	vsel vm13, $0x32, v30;
	vm14 =	vgt.f32 v62, v20;
	v21 =	vsel vm9, v62, v21  }
0x11e: {  	vm13 =	vnez.u8 v34;
	v21 =	vsel vm14, v20, v21;
	v20 =	vsel vm14, v62, v20  }
0x11f: {  	v37 =	vld [tilespmem:$0x1FF80];
	v22 =	vsel vm13, $0x33, v22;
	v20 =	vsub.f32 v21, v20  }
0x120: {  	v22 =	vsel vm12, v33, v22;
	v21 =	vsel vm12, $0x33, v33;
	vm12 =	vnez.u8 v35  }
0x121: {  	v38 =	vld [tilespmem:$0x1FF90];
	v22 =	vsel vm12, $0x34, v22;
	v20 =	vmul.f32 $1.442695020e+00, v20  }
0x122: {  	vm13 =	vnez.u8 v36;
	v22 =	vsel vm11, v21, v22  }
0x123: {  	v39 =	vld [tilespmem:$0x1FFA0];
	(erf) = vpow2.f32 v20;
	v20 =	vsel vm11, $0x34, v21;
	v21 =	vsel vm13, $0x35, v22  }
0x124: {  	vm12 =	vnez.u8 v37;
	v21 =	vsel vm10, v20, v21  }
0x125: {  	v40 =	vld [tilespmem:$0x1FFB0];
	v20 =	vsel vm10, $0x35, v20;
	v21 =	vsel vm12, $0x36, v21  }
0x126: {  	vm13 =	vnez.u8 v38;
	v21 =	vsel vm8, v20, v21  }
0x127: {  	v42 =	vld [tilespmem:$0x1FFC0];
	v20 =	vsel vm8, $0x36, v20;
	v21 =	vsel vm13, $0x37, v21  }
0x128: {  	[tilespmem:$0x1FFD0] =	vst v24;
	vm12 =	vnez.u8 v39;
	v21 =	vsel vm7, v20, v21  }
0x129: {  	v43 =	vld [tilespmem:$0x1FFD0];
	v20 =	vsel vm7, $0x37, v20;
	v21 =	vsel vm12, $0x38, v21  }
0x12a: {  	[tilespmem:$0x1FFE0] =	vst v23;
	vm13 =	vnez.u8 v40;
	v21 =	vsel vm6, v20, v21  }
0x12b: {  	v44 =	vld [tilespmem:$0x1FFE0];
	v20 =	vsel vm6, $0x38, v20;
	v21 =	vsel vm13, $0x39, v21  }
0x12c: {  	[tilespmem:$0x1FFF0] =	vst v25;
	vm10 =	vnez.u8 v42;
	v21 =	vsel vm5, v20, v21  }
0x12d: {  	v45 =	vld [tilespmem:$0x1FFF0];
	v41 =	vpop (erf);
	v20 =	vsel vm5, $0x39, v20;
	v21 =	vsel vm10, $0x3A, v21  }
0x12e: {  	vm11 =	vnez.u8 v43;
	v22 =	vadd.f32 $1.000000000e+00, v41;
	v21 =	vsel vm4, v20, v21  }
0x12f: {  	v20 =	vsel vm4, $0x3A, v20;
	v21 =	vsel vm11, $0x3B, v21  }
0x130: {  	vm12 =	vnez.u8 v44;
	(erf) = vrcp.f32 v22;
	v21 =	vsel vm3, v20, v21  }
0x131: {  	v20 =	vsel vm3, $0x3B, v20;
	v21 =	vsel vm12, $0x3C, v21  }
0x132: {  	vm13 =	vnez.u8 v45;
	v21 =	vsel vm2, v20, v21  }
0x133: {  	v20 =	vsel vm2, $0x3C, v20;
	v21 =	vsel vm13, $0x3D, v21  }
0x134: {  	v21 =	vsel vm1, v20, v21  }
0x135: {  	v20 =	vsel vm1, $0x3D, v20;
	v21 =	vsel vm15, $0x3E, v21  }
0x136: {  	v46 =	vsel vm0, $0x3E, v20;
	v21 =	vsel vm0, v20, v21  }
0x137: {  	v20 =	vsel vm9, $0x3F, v21;
	v21 =	vsel vm14, $0x3F, v46  }
0x138: {  	v48 =	vperm.xlane v21, v0;
	v53 =	vperm.xlane v21, v19  }
0x139: {  	v22 =	vpop (erf);
	v36 =	vperm.xlane v21, v1;
	v60 =	vperm.xlane v21, v2  }
0x13a: {  	v20 =	vsel vm14, v46, v20;
	v63 =	vperm.xlane v21, v3;
	v47 =	vperm.xlane v22, v0  }
0x13b: {  	v49 =	vperm.xlane v20, v0;
	v30 =	vperm.xlane v22, v19  }
0x13c: {  	v52 =	vperm.xlane v20, v19;
	v33 =	vperm.xlane v22, v1  }
0x13d: {  	v35 =	vperm.xlane v20, v1;
	v58 =	vperm.xlane v22, v2  }
0x13e: {  	v38 =	vperm.xlane v20, v2;
	v42 =	vperm.xlane v22, v3  }
0x13f: {  	v62 =	vperm.xlane v20, v3;
	v45 =	vperm.xlane v22, v4  }
0x140: {  	vm15 =	veq.s32 v48, v13;
	vm6 =	veq.s32 v48, v16;
	vm8 =	veq.s32 v48, v17  }
0x141: {  	vm9 =	veq.s32 v48, v18;
	vm12 =	veq.s32 v53, v13;
	vm14 =	veq.s32 v53, v16  }
0x142: {  	v48 =	vperm.xlane v21, v4;
	v50 =	vsub.f32 $1.000000000e+00, v47;
	vm4 =	veq.s32 v49, v13  }
0x143: {  	vm5 =	veq.s32 v49, v16;
	vm7 =	veq.s32 v49, v17;
	vm10 =	veq.s32 v49, v18  }
0x144: {  	v31 =	vsub.f32 $1.000000000e+00, v30;
	vm11 =	veq.s32 v52, v13;
	v37 =	vsub.f32 $1.000000000e+00, v33  }
0x145: {  	vm13 =	veq.s32 v52, v16;
	v61 =	vsub.f32 $1.000000000e+00, v58;
	v43 =	vsub.f32 $1.000000000e+00, v42  }
0x146: {  	v49 =	vsub.f32 $1.000000000e+00, v45;
	v51 =	vnsel vm4, $0x0, v50;
	v28 =	vnsel vm5, $0x0, v50  }
0x147: {  	v29 =	vnsel vm7, $0x0, v50;
	v25 =	vnsel vm10, $0x0, v50;
	v54 =	vnsel vm11, $0x0, v31  }
0x148: {  	v32 =	vnsel vm13, $0x0, v31;
	vm4 =	veq.s32 v53, v17;
	vm5 =	veq.s32 v53, v18  }
0x149: {  	vm7 =	veq.s32 v35, v13;
	vm10 =	veq.s32 v36, v16;
	vm11 =	veq.s32 v35, v17  }
0x14a: {  	vm13 =	veq.s32 v36, v18;
	v50 =	vperm.xlane v20, v5;
	v27 =	vsel vm15, v47, v51  }
0x14b: {  	v28 =	vsel vm6, v47, v28;
	v29 =	vsel vm8, v47, v29;
	v23 =	vsel vm9, v47, v25  }
0x14c: {  	v25 =	vsel vm12, v30, v54;
	v32 =	vsel vm14, v30, v32;
	vm15 =	veq.s32 v52, v17  }
0x14d: {  	vm6 =	veq.s32 v52, v18;
	vm8 =	veq.s32 v36, v13;
	v55 =	vnsel vm7, $0x0, v37  }
0x14e: {  	vm9 =	veq.s32 v35, v16;
	vm12 =	veq.s32 v36, v17;
	v57 =	vnsel vm11, $0x0, v37  }
0x14f: {  	vm14 =	veq.s32 v35, v18;
	vm7 =	veq.s32 v38, v17;
	vm11 =	veq.s32 v62, v13  }
0x150: {  	v47 =	vperm.xlane v20, v4;
	v34 =	vnsel vm15, $0x0, v31;
	v24 =	vnsel vm6, $0x0, v31  }
0x151: {  	v26 =	vsel vm8, v33, v55;
	v56 =	vnsel vm9, $0x0, v37;
	v59 =	vnsel vm14, $0x0, v37  }
0x152: {  	v31 =	vsel vm12, v33, v57;
	vm15 =	veq.s32 v60, v13;
	vm6 =	veq.s32 v60, v16  }
0x153: {  	vm8 =	veq.s32 v60, v17;
	v41 =	vnsel vm7, $0x0, v61;
	vm9 =	veq.s32 v60, v18  }
0x154: {  	vm12 =	veq.s32 v63, v13;
	v52 =	vnsel vm11, $0x0, v43;
	vm14 =	veq.s32 v63, v16  }
0x155: {  	v57 =	vperm.xlane v21, v5;
	v60 =	vperm.xlane v20, v6;
	v34 =	vsel vm4, v30, v34  }
0x156: {  	v24 =	vsel vm5, v30, v24;
	v30 =	vsel vm10, v33, v56;
	v33 =	vsel vm13, v33, v59  }
0x157: {  	vm4 =	veq.s32 v38, v13;
	vm5 =	veq.s32 v38, v16;
	vm10 =	veq.s32 v38, v18  }
0x158: {  	v41 =	vsel vm8, v58, v41;
	vm13 =	veq.s32 v62, v16;
	vm7 =	veq.s32 v47, v13  }
0x159: {  	vm8 =	veq.s32 v48, v13;
	vm11 =	veq.s32 v47, v17;
	v39 =	vnsel vm4, $0x0, v61  }
0x15a: {  	v40 =	vnsel vm5, $0x0, v61;
	v36 =	vnsel vm10, $0x0, v61;
	v44 =	vnsel vm13, $0x0, v43  }
0x15b: {  	vm4 =	veq.s32 v63, v17;
	vm5 =	veq.s32 v63, v18;
	v53 =	vnsel vm7, $0x0, v49  }
0x15c: {  	vm10 =	veq.s32 v48, v16;
	v55 =	vnsel vm11, $0x0, v49;
	vm13 =	veq.s32 v48, v18  }
0x15d: {  	vm7 =	veq.s32 v50, v17;
	vm11 =	veq.s32 v60, v13;
	v39 =	vsel vm15, v58, v39  }
0x15e: {  	v40 =	vsel vm6, v58, v40;
	v35 =	vsel vm9, v58, v36;
	v36 =	vsel vm12, v42, v52  }
0x15f: {  	v44 =	vsel vm14, v42, v44;
	vm15 =	veq.s32 v62, v17;
	vm6 =	veq.s32 v62, v18  }
0x160: {  	v38 =	vsel vm8, v45, v53;
	vm9 =	veq.s32 v47, v16;
	vm12 =	veq.s32 v48, v17  }
0x161: {  	vm14 =	veq.s32 v47, v18;
	v47 =	vperm.xlane v22, v5;
	vm8 =	veq.s32 v57, v17  }
0x162: {  	v53 =	vperm.xlane v22, v6;
	v62 =	vperm.xlane v21, v6;
	v46 =	vnsel vm15, $0x0, v43  }
0x163: {  	v37 =	vnsel vm6, $0x0, v43;
	v54 =	vnsel vm9, $0x0, v49;
	v56 =	vnsel vm14, $0x0, v49  }
0x164: {  	v43 =	vsel vm12, v45, v55;
	vm15 =	veq.s32 v57, v13;
	vm6 =	veq.s32 v57, v16  }
0x165: {  	vm9 =	veq.s32 v57, v18;
	v55 =	vperm.xlane v20, v7;
	v46 =	vsel vm4, v42, v46  }
0x166: {  	v37 =	vsel vm5, v42, v37;
	v42 =	vsel vm10, v45, v54;
	v45 =	vsel vm13, v45, v56  }
0x167: {  	[tilespmem:$0x4000] =	vst v27;
	v58 =	vsub.f32 $1.000000000e+00, v47;
	vm4 =	veq.s32 v50, v13;
	vm5 =	veq.s32 v50, v16  }
0x168: {  	[tilespmem:$0x4010] =	vst v28;
	vm10 =	veq.s32 v50, v18;
	v63 =	vsub.f32 $1.000000000e+00, v53;
	vm12 =	veq.s32 v62, v13  }
0x169: {  	[tilespmem:$0x4020] =	vst v29;
	vm13 =	veq.s32 v60, v16;
	vm14 =	veq.s32 v62, v16;
	v50 =	vperm.xlane v22, v7  }
0x16a: {  	[tilespmem:$0x4030] =	vst v23;
	v56 =	vperm.xlane v21, v7;
	v51 =	vnsel vm4, $0x0, v58;
	v52 =	vnsel vm5, $0x0, v58  }
0x16b: {  	[tilespmem:$0x4080] =	vst v25;
	v59 =	vnsel vm7, $0x0, v58;
	v61 =	vnsel vm10, $0x0, v58;
	v29 =	vnsel vm11, $0x0, v63  }
0x16c: {  	[tilespmem:$0x4090] =	vst v32;
	vm5 =	veq.s32 v60, v17;
	vm7 =	veq.s32 v60, v18;
	v57 =	vsub.f32 $1.000000000e+00, v50  }
0x16d: {  	[tilespmem:$0x4100] =	vst v26;
	vm10 =	veq.s32 v55, v16;
	vm11 =	veq.s32 v56, v16;
	v51 =	vsel vm15, v47, v51  }
0x16e: {  	[tilespmem:$0x4120] =	vst v31;
	v52 =	vsel vm6, v47, v52;
	v23 =	vsel vm8, v47, v59;
	v27 =	vsel vm9, v47, v61  }
0x16f: {  	[tilespmem:$0x40A0] =	vst v34;
	v25 =	vsel vm12, v53, v29;
	v47 =	vnsel vm13, $0x0, v63;
	vm15 =	veq.s32 v62, v17  }
0x170: {  	[tilespmem:$0x40B0] =	vst v24;
	v54 =	vnsel vm5, $0x0, v63;
	vm6 =	veq.s32 v62, v18;
	vm8 =	veq.s32 v55, v13  }
0x171: {  	[tilespmem:$0x4110] =	vst v30;
	v58 =	vnsel vm7, $0x0, v63;
	vm9 =	veq.s32 v56, v13;
	vm12 =	veq.s32 v55, v17  }
0x172: {  	[tilespmem:$0x4130] =	vst v33;
	vm13 =	veq.s32 v56, v17;
	v62 =	vperm.xlane v22, v8;
	v63 =	vperm.xlane v21, v8  }
0x173: {  	[tilespmem:$0x41A0] =	vst v41;
	v29 =	vsel vm14, v53, v47;
	v24 =	vsel vm15, v53, v54;
	v59 =	vnsel vm8, $0x0, v57  }
0x174: {  	[tilespmem:$0x4180] =	vst v39;
	v30 =	vsel vm6, v53, v58;
	v60 =	vnsel vm10, $0x0, v57;
	v61 =	vnsel vm12, $0x0, v57  }
0x175: {  	[tilespmem:$0x4190] =	vst v40;
	vm14 =	veq.s32 v56, v18;
	v47 =	vperm.xlane v20, v8;
	v54 =	vperm.xlane v22, v9  }
0x176: {  	[tilespmem:$0x41B0] =	vst v35;
	vm15 =	veq.s32 v55, v18;
	v55 =	vperm.xlane v20, v9;
	v56 =	vperm.xlane v21, v9  }
0x177: {  	[tilespmem:$0x4300] =	vst v51;
	v51 =	vperm.xlane v22, v11;
	v31 =	vsel vm9, v50, v59;
	v33 =	vsel vm11, v50, v60  }
0x178: {  	[tilespmem:$0x4200] =	vst v36;
	v28 =	vnsel vm15, $0x0, v57;
	v36 =	vsel vm13, v50, v61;
	v48 =	vsub.f32 $1.000000000e+00, v62  }
0x179: {  	[tilespmem:$0x4210] =	vst v44;
	vm4 =	veq.s32 v63, v13;
	vm7 =	veq.s32 v63, v16;
	vm9 =	veq.s32 v63, v17  }
0x17a: {  	[tilespmem:$0x4280] =	vst v38;
	vm10 =	veq.s32 v63, v18;
	v60 =	vperm.xlane v22, v10;
	v63 =	vperm.xlane v21, v10  }
0x17b: {  	[tilespmem:$0x42A0] =	vst v43;
	v28 =	vsel vm14, v50, v28;
	vm5 =	veq.s32 v47, v13;
	vm6 =	veq.s32 v47, v16  }
0x17c: {  	[tilespmem:$0x4220] =	vst v46;
	vm8 =	veq.s32 v47, v17;
	vm11 =	veq.s32 v47, v18;
	v57 =	vsub.f32 $1.000000000e+00, v54  }
0x17d: {  	[tilespmem:$0x4230] =	vst v37;
	vm12 =	veq.s32 v55, v13;
	vm13 =	veq.s32 v56, v13;
	vm14 =	veq.s32 v55, v16  }
0x17e: {  	[tilespmem:$0x4290] =	vst v42;
	vm15 =	veq.s32 v56, v16;
	v49 =	vnsel vm5, $0x0, v48;
	v50 =	vnsel vm6, $0x0, v48  }
0x17f: {  	[tilespmem:$0x42B0] =	vst v45;
	v53 =	vnsel vm8, $0x0, v48;
	v32 =	vnsel vm11, $0x0, v48;
	vm6 =	veq.s32 v56, v17  }
0x180: {  	[tilespmem:$0x4310] =	vst v52;
	vm8 =	veq.s32 v56, v18;
	v44 =	vsub.f32 $1.000000000e+00, v60;
	vm11 =	veq.s32 v63, v13  }
0x181: {  	[tilespmem:$0x4320] =	vst v23;
	v37 =	vsel vm4, v62, v49;
	v39 =	vsel vm7, v62, v50;
	v38 =	vsel vm9, v62, v53  }
0x182: {  	[tilespmem:$0x4330] =	vst v27;
	v26 =	vsel vm10, v62, v32;
	v58 =	vnsel vm12, $0x0, v57;
	v59 =	vnsel vm14, $0x0, v57  }
0x183: {  	[tilespmem:$0x4380] =	vst v25;
	vm7 =	veq.s32 v55, v17;
	v62 =	vperm.xlane v20, v10;
	vm9 =	veq.s32 v55, v18  }
0x184: {  	[tilespmem:$0x4390] =	vst v29;
	vm4 =	veq.s32 v63, v18;
	v53 =	vperm.xlane v21, v11;
	v55 =	vsub.f32 $1.000000000e+00, v51  }
0x185: {  	[tilespmem:$0x43A0] =	vst v24;
	v32 =	vsel vm13, v54, v58;
	v61 =	vnsel vm7, $0x0, v57;
	v45 =	vsel vm15, v54, v59  }
0x186: {  	[tilespmem:$0x43B0] =	vst v30;
	v46 =	vnsel vm9, $0x0, v57;
	vm13 =	veq.s32 v63, v16;
	vm15 =	veq.s32 v63, v17  }
0x187: {  	[tilespmem:$0x4400] =	vst v31;
	v27 =	vsel vm6, v54, v61;
	vm10 =	veq.s32 v62, v13;
	v24 =	vsel vm8, v54, v46  }
0x188: {  	[tilespmem:$0x4410] =	vst v33;
	vm12 =	veq.s32 v62, v16;
	vm14 =	veq.s32 v62, v17;
	vm5 =	veq.s32 v62, v18  }
0x189: {  	[tilespmem:$0x4420] =	vst v36;
	v54 =	vperm.xlane v20, v11;
	vm6 =	veq.s32 v53, v13;
	v61 =	vperm.xlane v20, v12  }
0x18a: {  	vm9 =	veq.s32 v53, v16;
	[tilespmem:$0x4510] =	vst v45;
	v62 =	vperm.xlane v21, v12;
	v45 =	vperm.xlane v22, v14  }
0x18b: {  	[tilespmem:$0x4430] =	vst v28;
	v46 =	vperm.xlane v21, v14;
	v21 =	vperm.xlane v21, v15;
	v47 =	vnsel vm10, $0x0, v44  }
0x18c: {  	[tilespmem:$0x4480] =	vst v37;
	v49 =	vnsel vm12, $0x0, v44;
	v50 =	vnsel vm14, $0x0, v44;
	v52 =	vnsel vm5, $0x0, v44  }
0x18d: {  	[tilespmem:$0x4490] =	vst v39;
	vm10 =	veq.s32 v53, v17;
	vm12 =	veq.s32 v53, v18;
	v48 =	vsel vm11, v60, v47  }
0x18e: {  	[tilespmem:$0x44A0] =	vst v38;
	v31 =	vsel vm13, v60, v49;
	v33 =	vsel vm15, v60, v50;
	v23 =	vsel vm4, v60, v52  }
0x18f: {  	[tilespmem:$0x44B0] =	vst v26;
	vm7 =	veq.s32 v54, v13;
	vm8 =	veq.s32 v54, v16;
	v60 =	vperm.xlane v22, v12  }
0x190: {  	[tilespmem:$0x4500] =	vst v32;
	vm11 =	veq.s32 v54, v17;
	vm13 =	veq.s32 v54, v18;
	vm14 =	veq.s32 v61, v13  }
0x191: {  	[tilespmem:$0x4520] =	vst v27;
	vm15 =	veq.s32 v62, v13;
	vm4 =	veq.s32 v62, v16;
	vm5 =	veq.s32 v61, v16  }
0x192: {  	[tilespmem:$0x4530] =	vst v24;
	v47 =	vperm.xlane v20, v14;
	v49 =	vsub.f32 $1.000000000e+00, v45;
	v22 =	vperm.xlane v22, v15  }
0x193: {  	v20 =	vperm.xlane v20, v15;
	v56 =	vnsel vm7, $0x0, v55;
	v57 =	vnsel vm8, $0x0, v55;
	[tilespmem:$0x4580] =	vst v48  }
0x194: {  	v35 =	vnsel vm11, $0x0, v55;
	v38 =	vnsel vm13, $0x0, v55;
	[tilespmem:$0x4590] =	vst v31;
	vm7 =	veq.s32 v62, v17  }
0x195: {  	[tilespmem:$0x45A0] =	vst v33;
	vm8 =	veq.s32 v61, v18;
	v58 =	vsel vm6, v51, v56;
	v59 =	vsel vm9, v51, v57  }
0x196: {  	[tilespmem:$0x45B0] =	vst v23;
	v63 =	vsub.f32 $1.000000000e+00, v60;
	v27 =	vsel vm10, v51, v35;
	v24 =	vsel vm12, v51, v38  }
0x197: {  	vm6 =	veq.s32 v61, v17;
	vm9 =	veq.s32 v62, v18;
	vm10 =	veq.s32 v46, v13;
	[tilespmem:$0x4600] =	vst v58  }
0x198: {  	vm11 =	veq.s32 v47, v13;
	vm12 =	veq.s32 v46, v16;
	vm13 =	veq.s32 v47, v16;
	[tilespmem:$0x4610] =	vst v59  }
0x199: {  	[tilespmem:$0x4620] =	vst v27;
	v51 =	vnsel vm11, $0x0, v49;
	v52 =	vnsel vm13, $0x0, v49;
	v59 =	vsub.f32 $1.000000000e+00, v22  }
0x19a: {  	[tilespmem:$0x4630] =	vst v24;
	vm11 =	veq.s32 v21, v16;
	vm13 =	veq.s32 v21, v17;
	v53 =	vsel vm10, v45, v51  }
0x19b: {  	v39 =	vnsel vm14, $0x0, v63;
	v41 =	vnsel vm5, $0x0, v63;
	v54 =	vsel vm12, v45, v52;
	[tilespmem:$0x4700] =	vst v53  }
0x19c: {  	v42 =	vnsel vm6, $0x0, v63;
	v48 =	vnsel vm8, $0x0, v63;
	v40 =	vsel vm15, v60, v39;
	[tilespmem:$0x4710] =	vst v54  }
0x19d: {  	vm14 =	veq.s32 v46, v17;
	vm6 =	veq.s32 v47, v17;
	v43 =	vsel vm4, v60, v41;
	[tilespmem:$0x4680] =	vst v40  }
0x19e: {  	vm10 =	veq.s32 v20, v16;
	vm12 =	veq.s32 v20, v17;
	v44 =	vsel vm7, v60, v42;
	[tilespmem:$0x4690] =	vst v43  }
0x19f: {  	v50 =	vsel vm9, v60, v48;
	vm15 =	veq.s32 v46, v18;
	v55 =	vnsel vm6, $0x0, v49;
	[tilespmem:$0x46A0] =	vst v44  }
0x1a0: {  	vm7 =	veq.s32 v47, v18;
	v61 =	vnsel vm10, $0x0, v59;
	[tilespmem:$0x46B0] =	vst v50;
	v57 =	vsel vm14, v45, v55  }
0x1a1: {  	vm9 =	veq.s32 v20, v13;
	v62 =	vnsel vm12, $0x0, v59;
	v24 =	vsel vm11, v22, v61;
	[tilespmem:$0x4720] =	vst v57  }
0x1a2: {  	v56 =	vnsel vm7, $0x0, v49;
	vm14 =	veq.s32 v20, v18;
	v20 =	vsel vm13, v22, v62;
	[tilespmem:$0x4790] =	vst v24  }
0x1a3: {  	vm8 =	veq.s32 v21, v13;
	v60 =	vnsel vm9, $0x0, v59;
	v58 =	vsel vm15, v45, v56;
	[tilespmem:$0x47A0] =	vst v20  }
0x1a4: {  	v23 =	vsel vm8, v22, v60;
	vm15 =	veq.s32 v21, v18;
	v63 =	vnsel vm14, $0x0, v59;
	[tilespmem:$0x4730] =	vst v58  }
0x1a5: {  	p0 =	sne.s32 s29, $0x1;
	[tilespmem:$0x4780] =	vst v23;
	v20 =	vsel vm15, v22, v63  }
.Ltmp1:
0x1a6: {  	[tilespmem:$0x47B0] =	vst v20;
	(pc) =	sbr.rel @p0 .LBB2_2-.Ltmp1, $4  }
0x1a7: {  	[hbm4b:s26+s2] =	stream.linear.scatter [tilespmem:s0], [sflag:$0x1], $0x800, $0x38;
	[tilespmem:$0x4800] =	vst v63  }
0x1a8: {  	_ =	swait.ge [sflag:s31], $0x800  }
0x1a9: {  	[sflag:s31] =	ssyncset.done $0x0  }
0x1aa: {  	s29 =	sadd.s32 $0xFFFFFFFF, s29;
	[sflag:s31] =	ssyncadd.s32 $0xFFFFF800  }
.LBB2_3:
0x1ab: {  	_ =	sfence.sel $0x180000  }
0x1ac: {  	[bflag:$0x0] =	sbarrier.arrive $0xFFFF  }
0x1ad: {  	_ =	strace $0x90000047  }
0x1ae: {  	s0 =	stileid.u32;
	[bflag:$0x2] =	sbarrier.arrive $0xFFFF  }
0x1af: {  	p0 =	sne.s32 s0, $0x0;
	s0 =	rddreg [dreg:$0x2]  }
0x1b0: {  	s0 =	sadd.s32 @!p0 $0x100000, s0  }
0x1b1: {  	[sflag:s0] =	ssyncadd.tile.s32 @!p0 $0x1;
	_ =	shalt  }
.Lfunc_end2:
_tile_overlayer_lowered:
.L_overlay_start_2:
0x1b2: {  	(tag) =	ssettag $0x2  }
0x1b3: {  	s0 =	rddreg [dreg:$0x0];
	s2 =	stileid.u32  }
0x1b4: {  	s1 =	rddreg [dreg:$0x1];
	p0 =	sne.s32 s2, $0x0  }
0x1b5: {  	s3 =	rddreg [dreg:$0x2];
	[bflag:$0x3] =	sbarrier.arrive $0xFFFF;
	s2 =	simm.s32 @!p0 $0x1C01  }
0x1b6: {  	[timem:s3], [sflag:s2] =	dma.local @!p0 [hbm:s0], s1  }
0x1b7: {  	s0 =	simm.s32 @!p0 $0x1  }
0x1b8: {  	_ =	swait.ge @!p0 [sflag:s0], s1  }
0x1b9: {  	s1 =	ssub.s32 @!p0 $0x0, s1;
	[sflag:s0] =	ssyncset.done @!p0 $0x0  }
0x1ba: {  	[sflag:s0] =	ssyncadd.s32 @!p0 s1  }
0x1bb: {  	[bflag:$0x3] =	sbarrier.arrive $0xFFFF  }
0x1bc: {  	_ =	shalt  }

</sc_bundles>
